<compile_context>
chip_gen: v7x
topology: tpu7x:2x2x1
jax: 0.10.2.dev20260603
libtpu: 0.0.44.dev20260713+nightly
codegen_flags: <defaults>
</compile_context>

<pallas_src>
import functools

import jax
import jax.numpy as jnp
from jax import lax
from jax.experimental import pallas as pl
from jax.experimental.pallas import tpu as pltpu
from jax.experimental.pallas import tpu_sc as plsc

N_NODES = 100000
N_EDGES = 6400000
IN_CH = 10
HID = 16
PAD_CH = 16

NC = 2
NS = 16
NW = NC * NS
K = 400
CHUNKS = N_EDGES // K
CH_PW = CHUNKS // NW
STRIPE = 6256
N_PAD = STRIPE * NS


def _sc_accumulate(xpad, src2, dst2, zeros_stripe):
    mesh = plsc.VectorSubcoreMesh(core_axis_name="c", subcore_axis_name="s")

    @functools.partial(
        pl.kernel,
        out_type=jax.ShapeDtypeStruct((NC, N_PAD, PAD_CH), jnp.float32),
        mesh=mesh,
        scratch_types=[
            pltpu.VMEM((4, K), jnp.int32),
            pltpu.VMEM((4, K), jnp.int32),
            pltpu.VMEM((4, K, PAD_CH), jnp.float32),
            pltpu.VMEM_SHARED((N_PAD, PAD_CH), jnp.float32),
            pltpu.SemaphoreType.DMA((4,)),
            pltpu.SemaphoreType.DMA((4,)),
            pltpu.SemaphoreType.DMA((4,)),
        ],
        compiler_params=pltpu.CompilerParams(use_tc_tiling_on_sc=False),
    )
    def sck(xpad_hbm, src_hbm, dst_hbm, zeros_hbm, out_hbm,
            sv, dv, rows, accum, isem, gsem, ssem):
        c = lax.axis_index("c")
        s = lax.axis_index("s")
        w = s * NC + c

        pltpu.sync_copy(zeros_hbm, accum.at[pl.ds(s * STRIPE, STRIPE)])
        plsc.subcore_barrier()

        start = w * CH_PW

        def fire_idx(i, lc):
            pltpu.async_copy(src_hbm.at[start + lc], sv.at[i], isem.at[i])
            pltpu.async_copy(dst_hbm.at[start + lc], dv.at[i], isem.at[i])

        def drain_idx(i):
            pltpu.make_async_copy(src_hbm.at[0], sv.at[i], isem.at[i]).wait()
            pltpu.make_async_copy(src_hbm.at[0], dv.at[i], isem.at[i]).wait()

        def fire_gath(i):
            pltpu.async_copy(xpad_hbm.at[sv.at[i]], rows.at[i], gsem.at[i])

        def fire_scat(i):
            pltpu.async_copy(rows.at[i], accum.at[dv.at[i]], ssem.at[i],
                             add=True)

        def drain_rows(i, sem):
            pltpu.make_async_copy(xpad_hbm.at[pl.ds(0, K)], rows.at[i],
                                  sem.at[i]).wait()

        def step(lc, q, scat_drain, idx_fire, gath_fire):
            i, j1, j2 = q, (q + 1) % 4, (q + 2) % 4
            drain_rows(i, gsem)
            fire_scat(i)
            if scat_drain:
                drain_rows(j2, ssem)
            if idx_fire:
                fire_idx(j2, lc + 2)
            if gath_fire:
                drain_idx(j1)
                fire_gath(j1)

        fire_idx(0, 0)
        fire_idx(1, 1)
        drain_idx(0)
        fire_gath(0)
        step(0, 0, False, True, True)
        step(1, 1, False, True, True)
        step(2, 2, True, True, True)
        step(3, 3, True, True, True)

        @pl.loop(1, CH_PW // 4 - 1)
        def _(t):
            lc = 4 * t
            step(lc + 0, 0, True, True, True)
            step(lc + 1, 1, True, True, True)
            step(lc + 2, 2, True, True, True)
            step(lc + 3, 3, True, True, True)

        last = CH_PW - 4
        step(last + 0, 0, True, True, True)
        step(last + 1, 1, True, True, True)
        step(last + 2, 2, True, False, True)
        step(last + 3, 3, True, False, False)
        drain_rows(2, ssem)
        drain_rows(3, ssem)

        plsc.subcore_barrier()
        pltpu.sync_copy(accum.at[pl.ds(s * STRIPE, STRIPE)],
                        out_hbm.at[c, pl.ds(s * STRIPE, STRIPE)])

    return sck(xpad, src2, dst2, zeros_stripe)


def _tc_finish_body(p_ref, x_ref, wl_ref, wr_ref, bl_ref, o_ref):
    sums = p_ref[0] + p_ref[1]
    cnt = jnp.maximum(sums[:, IN_CH:IN_CH + 1], 1.0)
    mean = sums[:, :IN_CH] / cnt
    o_ref[...] = (
        jnp.dot(mean, wl_ref[...], preferred_element_type=jnp.float32)
        + bl_ref[...]
        + jnp.dot(x_ref[...], wr_ref[...], preferred_element_type=jnp.float32)
    )


def _tc_finish(partial, x, W_l, W_r, b_l):
    B = 4000
    grid = (N_NODES // B,)
    return pl.pallas_call(
        _tc_finish_body,
        grid=grid,
        in_specs=[
            pl.BlockSpec((NC, B, PAD_CH), lambda i: (0, i, 0)),
            pl.BlockSpec((B, IN_CH), lambda i: (i, 0)),
            pl.BlockSpec((IN_CH, HID), lambda i: (0, 0)),
            pl.BlockSpec((IN_CH, HID), lambda i: (0, 0)),
            pl.BlockSpec((1, HID), lambda i: (0, 0)),
        ],
        out_specs=pl.BlockSpec((B, HID), lambda i: (i, 0)),
        out_shape=jax.ShapeDtypeStruct((N_NODES, HID), jnp.float32),
    )(partial, x, W_l, W_r, b_l.reshape(1, HID))


def kernel(x, edge_index, W_l, W_r, b_l):
    src = edge_index[0].astype(jnp.int32).reshape(CHUNKS, K)
    dst = edge_index[1].astype(jnp.int32).reshape(CHUNKS, K)
    xpad = jnp.concatenate(
        [x,
         jnp.ones((N_NODES, 1), jnp.float32),
         jnp.zeros((N_NODES, PAD_CH - IN_CH - 1), jnp.float32)],
        axis=1,
    )
    zeros_stripe = jnp.zeros((STRIPE, PAD_CH), jnp.float32)
    partial = _sc_accumulate(xpad, src, dst, zeros_stripe)
    return _tc_finish(partial, x, W_l, W_r, b_l)

# --- scband reference (transcript-rebuilt; emitter-appended) ---
"""Pipeline reference for scband-extractor-39032662786373 (READ-ONLY COPY).

The authoritative reference and input builder live on the scoring server;
editing this copy changes nothing except your own understanding.
"""

import jax, jax.numpy as jnp
import numpy as np

HIDDEN_NEURONS = 16
IN_CH = 10
N_NODES = 100000
N_EDGES = 6400000


def setup_inputs(seed: int = 0) -> dict:
    key = jax.random.key(seed)
    k1, k2, k3, k4, k5 = jax.random.split(key, 5)
    x = jax.random.normal(k1, (N_NODES, IN_CH), dtype=jnp.float32)
    edge_index = jax.random.randint(k2, (2, N_EDGES), 0, N_NODES, dtype=jnp.int64)
    # SAGEConv params: lin_l applied to mean-aggregated neighbor features (has bias),
    # lin_r applied to root/self features (no bias), per PyG SAGEConv defaults.
    scale = 1.0 / np.sqrt(IN_CH)
    W_l = jax.random.uniform(k3, (IN_CH, HIDDEN_NEURONS), dtype=jnp.float32, minval=-scale, maxval=scale)
    W_r = jax.random.uniform(k4, (IN_CH, HIDDEN_NEURONS), dtype=jnp.float32, minval=-scale, maxval=scale)
    b_l = jax.random.uniform(k5, (HIDDEN_NEURONS,), dtype=jnp.float32, minval=-scale, maxval=scale)
    return {"x": x, "edge_index": edge_index, "W_l": W_l, "W_r": W_r, "b_l": b_l}


def reference(x, edge_index, W_l, W_r, b_l):
    # SAGEConv with mean aggregation:
    #   out[i] = W_l^T * mean_{j in N(i)} x[j] + b_l + W_r^T * x[i]
    src = edge_index[0]
    dst = edge_index[1]
    n = x.shape[0]
    msgs = jnp.take(x, src, axis=0)                              # gather [E, IN_CH]
    summed = jax.ops.segment_sum(msgs, dst, num_segments=n)      # scatter-add [N, IN_CH]
    counts = jax.ops.segment_sum(jnp.ones((msgs.shape[0],), dtype=x.dtype), dst, num_segments=n)
    mean_agg = summed / jnp.clip(counts, 1.0)[:, None]
    out = mean_agg @ W_l + b_l + x @ W_r
    return out

if __name__ == "__main__":
    import jax
    _d = setup_inputs()
    print(jax.jit(kernel)(*tuple(_d.values())))

</pallas_src>

<mosaic_0001>
#map = affine_map<(d0, d1) -> (0, 0)>
#map1 = affine_map<(d0, d1) -> (0, 0, 0)>
module attributes {stable_mosaic.version = 14 : i64} {
  func.func @sck(%arg0: i32, %arg1: i32, %arg2: memref<100000x16xf32, #tpu.memory_space<hbm>>, %arg3: memref<16000x400xi32, #tpu.memory_space<hbm>>, %arg4: memref<16000x400xi32, #tpu.memory_space<hbm>>, %arg5: memref<6256x16xf32, #tpu.memory_space<hbm>>, %arg6: memref<2x100096x16xf32, #tpu.memory_space<hbm>>, %arg7: memref<4x400xi32, #tpu.memory_space<vmem>>, %arg8: memref<4x400xi32, #tpu.memory_space<vmem>>, %arg9: memref<4x400x16xf32, #tpu.memory_space<vmem>>, %arg10: memref<100096x16xf32, #tpu.memory_space<vmem_shared>>, %arg11: memref<4x!tpu.dma_semaphore, #tpu.memory_space<semaphore_mem>>, %arg12: memref<4x!tpu.dma_semaphore, #tpu.memory_space<semaphore_mem>>, %arg13: memref<4x!tpu.dma_semaphore, #tpu.memory_space<semaphore_mem>>) attributes {dimension_semantics = [#tpu.dimension_semantics<core_parallel>, #tpu.dimension_semantics<subcore_parallel>], iteration_bounds = array<i64: 2, 16>, scalar_prefetch = 0 : i64, scratch_operands = 7 : i64, tpu.core_type = #tpu.core_type<sc_vector_subcore>, window_params = [{transform_indices = #map}, {transform_indices = #map}, {transform_indices = #map}, {transform_indices = #map}, {transform_indices = #map1}]} {
    %mul3A = arith.constant 2 : i32
    %mul3A_0 = arith.muli %arg1, %mul3A : i32
    %add3A = arith.addi %mul3A_0, %arg0 : i32
    %mul3A_1 = arith.constant 6256 : i32
    %mul3A_2 = arith.muli %arg1, %mul3A_1 : i32
    "tpu.region"() ({
      %run_scoped3A = tpu.sem_alloc : memref<!tpu.dma_semaphore, #tpu.memory_space<semaphore_mem>>
      %dma_start3A_1100 = arith.constant 0 : i32
      %dma_start3A_1101 = tpu.memref_slice %arg10[%mul3A_2, %dma_start3A_1100] : memref<100096x16xf32, #tpu.memory_space<vmem_shared>> -> memref<6256x16xf32, #tpu.memory_space<vmem_shared>>
      tpu.enqueue_dma source(%arg5 : memref<6256x16xf32, #tpu.memory_space<hbm>>) target(%dma_start3A_1101 : memref<6256x16xf32, #tpu.memory_space<vmem_shared>>) target_semaphore(%run_scoped3A : memref<!tpu.dma_semaphore, #tpu.memory_space<semaphore_mem>>)
      %dma_wait3A_1102 = arith.constant 0 : i32
      %dma_wait3A_1103 = tpu.memref_slice %arg10[%mul3A_2, %dma_wait3A_1102] : memref<100096x16xf32, #tpu.memory_space<vmem_shared>> -> memref<6256x16xf32, #tpu.memory_space<vmem_shared>>
      tpu.wait_dma2 semaphore(%run_scoped3A : memref<!tpu.dma_semaphore, #tpu.memory_space<semaphore_mem>>) src(%arg5 : memref<6256x16xf32, #tpu.memory_space<hbm>>) dst(%dma_wait3A_1103 : memref<6256x16xf32, #tpu.memory_space<vmem_shared>>)
      tpu.yield
    }) : () -> ()
    %barrier3A = arith.constant 0 : index
    tpu.barrier barrier_id(%barrier3A)
    %mul3A_3 = arith.constant 500 : i32
    %mul3A_4 = arith.muli %add3A, %mul3A_3 : i32
    %add3A_5 = arith.constant 0 : i32
    %add3A_6 = arith.addi %mul3A_4, %add3A_5 : i32
    %dma_start3A = arith.constant 0 : i32
    %dma_start3A_7 = arith.constant 0 : i32
    %dma_start3A_8 = arith.constant 0 : i32
    %dma_start3A_9 = tpu.memref_slice %arg7[%dma_start3A, %dma_start3A_8] : memref<4x400xi32, #tpu.memory_space<vmem>> -> memref<1x400xi32, #tpu.memory_space<vmem>>
    %dma_start3A_10 = tpu.memref_squeeze %dma_start3A_9 : memref<1x400xi32, #tpu.memory_space<vmem>> -> memref<400xi32, #tpu.memory_space<vmem>>
    %dma_start3A_11 = arith.constant 0 : i32
    %dma_start3A_12 = tpu.memref_slice %arg3[%add3A_6, %dma_start3A_11] : memref<16000x400xi32, #tpu.memory_space<hbm>> -> memref<1x400xi32, #tpu.memory_space<hbm>>
    %dma_start3A_13 = tpu.memref_squeeze %dma_start3A_12 : memref<1x400xi32, #tpu.memory_space<hbm>> -> memref<400xi32, #tpu.memory_space<hbm>>
    %dma_start3A_14 = tpu.memref_slice %arg11[%dma_start3A_7] : memref<4x!tpu.dma_semaphore, #tpu.memory_space<semaphore_mem>> -> memref<1x!tpu.dma_semaphore, #tpu.memory_space<semaphore_mem>>
    %dma_start3A_15 = tpu.memref_squeeze %dma_start3A_14 : memref<1x!tpu.dma_semaphore, #tpu.memory_space<semaphore_mem>> -> memref<!tpu.dma_semaphore, #tpu.memory_space<semaphore_mem>>
    %dma_start3A_16 = arith.constant 0 : i32
    %dma_start3A_17 = tpu.memref_slice %arg7[%dma_start3A, %dma_start3A_16] : memref<4x400xi32, #tpu.memory_space<vmem>> -> memref<1x400xi32, #tpu.memory_space<vmem>>
    %dma_start3A_18 = tpu.memref_squeeze %dma_start3A_17 : memref<1x400xi32, #tpu.memory_space<vmem>> -> memref<400xi32, #tpu.memory_space<vmem>>
    %dma_start3A_19 = arith.constant 0 : i32
    %dma_start3A_20 = tpu.memref_slice %arg3[%add3A_6, %dma_start3A_19] : memref<16000x400xi32, #tpu.memory_space<hbm>> -> memref<1x400xi32, #tpu.memory_space<hbm>>
    %dma_start3A_21 = tpu.memref_squeeze %dma_start3A_20 : memref<1x400xi32, #tpu.memory_space<hbm>> -> memref<400xi32, #tpu.memory_space<hbm>>
    tpu.enqueue_dma source(%dma_start3A_21 : memref<400xi32, #tpu.memory_space<hbm>>) target(%dma_start3A_18 : memref<400xi32, #tpu.memory_space<vmem>>) target_semaphore(%dma_start3A_15 : memref<!tpu.dma_semaphore, #tpu.memory_space<semaphore_mem>>)
    %add3A_22 = arith.constant 0 : i32
    %add3A_23 = arith.addi %mul3A_4, %add3A_22 : i32
    %dma_start3A_24 = arith.constant 0 : i32
    %dma_start3A_25 = arith.constant 0 : i32
    %dma_start3A_26 = arith.constant 0 : i32
    %dma_start3A_27 = tpu.memref_slice %arg8[%dma_start3A_24, %dma_start3A_26] : memref<4x400xi32, #tpu.memory_space<vmem>> -> memref<1x400xi32, #tpu.memory_space<vmem>>
    %dma_start3A_28 = tpu.memref_squeeze %dma_start3A_27 : memref<1x400xi32, #tpu.memory_space<vmem>> -> memref<400xi32, #tpu.memory_space<vmem>>
    %dma_start3A_29 = arith.constant 0 : i32
    %dma_start3A_30 = tpu.memref_slice %arg4[%add3A_23, %dma_start3A_29] : memref<16000x400xi32, #tpu.memory_space<hbm>> -> memref<1x400xi32, #tpu.memory_space<hbm>>
    %dma_start3A_31 = tpu.memref_squeeze %dma_start3A_30 : memref<1x400xi32, #tpu.memory_space<hbm>> -> memref<400xi32, #tpu.memory_space<hbm>>
    %dma_start3A_32 = tpu.memref_slice %arg11[%dma_start3A_25] : memref<4x!tpu.dma_semaphore, #tpu.memory_space<semaphore_mem>> -> memref<1x!tpu.dma_semaphore, #tpu.memory_space<semaphore_mem>>
    %dma_start3A_33 = tpu.memref_squeeze %dma_start3A_32 : memref<1x!tpu.dma_semaphore, #tpu.memory_space<semaphore_mem>> -> memref<!tpu.dma_semaphore, #tpu.memory_space<semaphore_mem>>
    %dma_start3A_34 = arith.constant 0 : i32
    %dma_start3A_35 = tpu.memref_slice %arg8[%dma_start3A_24, %dma_start3A_34] : memref<4x400xi32, #tpu.memory_space<vmem>> -> memref<1x400xi32, #tpu.memory_space<vmem>>
    %dma_start3A_36 = tpu.memref_squeeze %dma_start3A_35 : memref<1x400xi32, #tpu.memory_space<vmem>> -> memref<400xi32, #tpu.memory_space<vmem>>
    %dma_start3A_37 = arith.constant 0 : i32
    %dma_start3A_38 = tpu.memref_slice %arg4[%add3A_23, %dma_start3A_37] : memref<16000x400xi32, #tpu.memory_space<hbm>> -> memref<1x400xi32, #tpu.memory_space<hbm>>
    %dma_start3A_39 = tpu.memref_squeeze %dma_start3A_38 : memref<1x400xi32, #tpu.memory_space<hbm>> -> memref<400xi32, #tpu.memory_space<hbm>>
    tpu.enqueue_dma source(%dma_start3A_39 : memref<400xi32, #tpu.memory_space<hbm>>) target(%dma_start3A_36 : memref<400xi32, #tpu.memory_space<vmem>>) target_semaphore(%dma_start3A_33 : memref<!tpu.dma_semaphore, #tpu.memory_space<semaphore_mem>>)
    %add3A_40 = arith.constant 1 : i32
    %add3A_41 = arith.addi %mul3A_4, %add3A_40 : i32
    %dma_start3A_42 = arith.constant 1 : i32
    %dma_start3A_43 = arith.constant 1 : i32
    %dma_start3A_44 = arith.constant 0 : i32
    %dma_start3A_45 = tpu.memref_slice %arg7[%dma_start3A_42, %dma_start3A_44] : memref<4x400xi32, #tpu.memory_space<vmem>> -> memref<1x400xi32, #tpu.memory_space<vmem>>
    %dma_start3A_46 = tpu.memref_squeeze %dma_start3A_45 : memref<1x400xi32, #tpu.memory_space<vmem>> -> memref<400xi32, #tpu.memory_space<vmem>>
    %dma_start3A_47 = arith.constant 0 : i32
    %dma_start3A_48 = tpu.memref_slice %arg3[%add3A_41, %dma_start3A_47] : memref<16000x400xi32, #tpu.memory_space<hbm>> -> memref<1x400xi32, #tpu.memory_space<hbm>>
    %dma_start3A_49 = tpu.memref_squeeze %dma_start3A_48 : memref<1x400xi32, #tpu.memory_space<hbm>> -> memref<400xi32, #tpu.memory_space<hbm>>
    %dma_start3A_50 = tpu.memref_slice %arg11[%dma_start3A_43] : memref<4x!tpu.dma_semaphore, #tpu.memory_space<semaphore_mem>> -> memref<1x!tpu.dma_semaphore, #tpu.memory_space<semaphore_mem>>
    %dma_start3A_51 = tpu.memref_squeeze %dma_start3A_50 : memref<1x!tpu.dma_semaphore, #tpu.memory_space<semaphore_mem>> -> memref<!tpu.dma_semaphore, #tpu.memory_space<semaphore_mem>>
    %dma_start3A_52 = arith.constant 0 : i32
    %dma_start3A_53 = tpu.memref_slice %arg7[%dma_start3A_42, %dma_start3A_52] : memref<4x400xi32, #tpu.memory_space<vmem>> -> memref<1x400xi32, #tpu.memory_space<vmem>>
    %dma_start3A_54 = tpu.memref_squeeze %dma_start3A_53 : memref<1x400xi32, #tpu.memory_space<vmem>> -> memref<400xi32, #tpu.memory_space<vmem>>
    %dma_start3A_55 = arith.constant 0 : i32
    %dma_start3A_56 = tpu.memref_slice %arg3[%add3A_41, %dma_start3A_55] : memref<16000x400xi32, #tpu.memory_space<hbm>> -> memref<1x400xi32, #tpu.memory_space<hbm>>
    %dma_start3A_57 = tpu.memref_squeeze %dma_start3A_56 : memref<1x400xi32, #tpu.memory_space<hbm>> -> memref<400xi32, #tpu.memory_space<hbm>>
    tpu.enqueue_dma source(%dma_start3A_57 : memref<400xi32, #tpu.memory_space<hbm>>) target(%dma_start3A_54 : memref<400xi32, #tpu.memory_space<vmem>>) target_semaphore(%dma_start3A_51 : memref<!tpu.dma_semaphore, #tpu.memory_space<semaphore_mem>>)
    %add3A_58 = arith.constant 1 : i32
    %add3A_59 = arith.addi %mul3A_4, %add3A_58 : i32
    %dma_start3A_60 = arith.constant 1 : i32
    %dma_start3A_61 = arith.constant 1 : i32
    %dma_start3A_62 = arith.constant 0 : i32
    %dma_start3A_63 = tpu.memref_slice %arg8[%dma_start3A_60, %dma_start3A_62] : memref<4x400xi32, #tpu.memory_space<vmem>> -> memref<1x400xi32, #tpu.memory_space<vmem>>
    %dma_start3A_64 = tpu.memref_squeeze %dma_start3A_63 : memref<1x400xi32, #tpu.memory_space<vmem>> -> memref<400xi32, #tpu.memory_space<vmem>>
    %dma_start3A_65 = arith.constant 0 : i32
    %dma_start3A_66 = tpu.memref_slice %arg4[%add3A_59, %dma_start3A_65] : memref<16000x400xi32, #tpu.memory_space<hbm>> -> memref<1x400xi32, #tpu.memory_space<hbm>>
    %dma_start3A_67 = tpu.memref_squeeze %dma_start3A_66 : memref<1x400xi32, #tpu.memory_space<hbm>> -> memref<400xi32, #tpu.memory_space<hbm>>
    %dma_start3A_68 = tpu.memref_slice %arg11[%dma_start3A_61] : memref<4x!tpu.dma_semaphore, #tpu.memory_space<semaphore_mem>> -> memref<1x!tpu.dma_semaphore, #tpu.memory_space<semaphore_mem>>
    %dma_start3A_69 = tpu.memref_squeeze %dma_start3A_68 : memref<1x!tpu.dma_semaphore, #tpu.memory_space<semaphore_mem>> -> memref<!tpu.dma_semaphore, #tpu.memory_space<semaphore_mem>>
    %dma_start3A_70 = arith.constant 0 : i32
    %dma_start3A_71 = tpu.memref_slice %arg8[%dma_start3A_60, %dma_start3A_70] : memref<4x400xi32, #tpu.memory_space<vmem>> -> memref<1x400xi32, #tpu.memory_space<vmem>>
    %dma_start3A_72 = tpu.memref_squeeze %dma_start3A_71 : memref<1x400xi32, #tpu.memory_space<vmem>> -> memref<400xi32, #tpu.memory_space<vmem>>
    %dma_start3A_73 = arith.constant 0 : i32
    %dma_start3A_74 = tpu.memref_slice %arg4[%add3A_59, %dma_start3A_73] : memref<16000x400xi32, #tpu.memory_space<hbm>> -> memref<1x400xi32, #tpu.memory_space<hbm>>
    %dma_start3A_75 = tpu.memref_squeeze %dma_start3A_74 : memref<1x400xi32, #tpu.memory_space<hbm>> -> memref<400xi32, #tpu.memory_space<hbm>>
    tpu.enqueue_dma source(%dma_start3A_75 : memref<400xi32, #tpu.memory_space<hbm>>) target(%dma_start3A_72 : memref<400xi32, #tpu.memory_space<vmem>>) target_semaphore(%dma_start3A_69 : memref<!tpu.dma_semaphore, #tpu.memory_space<semaphore_mem>>)
    %dma_wait3A = arith.constant 0 : i32
    %dma_wait3A_76 = arith.constant 0 : i32
    %dma_wait3A_77 = arith.constant 0 : i32
    %dma_wait3A_78 = arith.constant 0 : i32
    %dma_wait3A_79 = tpu.memref_slice %arg7[%dma_wait3A_76, %dma_wait3A_78] : memref<4x400xi32, #tpu.memory_space<vmem>> -> memref<1x400xi32, #tpu.memory_space<vmem>>
    %dma_wait3A_80 = tpu.memref_squeeze %dma_wait3A_79 : memref<1x400xi32, #tpu.memory_space<vmem>> -> memref<400xi32, #tpu.memory_space<vmem>>
    %dma_wait3A_81 = arith.constant 0 : i32
    %dma_wait3A_82 = tpu.memref_slice %arg3[%dma_wait3A, %dma_wait3A_81] : memref<16000x400xi32, #tpu.memory_space<hbm>> -> memref<1x400xi32, #tpu.memory_space<hbm>>
    %dma_wait3A_83 = tpu.memref_squeeze %dma_wait3A_82 : memref<1x400xi32, #tpu.memory_space<hbm>> -> memref<400xi32, #tpu.memory_space<hbm>>
    %dma_wait3A_84 = tpu.memref_slice %arg11[%dma_wait3A_77] : memref<4x!tpu.dma_semaphore, #tpu.memory_space<semaphore_mem>> -> memref<1x!tpu.dma_semaphore, #tpu.memory_space<semaphore_mem>>
    %dma_wait3A_85 = tpu.memref_squeeze %dma_wait3A_84 : memref<1x!tpu.dma_semaphore, #tpu.memory_space<semaphore_mem>> -> memref<!tpu.dma_semaphore, #tpu.memory_space<semaphore_mem>>
    %dma_wait3A_86 = arith.constant 0 : i32
    %dma_wait3A_87 = tpu.memref_slice %arg7[%dma_wait3A_76, %dma_wait3A_86] : memref<4x400xi32, #tpu.memory_space<vmem>> -> memref<1x400xi32, #tpu.memory_space<vmem>>
    %dma_wait3A_88 = tpu.memref_squeeze %dma_wait3A_87 : memref<1x400xi32, #tpu.memory_space<vmem>> -> memref<400xi32, #tpu.memory_space<vmem>>
    %dma_wait3A_89 = arith.constant 0 : i32
    %dma_wait3A_90 = tpu.memref_slice %arg3[%dma_wait3A, %dma_wait3A_89] : memref<16000x400xi32, #tpu.memory_space<hbm>> -> memref<1x400xi32, #tpu.memory_space<hbm>>
    %dma_wait3A_91 = tpu.memref_squeeze %dma_wait3A_90 : memref<1x400xi32, #tpu.memory_space<hbm>> -> memref<400xi32, #tpu.memory_space<hbm>>
    tpu.wait_dma2 semaphore(%dma_wait3A_85 : memref<!tpu.dma_semaphore, #tpu.memory_space<semaphore_mem>>) src(%dma_wait3A_91 : memref<400xi32, #tpu.memory_space<hbm>>) dst(%dma_wait3A_88 : memref<400xi32, #tpu.memory_space<vmem>>)
    %dma_wait3A_92 = arith.constant 0 : i32
    %dma_wait3A_93 = arith.constant 0 : i32
    %dma_wait3A_94 = arith.constant 0 : i32
    %dma_wait3A_95 = arith.constant 0 : i32
    %dma_wait3A_96 = tpu.memref_slice %arg8[%dma_wait3A_93, %dma_wait3A_95] : memref<4x400xi32, #tpu.memory_space<vmem>> -> memref<1x400xi32, #tpu.memory_space<vmem>>
    %dma_wait3A_97 = tpu.memref_squeeze %dma_wait3A_96 : memref<1x400xi32, #tpu.memory_space<vmem>> -> memref<400xi32, #tpu.memory_space<vmem>>
    %dma_wait3A_98 = arith.constant 0 : i32
    %dma_wait3A_99 = tpu.memref_slice %arg3[%dma_wait3A_92, %dma_wait3A_98] : memref<16000x400xi32, #tpu.memory_space<hbm>> -> memref<1x400xi32, #tpu.memory_space<hbm>>
    %dma_wait3A_100 = tpu.memref_squeeze %dma_wait3A_99 : memref<1x400xi32, #tpu.memory_space<hbm>> -> memref<400xi32, #tpu.memory_space<hbm>>
    %dma_wait3A_101 = tpu.memref_slice %arg11[%dma_wait3A_94] : memref<4x!tpu.dma_semaphore, #tpu.memory_space<semaphore_mem>> -> memref<1x!tpu.dma_semaphore, #tpu.memory_space<semaphore_mem>>
    %dma_wait3A_102 = tpu.memref_squeeze %dma_wait3A_101 : memref<1x!tpu.dma_semaphore, #tpu.memory_space<semaphore_mem>> -> memref<!tpu.dma_semaphore, #tpu.memory_space<semaphore_mem>>
    %dma_wait3A_103 = arith.constant 0 : i32
    %dma_wait3A_104 = tpu.memref_slice %arg8[%dma_wait3A_93, %dma_wait3A_103] : memref<4x400xi32, #tpu.memory_space<vmem>> -> memref<1x400xi32, #tpu.memory_space<vmem>>
    %dma_wait3A_105 = tpu.memref_squeeze %dma_wait3A_104 : memref<1x400xi32, #tpu.memory_space<vmem>> -> memref<400xi32, #tpu.memory_space<vmem>>
    %dma_wait3A_106 = arith.constant 0 : i32
    %dma_wait3A_107 = tpu.memref_slice %arg3[%dma_wait3A_92, %dma_wait3A_106] : memref<16000x400xi32, #tpu.memory_space<hbm>> -> memref<1x400xi32, #tpu.memory_space<hbm>>
    %dma_wait3A_108 = tpu.memref_squeeze %dma_wait3A_107 : memref<1x400xi32, #tpu.memory_space<hbm>> -> memref<400xi32, #tpu.memory_space<hbm>>
    tpu.wait_dma2 semaphore(%dma_wait3A_102 : memref<!tpu.dma_semaphore, #tpu.memory_space<semaphore_mem>>) src(%dma_wait3A_108 : memref<400xi32, #tpu.memory_space<hbm>>) dst(%dma_wait3A_105 : memref<400xi32, #tpu.memory_space<vmem>>)
    %dma_start3A_109 = arith.constant 0 : i32
    %dma_start3A_110 = arith.constant 0 : i32
    %dma_start3A_111 = arith.constant 0 : i32
    %dma_start3A_112 = arith.constant 0 : i32
    %dma_start3A_113 = arith.constant 0 : i32
    %dma_start3A_114 = tpu.memref_slice %arg9[%dma_start3A_110, %dma_start3A_112, %dma_start3A_113] : memref<4x400x16xf32, #tpu.memory_space<vmem>> -> memref<1x400x16xf32, #tpu.memory_space<vmem>>
    %dma_start3A_115 = tpu.memref_squeeze %dma_start3A_114 : memref<1x400x16xf32, #tpu.memory_space<vmem>> -> memref<400x16xf32, #tpu.memory_space<vmem>>
    %dma_start3A_116 = arith.constant 0 : i32
    %dma_start3A_117 = tpu.memref_slice %arg7[%dma_start3A_109, %dma_start3A_116] : memref<4x400xi32, #tpu.memory_space<vmem>> -> memref<1x400xi32, #tpu.memory_space<vmem>>
    %dma_start3A_118 = tpu.memref_squeeze %dma_start3A_117 : memref<1x400xi32, #tpu.memory_space<vmem>> -> memref<400xi32, #tpu.memory_space<vmem>>
    %dma_start3A_119 = arith.constant 0 : i32
    %dma_start3A_120 = arith.constant 0 : i32
    %dma_start3A_121 = tpu.memref_slice %arg2[%dma_start3A_119, %dma_start3A_120] : memref<100000x16xf32, #tpu.memory_space<hbm>> -> memref<100000x16xf32, #tpu.memory_space<hbm>>
    %dma_start3A_122 = tpu.memref_slice %arg12[%dma_start3A_111] : memref<4x!tpu.dma_semaphore, #tpu.memory_space<semaphore_mem>> -> memref<1x!tpu.dma_semaphore, #tpu.memory_space<semaphore_mem>>
    %dma_start3A_123 = tpu.memref_squeeze %dma_start3A_122 : memref<1x!tpu.dma_semaphore, #tpu.memory_space<semaphore_mem>> -> memref<!tpu.dma_semaphore, #tpu.memory_space<semaphore_mem>>
    tpu.enqueue_indirect_dma source(%dma_start3A_121 : memref<100000x16xf32, #tpu.memory_space<hbm>>) target(%dma_start3A_115 : memref<400x16xf32, #tpu.memory_space<vmem>>) offsets(%dma_start3A_118 : memref<400xi32, #tpu.memory_space<vmem>>) semaphore(%dma_start3A_123 : memref<!tpu.dma_semaphore, #tpu.memory_space<semaphore_mem>>)
    %dma_wait3A_124 = arith.constant 0 : i32
    %dma_wait3A_125 = arith.constant 0 : i32
    %dma_wait3A_126 = arith.constant 0 : i32
    %dma_wait3A_127 = arith.constant 0 : i32
    %dma_wait3A_128 = tpu.memref_slice %arg9[%dma_wait3A_124, %dma_wait3A_126, %dma_wait3A_127] : memref<4x400x16xf32, #tpu.memory_space<vmem>> -> memref<1x400x16xf32, #tpu.memory_space<vmem>>
    %dma_wait3A_129 = tpu.memref_squeeze %dma_wait3A_128 : memref<1x400x16xf32, #tpu.memory_space<vmem>> -> memref<400x16xf32, #tpu.memory_space<vmem>>
    %dma_wait3A_130 = arith.constant 0 : i32
    %dma_wait3A_131 = arith.constant 0 : i32
    %dma_wait3A_132 = tpu.memref_slice %arg2[%dma_wait3A_130, %dma_wait3A_131] : memref<100000x16xf32, #tpu.memory_space<hbm>> -> memref<400x16xf32, #tpu.memory_space<hbm>>
    %dma_wait3A_133 = tpu.memref_slice %arg12[%dma_wait3A_125] : memref<4x!tpu.dma_semaphore, #tpu.memory_space<semaphore_mem>> -> memref<1x!tpu.dma_semaphore, #tpu.memory_space<semaphore_mem>>
    %dma_wait3A_134 = tpu.memref_squeeze %dma_wait3A_133 : memref<1x!tpu.dma_semaphore, #tpu.memory_space<semaphore_mem>> -> memref<!tpu.dma_semaphore, #tpu.memory_space<semaphore_mem>>
    %dma_wait3A_135 = arith.constant 0 : i32
    %dma_wait3A_136 = arith.constant 0 : i32
    %dma_wait3A_137 = tpu.memref_slice %arg9[%dma_wait3A_124, %dma_wait3A_135, %dma_wait3A_136] : memref<4x400x16xf32, #tpu.memory_space<vmem>> -> memref<1x400x16xf32, #tpu.memory_space<vmem>>
    %dma_wait3A_138 = tpu.memref_squeeze %dma_wait3A_137 : memref<1x400x16xf32, #tpu.memory_space<vmem>> -> memref<400x16xf32, #tpu.memory_space<vmem>>
    %dma_wait3A_139 = arith.constant 0 : i32
    %dma_wait3A_140 = arith.constant 0 : i32
    %dma_wait3A_141 = tpu.memref_slice %arg2[%dma_wait3A_139, %dma_wait3A_140] : memref<100000x16xf32, #tpu.memory_space<hbm>> -> memref<400x16xf32, #tpu.memory_space<hbm>>
    tpu.wait_dma2 semaphore(%dma_wait3A_134 : memref<!tpu.dma_semaphore, #tpu.memory_space<semaphore_mem>>) src(%dma_wait3A_141 : memref<400x16xf32, #tpu.memory_space<hbm>>) dst(%dma_wait3A_138 : memref<400x16xf32, #tpu.memory_space<vmem>>)
    %dma_start3A_142 = arith.constant 0 : i32
    %dma_start3A_143 = arith.constant 0 : i32
    %dma_start3A_144 = arith.constant 0 : i32
    %dma_start3A_145 = arith.constant 0 : i32
    %dma_start3A_146 = arith.constant 0 : i32
    %dma_start3A_147 = tpu.memref_slice %arg9[%dma_start3A_142, %dma_start3A_145, %dma_start3A_146] : memref<4x400x16xf32, #tpu.memory_space<vmem>> -> memref<1x400x16xf32, #tpu.memory_space<vmem>>
    %dma_start3A_148 = tpu.memref_squeeze %dma_start3A_147 : memref<1x400x16xf32, #tpu.memory_space<vmem>> -> memref<400x16xf32, #tpu.memory_space<vmem>>
    %dma_start3A_149 = arith.constant 0 : i32
    %dma_start3A_150 = tpu.memref_slice %arg8[%dma_start3A_143, %dma_start3A_149] : memref<4x400xi32, #tpu.memory_space<vmem>> -> memref<1x400xi32, #tpu.memory_space<vmem>>
    %dma_start3A_151 = tpu.memref_squeeze %dma_start3A_150 : memref<1x400xi32, #tpu.memory_space<vmem>> -> memref<400xi32, #tpu.memory_space<vmem>>
    %dma_start3A_152 = arith.constant 0 : i32
    %dma_start3A_153 = arith.constant 0 : i32
    %dma_start3A_154 = tpu.memref_slice %arg10[%dma_start3A_152, %dma_start3A_153] : memref<100096x16xf32, #tpu.memory_space<vmem_shared>> -> memref<100096x16xf32, #tpu.memory_space<vmem_shared>>
    %dma_start3A_155 = tpu.memref_slice %arg13[%dma_start3A_144] : memref<4x!tpu.dma_semaphore, #tpu.memory_space<semaphore_mem>> -> memref<1x!tpu.dma_semaphore, #tpu.memory_space<semaphore_mem>>
    %dma_start3A_156 = tpu.memref_squeeze %dma_start3A_155 : memref<1x!tpu.dma_semaphore, #tpu.memory_space<semaphore_mem>> -> memref<!tpu.dma_semaphore, #tpu.memory_space<semaphore_mem>>
    tpu.enqueue_indirect_dma source(%dma_start3A_148 : memref<400x16xf32, #tpu.memory_space<vmem>>) target(%dma_start3A_154 : memref<100096x16xf32, #tpu.memory_space<vmem_shared>>) offsets(%dma_start3A_151 : memref<400xi32, #tpu.memory_space<vmem>>) semaphore(%dma_start3A_156 : memref<!tpu.dma_semaphore, #tpu.memory_space<semaphore_mem>>) {add = true}
    %add3A_157 = arith.constant 2 : i32
    %add3A_158 = arith.addi %mul3A_4, %add3A_157 : i32
    %dma_start3A_159 = arith.constant 2 : i32
    %dma_start3A_160 = arith.constant 2 : i32
    %dma_start3A_161 = arith.constant 0 : i32
    %dma_start3A_162 = tpu.memref_slice %arg7[%dma_start3A_159, %dma_start3A_161] : memref<4x400xi32, #tpu.memory_space<vmem>> -> memref<1x400xi32, #tpu.memory_space<vmem>>
    %dma_start3A_163 = tpu.memref_squeeze %dma_start3A_162 : memref<1x400xi32, #tpu.memory_space<vmem>> -> memref<400xi32, #tpu.memory_space<vmem>>
    %dma_start3A_164 = arith.constant 0 : i32
    %dma_start3A_165 = tpu.memref_slice %arg3[%add3A_158, %dma_start3A_164] : memref<16000x400xi32, #tpu.memory_space<hbm>> -> memref<1x400xi32, #tpu.memory_space<hbm>>
    %dma_start3A_166 = tpu.memref_squeeze %dma_start3A_165 : memref<1x400xi32, #tpu.memory_space<hbm>> -> memref<400xi32, #tpu.memory_space<hbm>>
    %dma_start3A_167 = tpu.memref_slice %arg11[%dma_start3A_160] : memref<4x!tpu.dma_semaphore, #tpu.memory_space<semaphore_mem>> -> memref<1x!tpu.dma_semaphore, #tpu.memory_space<semaphore_mem>>
    %dma_start3A_168 = tpu.memref_squeeze %dma_start3A_167 : memref<1x!tpu.dma_semaphore, #tpu.memory_space<semaphore_mem>> -> memref<!tpu.dma_semaphore, #tpu.memory_space<semaphore_mem>>
    %dma_start3A_169 = arith.constant 0 : i32
    %dma_start3A_170 = tpu.memref_slice %arg7[%dma_start3A_159, %dma_start3A_169] : memref<4x400xi32, #tpu.memory_space<vmem>> -> memref<1x400xi32, #tpu.memory_space<vmem>>
    %dma_start3A_171 = tpu.memref_squeeze %dma_start3A_170 : memref<1x400xi32, #tpu.memory_space<vmem>> -> memref<400xi32, #tpu.memory_space<vmem>>
    %dma_start3A_172 = arith.constant 0 : i32
    %dma_start3A_173 = tpu.memref_slice %arg3[%add3A_158, %dma_start3A_172] : memref<16000x400xi32, #tpu.memory_space<hbm>> -> memref<1x400xi32, #tpu.memory_space<hbm>>
    %dma_start3A_174 = tpu.memref_squeeze %dma_start3A_173 : memref<1x400xi32, #tpu.memory_space<hbm>> -> memref<400xi32, #tpu.memory_space<hbm>>
    tpu.enqueue_dma source(%dma_start3A_174 : memref<400xi32, #tpu.memory_space<hbm>>) target(%dma_start3A_171 : memref<400xi32, #tpu.memory_space<vmem>>) target_semaphore(%dma_start3A_168 : memref<!tpu.dma_semaphore, #tpu.memory_space<semaphore_mem>>)
    %add3A_175 = arith.constant 2 : i32
    %add3A_176 = arith.addi %mul3A_4, %add3A_175 : i32
    %dma_start3A_177 = arith.constant 2 : i32
    %dma_start3A_178 = arith.constant 2 : i32
    %dma_start3A_179 = arith.constant 0 : i32
    %dma_start3A_180 = tpu.memref_slice %arg8[%dma_start3A_177, %dma_start3A_179] : memref<4x400xi32, #tpu.memory_space<vmem>> -> memref<1x400xi32, #tpu.memory_space<vmem>>
    %dma_start3A_181 = tpu.memref_squeeze %dma_start3A_180 : memref<1x400xi32, #tpu.memory_space<vmem>> -> memref<400xi32, #tpu.memory_space<vmem>>
    %dma_start3A_182 = arith.constant 0 : i32
    %dma_start3A_183 = tpu.memref_slice %arg4[%add3A_176, %dma_start3A_182] : memref<16000x400xi32, #tpu.memory_space<hbm>> -> memref<1x400xi32, #tpu.memory_space<hbm>>
    %dma_start3A_184 = tpu.memref_squeeze %dma_start3A_183 : memref<1x400xi32, #tpu.memory_space<hbm>> -> memref<400xi32, #tpu.memory_space<hbm>>
    %dma_start3A_185 = tpu.memref_slice %arg11[%dma_start3A_178] : memref<4x!tpu.dma_semaphore, #tpu.memory_space<semaphore_mem>> -> memref<1x!tpu.dma_semaphore, #tpu.memory_space<semaphore_mem>>
    %dma_start3A_186 = tpu.memref_squeeze %dma_start3A_185 : memref<1x!tpu.dma_semaphore, #tpu.memory_space<semaphore_mem>> -> memref<!tpu.dma_semaphore, #tpu.memory_space<semaphore_mem>>
    %dma_start3A_187 = arith.constant 0 : i32
    %dma_start3A_188 = tpu.memref_slice %arg8[%dma_start3A_177, %dma_start3A_187] : memref<4x400xi32, #tpu.memory_space<vmem>> -> memref<1x400xi32, #tpu.memory_space<vmem>>
    %dma_start3A_189 = tpu.memref_squeeze %dma_start3A_188 : memref<1x400xi32, #tpu.memory_space<vmem>> -> memref<400xi32, #tpu.memory_space<vmem>>
    %dma_start3A_190 = arith.constant 0 : i32
    %dma_start3A_191 = tpu.memref_slice %arg4[%add3A_176, %dma_start3A_190] : memref<16000x400xi32, #tpu.memory_space<hbm>> -> memref<1x400xi32, #tpu.memory_space<hbm>>
    %dma_start3A_192 = tpu.memref_squeeze %dma_start3A_191 : memref<1x400xi32, #tpu.memory_space<hbm>> -> memref<400xi32, #tpu.memory_space<hbm>>
    tpu.enqueue_dma source(%dma_start3A_192 : memref<400xi32, #tpu.memory_space<hbm>>) target(%dma_start3A_189 : memref<400xi32, #tpu.memory_space<vmem>>) target_semaphore(%dma_start3A_186 : memref<!tpu.dma_semaphore, #tpu.memory_space<semaphore_mem>>)
    %dma_wait3A_193 = arith.constant 0 : i32
    %dma_wait3A_194 = arith.constant 1 : i32
    %dma_wait3A_195 = arith.constant 1 : i32
    %dma_wait3A_196 = arith.constant 0 : i32
    %dma_wait3A_197 = tpu.memref_slice %arg7[%dma_wait3A_194, %dma_wait3A_196] : memref<4x400xi32, #tpu.memory_space<vmem>> -> memref<1x400xi32, #tpu.memory_space<vmem>>
    %dma_wait3A_198 = tpu.memref_squeeze %dma_wait3A_197 : memref<1x400xi32, #tpu.memory_space<vmem>> -> memref<400xi32, #tpu.memory_space<vmem>>
    %dma_wait3A_199 = arith.constant 0 : i32
    %dma_wait3A_200 = tpu.memref_slice %arg3[%dma_wait3A_193, %dma_wait3A_199] : memref<16000x400xi32, #tpu.memory_space<hbm>> -> memref<1x400xi32, #tpu.memory_space<hbm>>
    %dma_wait3A_201 = tpu.memref_squeeze %dma_wait3A_200 : memref<1x400xi32, #tpu.memory_space<hbm>> -> memref<400xi32, #tpu.memory_space<hbm>>
    %dma_wait3A_202 = tpu.memref_slice %arg11[%dma_wait3A_195] : memref<4x!tpu.dma_semaphore, #tpu.memory_space<semaphore_mem>> -> memref<1x!tpu.dma_semaphore, #tpu.memory_space<semaphore_mem>>
    %dma_wait3A_203 = tpu.memref_squeeze %dma_wait3A_202 : memref<1x!tpu.dma_semaphore, #tpu.memory_space<semaphore_mem>> -> memref<!tpu.dma_semaphore, #tpu.memory_space<semaphore_mem>>
    %dma_wait3A_204 = arith.constant 0 : i32
    %dma_wait3A_205 = tpu.memref_slice %arg7[%dma_wait3A_194, %dma_wait3A_204] : memref<4x400xi32, #tpu.memory_space<vmem>> -> memref<1x400xi32, #tpu.memory_space<vmem>>
    %dma_wait3A_206 = tpu.memref_squeeze %dma_wait3A_205 : memref<1x400xi32, #tpu.memory_space<vmem>> -> memref<400xi32, #tpu.memory_space<vmem>>
    %dma_wait3A_207 = arith.constant 0 : i32
    %dma_wait3A_208 = tpu.memref_slice %arg3[%dma_wait3A_193, %dma_wait3A_207] : memref<16000x400xi32, #tpu.memory_space<hbm>> -> memref<1x400xi32, #tpu.memory_space<hbm>>
    %dma_wait3A_209 = tpu.memref_squeeze %dma_wait3A_208 : memref<1x400xi32, #tpu.memory_space<hbm>> -> memref<400xi32, #tpu.memory_space<hbm>>
    tpu.wait_dma2 semaphore(%dma_wait3A_203 : memref<!tpu.dma_semaphore, #tpu.memory_space<semaphore_mem>>) src(%dma_wait3A_209 : memref<400xi32, #tpu.memory_space<hbm>>) dst(%dma_wait3A_206 : memref<400xi32, #tpu.memory_space<vmem>>)
    %dma_wait3A_210 = arith.constant 0 : i32
    %dma_wait3A_211 = arith.constant 1 : i32
    %dma_wait3A_212 = arith.constant 1 : i32
    %dma_wait3A_213 = arith.constant 0 : i32
    %dma_wait3A_214 = tpu.memref_slice %arg8[%dma_wait3A_211, %dma_wait3A_213] : memref<4x400xi32, #tpu.memory_space<vmem>> -> memref<1x400xi32, #tpu.memory_space<vmem>>
    %dma_wait3A_215 = tpu.memref_squeeze %dma_wait3A_214 : memref<1x400xi32, #tpu.memory_space<vmem>> -> memref<400xi32, #tpu.memory_space<vmem>>
    %dma_wait3A_216 = arith.constant 0 : i32
    %dma_wait3A_217 = tpu.memref_slice %arg3[%dma_wait3A_210, %dma_wait3A_216] : memref<16000x400xi32, #tpu.memory_space<hbm>> -> memref<1x400xi32, #tpu.memory_space<hbm>>
    %dma_wait3A_218 = tpu.memref_squeeze %dma_wait3A_217 : memref<1x400xi32, #tpu.memory_space<hbm>> -> memref<400xi32, #tpu.memory_space<hbm>>
    %dma_wait3A_219 = tpu.memref_slice %arg11[%dma_wait3A_212] : memref<4x!tpu.dma_semaphore, #tpu.memory_space<semaphore_mem>> -> memref<1x!tpu.dma_semaphore, #tpu.memory_space<semaphore_mem>>
    %dma_wait3A_220 = tpu.memref_squeeze %dma_wait3A_219 : memref<1x!tpu.dma_semaphore, #tpu.memory_space<semaphore_mem>> -> memref<!tpu.dma_semaphore, #tpu.memory_space<semaphore_mem>>
    %dma_wait3A_221 = arith.constant 0 : i32
    %dma_wait3A_222 = tpu.memref_slice %arg8[%dma_wait3A_211, %dma_wait3A_221] : memref<4x400xi32, #tpu.memory_space<vmem>> -> memref<1x400xi32, #tpu.memory_space<vmem>>
    %dma_wait3A_223 = tpu.memref_squeeze %dma_wait3A_222 : memref<1x400xi32, #tpu.memory_space<vmem>> -> memref<400xi32, #tpu.memory_space<vmem>>
    %dma_wait3A_224 = arith.constant 0 : i32
    %dma_wait3A_225 = tpu.memref_slice %arg3[%dma_wait3A_210, %dma_wait3A_224] : memref<16000x400xi32, #tpu.memory_space<hbm>> -> memref<1x400xi32, #tpu.memory_space<hbm>>
    %dma_wait3A_226 = tpu.memref_squeeze %dma_wait3A_225 : memref<1x400xi32, #tpu.memory_space<hbm>> -> memref<400xi32, #tpu.memory_space<hbm>>
    tpu.wait_dma2 semaphore(%dma_wait3A_220 : memref<!tpu.dma_semaphore, #tpu.memory_space<semaphore_mem>>) src(%dma_wait3A_226 : memref<400xi32, #tpu.memory_space<hbm>>) dst(%dma_wait3A_223 : memref<400xi32, #tpu.memory_space<vmem>>)
    %dma_start3A_227 = arith.constant 1 : i32
    %dma_start3A_228 = arith.constant 1 : i32
    %dma_start3A_229 = arith.constant 1 : i32
    %dma_start3A_230 = arith.constant 0 : i32
    %dma_start3A_231 = arith.constant 0 : i32
    %dma_start3A_232 = tpu.memref_slice %arg9[%dma_start3A_228, %dma_start3A_230, %dma_start3A_231] : memref<4x400x16xf32, #tpu.memory_space<vmem>> -> memref<1x400x16xf32, #tpu.memory_space<vmem>>
    %dma_start3A_233 = tpu.memref_squeeze %dma_start3A_232 : memref<1x400x16xf32, #tpu.memory_space<vmem>> -> memref<400x16xf32, #tpu.memory_space<vmem>>
    %dma_start3A_234 = arith.constant 0 : i32
    %dma_start3A_235 = tpu.memref_slice %arg7[%dma_start3A_227, %dma_start3A_234] : memref<4x400xi32, #tpu.memory_space<vmem>> -> memref<1x400xi32, #tpu.memory_space<vmem>>
    %dma_start3A_236 = tpu.memref_squeeze %dma_start3A_235 : memref<1x400xi32, #tpu.memory_space<vmem>> -> memref<400xi32, #tpu.memory_space<vmem>>
    %dma_start3A_237 = arith.constant 0 : i32
    %dma_start3A_238 = arith.constant 0 : i32
    %dma_start3A_239 = tpu.memref_slice %arg2[%dma_start3A_237, %dma_start3A_238] : memref<100000x16xf32, #tpu.memory_space<hbm>> -> memref<100000x16xf32, #tpu.memory_space<hbm>>
    %dma_start3A_240 = tpu.memref_slice %arg12[%dma_start3A_229] : memref<4x!tpu.dma_semaphore, #tpu.memory_space<semaphore_mem>> -> memref<1x!tpu.dma_semaphore, #tpu.memory_space<semaphore_mem>>
    %dma_start3A_241 = tpu.memref_squeeze %dma_start3A_240 : memref<1x!tpu.dma_semaphore, #tpu.memory_space<semaphore_mem>> -> memref<!tpu.dma_semaphore, #tpu.memory_space<semaphore_mem>>
    tpu.enqueue_indirect_dma source(%dma_start3A_239 : memref<100000x16xf32, #tpu.memory_space<hbm>>) target(%dma_start3A_233 : memref<400x16xf32, #tpu.memory_space<vmem>>) offsets(%dma_start3A_236 : memref<400xi32, #tpu.memory_space<vmem>>) semaphore(%dma_start3A_241 : memref<!tpu.dma_semaphore, #tpu.memory_space<semaphore_mem>>)
    %dma_wait3A_242 = arith.constant 1 : i32
    %dma_wait3A_243 = arith.constant 1 : i32
    %dma_wait3A_244 = arith.constant 0 : i32
    %dma_wait3A_245 = arith.constant 0 : i32
    %dma_wait3A_246 = tpu.memref_slice %arg9[%dma_wait3A_242, %dma_wait3A_244, %dma_wait3A_245] : memref<4x400x16xf32, #tpu.memory_space<vmem>> -> memref<1x400x16xf32, #tpu.memory_space<vmem>>
    %dma_wait3A_247 = tpu.memref_squeeze %dma_wait3A_246 : memref<1x400x16xf32, #tpu.memory_space<vmem>> -> memref<400x16xf32, #tpu.memory_space<vmem>>
    %dma_wait3A_248 = arith.constant 0 : i32
    %dma_wait3A_249 = arith.constant 0 : i32
    %dma_wait3A_250 = tpu.memref_slice %arg2[%dma_wait3A_248, %dma_wait3A_249] : memref<100000x16xf32, #tpu.memory_space<hbm>> -> memref<400x16xf32, #tpu.memory_space<hbm>>
    %dma_wait3A_251 = tpu.memref_slice %arg12[%dma_wait3A_243] : memref<4x!tpu.dma_semaphore, #tpu.memory_space<semaphore_mem>> -> memref<1x!tpu.dma_semaphore, #tpu.memory_space<semaphore_mem>>
    %dma_wait3A_252 = tpu.memref_squeeze %dma_wait3A_251 : memref<1x!tpu.dma_semaphore, #tpu.memory_space<semaphore_mem>> -> memref<!tpu.dma_semaphore, #tpu.memory_space<semaphore_mem>>
    %dma_wait3A_253 = arith.constant 0 : i32
    %dma_wait3A_254 = arith.constant 0 : i32
    %dma_wait3A_255 = tpu.memref_slice %arg9[%dma_wait3A_242, %dma_wait3A_253, %dma_wait3A_254] : memref<4x400x16xf32, #tpu.memory_space<vmem>> -> memref<1x400x16xf32, #tpu.memory_space<vmem>>
    %dma_wait3A_256 = tpu.memref_squeeze %dma_wait3A_255 : memref<1x400x16xf32, #tpu.memory_space<vmem>> -> memref<400x16xf32, #tpu.memory_space<vmem>>
    %dma_wait3A_257 = arith.constant 0 : i32
    %dma_wait3A_258 = arith.constant 0 : i32
    %dma_wait3A_259 = tpu.memref_slice %arg2[%dma_wait3A_257, %dma_wait3A_258] : memref<100000x16xf32, #tpu.memory_space<hbm>> -> memref<400x16xf32, #tpu.memory_space<hbm>>
    tpu.wait_dma2 semaphore(%dma_wait3A_252 : memref<!tpu.dma_semaphore, #tpu.memory_space<semaphore_mem>>) src(%dma_wait3A_259 : memref<400x16xf32, #tpu.memory_space<hbm>>) dst(%dma_wait3A_256 : memref<400x16xf32, #tpu.memory_space<vmem>>)
    %dma_start3A_260 = arith.constant 1 : i32
    %dma_start3A_261 = arith.constant 1 : i32
    %dma_start3A_262 = arith.constant 1 : i32
    %dma_start3A_263 = arith.constant 0 : i32
    %dma_start3A_264 = arith.constant 0 : i32
    %dma_start3A_265 = tpu.memref_slice %arg9[%dma_start3A_260, %dma_start3A_263, %dma_start3A_264] : memref<4x400x16xf32, #tpu.memory_space<vmem>> -> memref<1x400x16xf32, #tpu.memory_space<vmem>>
    %dma_start3A_266 = tpu.memref_squeeze %dma_start3A_265 : memref<1x400x16xf32, #tpu.memory_space<vmem>> -> memref<400x16xf32, #tpu.memory_space<vmem>>
    %dma_start3A_267 = arith.constant 0 : i32
    %dma_start3A_268 = tpu.memref_slice %arg8[%dma_start3A_261, %dma_start3A_267] : memref<4x400xi32, #tpu.memory_space<vmem>> -> memref<1x400xi32, #tpu.memory_space<vmem>>
    %dma_start3A_269 = tpu.memref_squeeze %dma_start3A_268 : memref<1x400xi32, #tpu.memory_space<vmem>> -> memref<400xi32, #tpu.memory_space<vmem>>
    %dma_start3A_270 = arith.constant 0 : i32
    %dma_start3A_271 = arith.constant 0 : i32
    %dma_start3A_272 = tpu.memref_slice %arg10[%dma_start3A_270, %dma_start3A_271] : memref<100096x16xf32, #tpu.memory_space<vmem_shared>> -> memref<100096x16xf32, #tpu.memory_space<vmem_shared>>
    %dma_start3A_273 = tpu.memref_slice %arg13[%dma_start3A_262] : memref<4x!tpu.dma_semaphore, #tpu.memory_space<semaphore_mem>> -> memref<1x!tpu.dma_semaphore, #tpu.memory_space<semaphore_mem>>
    %dma_start3A_274 = tpu.memref_squeeze %dma_start3A_273 : memref<1x!tpu.dma_semaphore, #tpu.memory_space<semaphore_mem>> -> memref<!tpu.dma_semaphore, #tpu.memory_space<semaphore_mem>>
    tpu.enqueue_indirect_dma source(%dma_start3A_266 : memref<400x16xf32, #tpu.memory_space<vmem>>) target(%dma_start3A_272 : memref<100096x16xf32, #tpu.memory_space<vmem_shared>>) offsets(%dma_start3A_269 : memref<400xi32, #tpu.memory_space<vmem>>) semaphore(%dma_start3A_274 : memref<!tpu.dma_semaphore, #tpu.memory_space<semaphore_mem>>) {add = true}
    %add3A_275 = arith.constant 3 : i32
    %add3A_276 = arith.addi %mul3A_4, %add3A_275 : i32
    %dma_start3A_277 = arith.constant 3 : i32
    %dma_start3A_278 = arith.constant 3 : i32
    %dma_start3A_279 = arith.constant 0 : i32
    %dma_start3A_280 = tpu.memref_slice %arg7[%dma_start3A_277, %dma_start3A_279] : memref<4x400xi32, #tpu.memory_space<vmem>> -> memref<1x400xi32, #tpu.memory_space<vmem>>
    %dma_start3A_281 = tpu.memref_squeeze %dma_start3A_280 : memref<1x400xi32, #tpu.memory_space<vmem>> -> memref<400xi32, #tpu.memory_space<vmem>>
    %dma_start3A_282 = arith.constant 0 : i32
    %dma_start3A_283 = tpu.memref_slice %arg3[%add3A_276, %dma_start3A_282] : memref<16000x400xi32, #tpu.memory_space<hbm>> -> memref<1x400xi32, #tpu.memory_space<hbm>>
    %dma_start3A_284 = tpu.memref_squeeze %dma_start3A_283 : memref<1x400xi32, #tpu.memory_space<hbm>> -> memref<400xi32, #tpu.memory_space<hbm>>
    %dma_start3A_285 = tpu.memref_slice %arg11[%dma_start3A_278] : memref<4x!tpu.dma_semaphore, #tpu.memory_space<semaphore_mem>> -> memref<1x!tpu.dma_semaphore, #tpu.memory_space<semaphore_mem>>
    %dma_start3A_286 = tpu.memref_squeeze %dma_start3A_285 : memref<1x!tpu.dma_semaphore, #tpu.memory_space<semaphore_mem>> -> memref<!tpu.dma_semaphore, #tpu.memory_space<semaphore_mem>>
    %dma_start3A_287 = arith.constant 0 : i32
    %dma_start3A_288 = tpu.memref_slice %arg7[%dma_start3A_277, %dma_start3A_287] : memref<4x400xi32, #tpu.memory_space<vmem>> -> memref<1x400xi32, #tpu.memory_space<vmem>>
    %dma_start3A_289 = tpu.memref_squeeze %dma_start3A_288 : memref<1x400xi32, #tpu.memory_space<vmem>> -> memref<400xi32, #tpu.memory_space<vmem>>
    %dma_start3A_290 = arith.constant 0 : i32
    %dma_start3A_291 = tpu.memref_slice %arg3[%add3A_276, %dma_start3A_290] : memref<16000x400xi32, #tpu.memory_space<hbm>> -> memref<1x400xi32, #tpu.memory_space<hbm>>
    %dma_start3A_292 = tpu.memref_squeeze %dma_start3A_291 : memref<1x400xi32, #tpu.memory_space<hbm>> -> memref<400xi32, #tpu.memory_space<hbm>>
    tpu.enqueue_dma source(%dma_start3A_292 : memref<400xi32, #tpu.memory_space<hbm>>) target(%dma_start3A_289 : memref<400xi32, #tpu.memory_space<vmem>>) target_semaphore(%dma_start3A_286 : memref<!tpu.dma_semaphore, #tpu.memory_space<semaphore_mem>>)
    %add3A_293 = arith.constant 3 : i32
    %add3A_294 = arith.addi %mul3A_4, %add3A_293 : i32
    %dma_start3A_295 = arith.constant 3 : i32
    %dma_start3A_296 = arith.constant 3 : i32
    %dma_start3A_297 = arith.constant 0 : i32
    %dma_start3A_298 = tpu.memref_slice %arg8[%dma_start3A_295, %dma_start3A_297] : memref<4x400xi32, #tpu.memory_space<vmem>> -> memref<1x400xi32, #tpu.memory_space<vmem>>
    %dma_start3A_299 = tpu.memref_squeeze %dma_start3A_298 : memref<1x400xi32, #tpu.memory_space<vmem>> -> memref<400xi32, #tpu.memory_space<vmem>>
    %dma_start3A_300 = arith.constant 0 : i32
    %dma_start3A_301 = tpu.memref_slice %arg4[%add3A_294, %dma_start3A_300] : memref<16000x400xi32, #tpu.memory_space<hbm>> -> memref<1x400xi32, #tpu.memory_space<hbm>>
    %dma_start3A_302 = tpu.memref_squeeze %dma_start3A_301 : memref<1x400xi32, #tpu.memory_space<hbm>> -> memref<400xi32, #tpu.memory_space<hbm>>
    %dma_start3A_303 = tpu.memref_slice %arg11[%dma_start3A_296] : memref<4x!tpu.dma_semaphore, #tpu.memory_space<semaphore_mem>> -> memref<1x!tpu.dma_semaphore, #tpu.memory_space<semaphore_mem>>
    %dma_start3A_304 = tpu.memref_squeeze %dma_start3A_303 : memref<1x!tpu.dma_semaphore, #tpu.memory_space<semaphore_mem>> -> memref<!tpu.dma_semaphore, #tpu.memory_space<semaphore_mem>>
    %dma_start3A_305 = arith.constant 0 : i32
    %dma_start3A_306 = tpu.memref_slice %arg8[%dma_start3A_295, %dma_start3A_305] : memref<4x400xi32, #tpu.memory_space<vmem>> -> memref<1x400xi32, #tpu.memory_space<vmem>>
    %dma_start3A_307 = tpu.memref_squeeze %dma_start3A_306 : memref<1x400xi32, #tpu.memory_space<vmem>> -> memref<400xi32, #tpu.memory_space<vmem>>
    %dma_start3A_308 = arith.constant 0 : i32
    %dma_start3A_309 = tpu.memref_slice %arg4[%add3A_294, %dma_start3A_308] : memref<16000x400xi32, #tpu.memory_space<hbm>> -> memref<1x400xi32, #tpu.memory_space<hbm>>
    %dma_start3A_310 = tpu.memref_squeeze %dma_start3A_309 : memref<1x400xi32, #tpu.memory_space<hbm>> -> memref<400xi32, #tpu.memory_space<hbm>>
    tpu.enqueue_dma source(%dma_start3A_310 : memref<400xi32, #tpu.memory_space<hbm>>) target(%dma_start3A_307 : memref<400xi32, #tpu.memory_space<vmem>>) target_semaphore(%dma_start3A_304 : memref<!tpu.dma_semaphore, #tpu.memory_space<semaphore_mem>>)
    %dma_wait3A_311 = arith.constant 0 : i32
    %dma_wait3A_312 = arith.constant 2 : i32
    %dma_wait3A_313 = arith.constant 2 : i32
    %dma_wait3A_314 = arith.constant 0 : i32
    %dma_wait3A_315 = tpu.memref_slice %arg7[%dma_wait3A_312, %dma_wait3A_314] : memref<4x400xi32, #tpu.memory_space<vmem>> -> memref<1x400xi32, #tpu.memory_space<vmem>>
    %dma_wait3A_316 = tpu.memref_squeeze %dma_wait3A_315 : memref<1x400xi32, #tpu.memory_space<vmem>> -> memref<400xi32, #tpu.memory_space<vmem>>
    %dma_wait3A_317 = arith.constant 0 : i32
    %dma_wait3A_318 = tpu.memref_slice %arg3[%dma_wait3A_311, %dma_wait3A_317] : memref<16000x400xi32, #tpu.memory_space<hbm>> -> memref<1x400xi32, #tpu.memory_space<hbm>>
    %dma_wait3A_319 = tpu.memref_squeeze %dma_wait3A_318 : memref<1x400xi32, #tpu.memory_space<hbm>> -> memref<400xi32, #tpu.memory_space<hbm>>
    %dma_wait3A_320 = tpu.memref_slice %arg11[%dma_wait3A_313] : memref<4x!tpu.dma_semaphore, #tpu.memory_space<semaphore_mem>> -> memref<1x!tpu.dma_semaphore, #tpu.memory_space<semaphore_mem>>
    %dma_wait3A_321 = tpu.memref_squeeze %dma_wait3A_320 : memref<1x!tpu.dma_semaphore, #tpu.memory_space<semaphore_mem>> -> memref<!tpu.dma_semaphore, #tpu.memory_space<semaphore_mem>>
    %dma_wait3A_322 = arith.constant 0 : i32
    %dma_wait3A_323 = tpu.memref_slice %arg7[%dma_wait3A_312, %dma_wait3A_322] : memref<4x400xi32, #tpu.memory_space<vmem>> -> memref<1x400xi32, #tpu.memory_space<vmem>>
    %dma_wait3A_324 = tpu.memref_squeeze %dma_wait3A_323 : memref<1x400xi32, #tpu.memory_space<vmem>> -> memref<400xi32, #tpu.memory_space<vmem>>
    %dma_wait3A_325 = arith.constant 0 : i32
    %dma_wait3A_326 = tpu.memref_slice %arg3[%dma_wait3A_311, %dma_wait3A_325] : memref<16000x400xi32, #tpu.memory_space<hbm>> -> memref<1x400xi32, #tpu.memory_space<hbm>>
    %dma_wait3A_327 = tpu.memref_squeeze %dma_wait3A_326 : memref<1x400xi32, #tpu.memory_space<hbm>> -> memref<400xi32, #tpu.memory_space<hbm>>
    tpu.wait_dma2 semaphore(%dma_wait3A_321 : memref<!tpu.dma_semaphore, #tpu.memory_space<semaphore_mem>>) src(%dma_wait3A_327 : memref<400xi32, #tpu.memory_space<hbm>>) dst(%dma_wait3A_324 : memref<400xi32, #tpu.memory_space<vmem>>)
    %dma_wait3A_328 = arith.constant 0 : i32
    %dma_wait3A_329 = arith.constant 2 : i32
    %dma_wait3A_330 = arith.constant 2 : i32
    %dma_wait3A_331 = arith.constant 0 : i32
    %dma_wait3A_332 = tpu.memref_slice %arg8[%dma_wait3A_329, %dma_wait3A_331] : memref<4x400xi32, #tpu.memory_space<vmem>> -> memref<1x400xi32, #tpu.memory_space<vmem>>
    %dma_wait3A_333 = tpu.memref_squeeze %dma_wait3A_332 : memref<1x400xi32, #tpu.memory_space<vmem>> -> memref<400xi32, #tpu.memory_space<vmem>>
    %dma_wait3A_334 = arith.constant 0 : i32
    %dma_wait3A_335 = tpu.memref_slice %arg3[%dma_wait3A_328, %dma_wait3A_334] : memref<16000x400xi32, #tpu.memory_space<hbm>> -> memref<1x400xi32, #tpu.memory_space<hbm>>
    %dma_wait3A_336 = tpu.memref_squeeze %dma_wait3A_335 : memref<1x400xi32, #tpu.memory_space<hbm>> -> memref<400xi32, #tpu.memory_space<hbm>>
    %dma_wait3A_337 = tpu.memref_slice %arg11[%dma_wait3A_330] : memref<4x!tpu.dma_semaphore, #tpu.memory_space<semaphore_mem>> -> memref<1x!tpu.dma_semaphore, #tpu.memory_space<semaphore_mem>>
    %dma_wait3A_338 = tpu.memref_squeeze %dma_wait3A_337 : memref<1x!tpu.dma_semaphore, #tpu.memory_space<semaphore_mem>> -> memref<!tpu.dma_semaphore, #tpu.memory_space<semaphore_mem>>
    %dma_wait3A_339 = arith.constant 0 : i32
    %dma_wait3A_340 = tpu.memref_slice %arg8[%dma_wait3A_329, %dma_wait3A_339] : memref<4x400xi32, #tpu.memory_space<vmem>> -> memref<1x400xi32, #tpu.memory_space<vmem>>
    %dma_wait3A_341 = tpu.memref_squeeze %dma_wait3A_340 : memref<1x400xi32, #tpu.memory_space<vmem>> -> memref<400xi32, #tpu.memory_space<vmem>>
    %dma_wait3A_342 = arith.constant 0 : i32
    %dma_wait3A_343 = tpu.memref_slice %arg3[%dma_wait3A_328, %dma_wait3A_342] : memref<16000x400xi32, #tpu.memory_space<hbm>> -> memref<1x400xi32, #tpu.memory_space<hbm>>
    %dma_wait3A_344 = tpu.memref_squeeze %dma_wait3A_343 : memref<1x400xi32, #tpu.memory_space<hbm>> -> memref<400xi32, #tpu.memory_space<hbm>>
    tpu.wait_dma2 semaphore(%dma_wait3A_338 : memref<!tpu.dma_semaphore, #tpu.memory_space<semaphore_mem>>) src(%dma_wait3A_344 : memref<400xi32, #tpu.memory_space<hbm>>) dst(%dma_wait3A_341 : memref<400xi32, #tpu.memory_space<vmem>>)
    %dma_start3A_345 = arith.constant 2 : i32
    %dma_start3A_346 = arith.constant 2 : i32
    %dma_start3A_347 = arith.constant 2 : i32
    %dma_start3A_348 = arith.constant 0 : i32
    %dma_start3A_349 = arith.constant 0 : i32
    %dma_start3A_350 = tpu.memref_slice %arg9[%dma_start3A_346, %dma_start3A_348, %dma_start3A_349] : memref<4x400x16xf32, #tpu.memory_space<vmem>> -> memref<1x400x16xf32, #tpu.memory_space<vmem>>
    %dma_start3A_351 = tpu.memref_squeeze %dma_start3A_350 : memref<1x400x16xf32, #tpu.memory_space<vmem>> -> memref<400x16xf32, #tpu.memory_space<vmem>>
    %dma_start3A_352 = arith.constant 0 : i32
    %dma_start3A_353 = tpu.memref_slice %arg7[%dma_start3A_345, %dma_start3A_352] : memref<4x400xi32, #tpu.memory_space<vmem>> -> memref<1x400xi32, #tpu.memory_space<vmem>>
    %dma_start3A_354 = tpu.memref_squeeze %dma_start3A_353 : memref<1x400xi32, #tpu.memory_space<vmem>> -> memref<400xi32, #tpu.memory_space<vmem>>
    %dma_start3A_355 = arith.constant 0 : i32
    %dma_start3A_356 = arith.constant 0 : i32
    %dma_start3A_357 = tpu.memref_slice %arg2[%dma_start3A_355, %dma_start3A_356] : memref<100000x16xf32, #tpu.memory_space<hbm>> -> memref<100000x16xf32, #tpu.memory_space<hbm>>
    %dma_start3A_358 = tpu.memref_slice %arg12[%dma_start3A_347] : memref<4x!tpu.dma_semaphore, #tpu.memory_space<semaphore_mem>> -> memref<1x!tpu.dma_semaphore, #tpu.memory_space<semaphore_mem>>
    %dma_start3A_359 = tpu.memref_squeeze %dma_start3A_358 : memref<1x!tpu.dma_semaphore, #tpu.memory_space<semaphore_mem>> -> memref<!tpu.dma_semaphore, #tpu.memory_space<semaphore_mem>>
    tpu.enqueue_indirect_dma source(%dma_start3A_357 : memref<100000x16xf32, #tpu.memory_space<hbm>>) target(%dma_start3A_351 : memref<400x16xf32, #tpu.memory_space<vmem>>) offsets(%dma_start3A_354 : memref<400xi32, #tpu.memory_space<vmem>>) semaphore(%dma_start3A_359 : memref<!tpu.dma_semaphore, #tpu.memory_space<semaphore_mem>>)
    %dma_wait3A_360 = arith.constant 2 : i32
    %dma_wait3A_361 = arith.constant 2 : i32
    %dma_wait3A_362 = arith.constant 0 : i32
    %dma_wait3A_363 = arith.constant 0 : i32
    %dma_wait3A_364 = tpu.memref_slice %arg9[%dma_wait3A_360, %dma_wait3A_362, %dma_wait3A_363] : memref<4x400x16xf32, #tpu.memory_space<vmem>> -> memref<1x400x16xf32, #tpu.memory_space<vmem>>
    %dma_wait3A_365 = tpu.memref_squeeze %dma_wait3A_364 : memref<1x400x16xf32, #tpu.memory_space<vmem>> -> memref<400x16xf32, #tpu.memory_space<vmem>>
    %dma_wait3A_366 = arith.constant 0 : i32
    %dma_wait3A_367 = arith.constant 0 : i32
    %dma_wait3A_368 = tpu.memref_slice %arg2[%dma_wait3A_366, %dma_wait3A_367] : memref<100000x16xf32, #tpu.memory_space<hbm>> -> memref<400x16xf32, #tpu.memory_space<hbm>>
    %dma_wait3A_369 = tpu.memref_slice %arg12[%dma_wait3A_361] : memref<4x!tpu.dma_semaphore, #tpu.memory_space<semaphore_mem>> -> memref<1x!tpu.dma_semaphore, #tpu.memory_space<semaphore_mem>>
    %dma_wait3A_370 = tpu.memref_squeeze %dma_wait3A_369 : memref<1x!tpu.dma_semaphore, #tpu.memory_space<semaphore_mem>> -> memref<!tpu.dma_semaphore, #tpu.memory_space<semaphore_mem>>
    %dma_wait3A_371 = arith.constant 0 : i32
    %dma_wait3A_372 = arith.constant 0 : i32
    %dma_wait3A_373 = tpu.memref_slice %arg9[%dma_wait3A_360, %dma_wait3A_371, %dma_wait3A_372] : memref<4x400x16xf32, #tpu.memory_space<vmem>> -> memref<1x400x16xf32, #tpu.memory_space<vmem>>
    %dma_wait3A_374 = tpu.memref_squeeze %dma_wait3A_373 : memref<1x400x16xf32, #tpu.memory_space<vmem>> -> memref<400x16xf32, #tpu.memory_space<vmem>>
    %dma_wait3A_375 = arith.constant 0 : i32
    %dma_wait3A_376 = arith.constant 0 : i32
    %dma_wait3A_377 = tpu.memref_slice %arg2[%dma_wait3A_375, %dma_wait3A_376] : memref<100000x16xf32, #tpu.memory_space<hbm>> -> memref<400x16xf32, #tpu.memory_space<hbm>>
    tpu.wait_dma2 semaphore(%dma_wait3A_370 : memref<!tpu.dma_semaphore, #tpu.memory_space<semaphore_mem>>) src(%dma_wait3A_377 : memref<400x16xf32, #tpu.memory_space<hbm>>) dst(%dma_wait3A_374 : memref<400x16xf32, #tpu.memory_space<vmem>>)
    %dma_start3A_378 = arith.constant 2 : i32
    %dma_start3A_379 = arith.constant 2 : i32
    %dma_start3A_380 = arith.constant 2 : i32
    %dma_start3A_381 = arith.constant 0 : i32
    %dma_start3A_382 = arith.constant 0 : i32
    %dma_start3A_383 = tpu.memref_slice %arg9[%dma_start3A_378, %dma_start3A_381, %dma_start3A_382] : memref<4x400x16xf32, #tpu.memory_space<vmem>> -> memref<1x400x16xf32, #tpu.memory_space<vmem>>
    %dma_start3A_384 = tpu.memref_squeeze %dma_start3A_383 : memref<1x400x16xf32, #tpu.memory_space<vmem>> -> memref<400x16xf32, #tpu.memory_space<vmem>>
    %dma_start3A_385 = arith.constant 0 : i32
    %dma_start3A_386 = tpu.memref_slice %arg8[%dma_start3A_379, %dma_start3A_385] : memref<4x400xi32, #tpu.memory_space<vmem>> -> memref<1x400xi32, #tpu.memory_space<vmem>>
    %dma_start3A_387 = tpu.memref_squeeze %dma_start3A_386 : memref<1x400xi32, #tpu.memory_space<vmem>> -> memref<400xi32, #tpu.memory_space<vmem>>
    %dma_start3A_388 = arith.constant 0 : i32
    %dma_start3A_389 = arith.constant 0 : i32
    %dma_start3A_390 = tpu.memref_slice %arg10[%dma_start3A_388, %dma_start3A_389] : memref<100096x16xf32, #tpu.memory_space<vmem_shared>> -> memref<100096x16xf32, #tpu.memory_space<vmem_shared>>
    %dma_start3A_391 = tpu.memref_slice %arg13[%dma_start3A_380] : memref<4x!tpu.dma_semaphore, #tpu.memory_space<semaphore_mem>> -> memref<1x!tpu.dma_semaphore, #tpu.memory_space<semaphore_mem>>
    %dma_start3A_392 = tpu.memref_squeeze %dma_start3A_391 : memref<1x!tpu.dma_semaphore, #tpu.memory_space<semaphore_mem>> -> memref<!tpu.dma_semaphore, #tpu.memory_space<semaphore_mem>>
    tpu.enqueue_indirect_dma source(%dma_start3A_384 : memref<400x16xf32, #tpu.memory_space<vmem>>) target(%dma_start3A_390 : memref<100096x16xf32, #tpu.memory_space<vmem_shared>>) offsets(%dma_start3A_387 : memref<400xi32, #tpu.memory_space<vmem>>) semaphore(%dma_start3A_392 : memref<!tpu.dma_semaphore, #tpu.memory_space<semaphore_mem>>) {add = true}
    %dma_wait3A_393 = arith.constant 0 : i32
    %dma_wait3A_394 = arith.constant 0 : i32
    %dma_wait3A_395 = arith.constant 0 : i32
    %dma_wait3A_396 = arith.constant 0 : i32
    %dma_wait3A_397 = tpu.memref_slice %arg9[%dma_wait3A_393, %dma_wait3A_395, %dma_wait3A_396] : memref<4x400x16xf32, #tpu.memory_space<vmem>> -> memref<1x400x16xf32, #tpu.memory_space<vmem>>
    %dma_wait3A_398 = tpu.memref_squeeze %dma_wait3A_397 : memref<1x400x16xf32, #tpu.memory_space<vmem>> -> memref<400x16xf32, #tpu.memory_space<vmem>>
    %dma_wait3A_399 = arith.constant 0 : i32
    %dma_wait3A_400 = arith.constant 0 : i32
    %dma_wait3A_401 = tpu.memref_slice %arg2[%dma_wait3A_399, %dma_wait3A_400] : memref<100000x16xf32, #tpu.memory_space<hbm>> -> memref<400x16xf32, #tpu.memory_space<hbm>>
    %dma_wait3A_402 = tpu.memref_slice %arg13[%dma_wait3A_394] : memref<4x!tpu.dma_semaphore, #tpu.memory_space<semaphore_mem>> -> memref<1x!tpu.dma_semaphore, #tpu.memory_space<semaphore_mem>>
    %dma_wait3A_403 = tpu.memref_squeeze %dma_wait3A_402 : memref<1x!tpu.dma_semaphore, #tpu.memory_space<semaphore_mem>> -> memref<!tpu.dma_semaphore, #tpu.memory_space<semaphore_mem>>
    %dma_wait3A_404 = arith.constant 0 : i32
    %dma_wait3A_405 = arith.constant 0 : i32
    %dma_wait3A_406 = tpu.memref_slice %arg9[%dma_wait3A_393, %dma_wait3A_404, %dma_wait3A_405] : memref<4x400x16xf32, #tpu.memory_space<vmem>> -> memref<1x400x16xf32, #tpu.memory_space<vmem>>
    %dma_wait3A_407 = tpu.memref_squeeze %dma_wait3A_406 : memref<1x400x16xf32, #tpu.memory_space<vmem>> -> memref<400x16xf32, #tpu.memory_space<vmem>>
    %dma_wait3A_408 = arith.constant 0 : i32
    %dma_wait3A_409 = arith.constant 0 : i32
    %dma_wait3A_410 = tpu.memref_slice %arg2[%dma_wait3A_408, %dma_wait3A_409] : memref<100000x16xf32, #tpu.memory_space<hbm>> -> memref<400x16xf32, #tpu.memory_space<hbm>>
    tpu.wait_dma2 semaphore(%dma_wait3A_403 : memref<!tpu.dma_semaphore, #tpu.memory_space<semaphore_mem>>) src(%dma_wait3A_410 : memref<400x16xf32, #tpu.memory_space<hbm>>) dst(%dma_wait3A_407 : memref<400x16xf32, #tpu.memory_space<vmem>>)
    %add3A_411 = arith.constant 4 : i32
    %add3A_412 = arith.addi %mul3A_4, %add3A_411 : i32
    %dma_start3A_413 = arith.constant 0 : i32
    %dma_start3A_414 = arith.constant 0 : i32
    %dma_start3A_415 = arith.constant 0 : i32
    %dma_start3A_416 = tpu.memref_slice %arg7[%dma_start3A_413, %dma_start3A_415] : memref<4x400xi32, #tpu.memory_space<vmem>> -> memref<1x400xi32, #tpu.memory_space<vmem>>
    %dma_start3A_417 = tpu.memref_squeeze %dma_start3A_416 : memref<1x400xi32, #tpu.memory_space<vmem>> -> memref<400xi32, #tpu.memory_space<vmem>>
    %dma_start3A_418 = arith.constant 0 : i32
    %dma_start3A_419 = tpu.memref_slice %arg3[%add3A_412, %dma_start3A_418] : memref<16000x400xi32, #tpu.memory_space<hbm>> -> memref<1x400xi32, #tpu.memory_space<hbm>>
    %dma_start3A_420 = tpu.memref_squeeze %dma_start3A_419 : memref<1x400xi32, #tpu.memory_space<hbm>> -> memref<400xi32, #tpu.memory_space<hbm>>
    %dma_start3A_421 = tpu.memref_slice %arg11[%dma_start3A_414] : memref<4x!tpu.dma_semaphore, #tpu.memory_space<semaphore_mem>> -> memref<1x!tpu.dma_semaphore, #tpu.memory_space<semaphore_mem>>
    %dma_start3A_422 = tpu.memref_squeeze %dma_start3A_421 : memref<1x!tpu.dma_semaphore, #tpu.memory_space<semaphore_mem>> -> memref<!tpu.dma_semaphore, #tpu.memory_space<semaphore_mem>>
    %dma_start3A_423 = arith.constant 0 : i32
    %dma_start3A_424 = tpu.memref_slice %arg7[%dma_start3A_413, %dma_start3A_423] : memref<4x400xi32, #tpu.memory_space<vmem>> -> memref<1x400xi32, #tpu.memory_space<vmem>>
    %dma_start3A_425 = tpu.memref_squeeze %dma_start3A_424 : memref<1x400xi32, #tpu.memory_space<vmem>> -> memref<400xi32, #tpu.memory_space<vmem>>
    %dma_start3A_426 = arith.constant 0 : i32
    %dma_start3A_427 = tpu.memref_slice %arg3[%add3A_412, %dma_start3A_426] : memref<16000x400xi32, #tpu.memory_space<hbm>> -> memref<1x400xi32, #tpu.memory_space<hbm>>
    %dma_start3A_428 = tpu.memref_squeeze %dma_start3A_427 : memref<1x400xi32, #tpu.memory_space<hbm>> -> memref<400xi32, #tpu.memory_space<hbm>>
    tpu.enqueue_dma source(%dma_start3A_428 : memref<400xi32, #tpu.memory_space<hbm>>) target(%dma_start3A_425 : memref<400xi32, #tpu.memory_space<vmem>>) target_semaphore(%dma_start3A_422 : memref<!tpu.dma_semaphore, #tpu.memory_space<semaphore_mem>>)
    %add3A_429 = arith.constant 4 : i32
    %add3A_430 = arith.addi %mul3A_4, %add3A_429 : i32
    %dma_start3A_431 = arith.constant 0 : i32
    %dma_start3A_432 = arith.constant 0 : i32
    %dma_start3A_433 = arith.constant 0 : i32
    %dma_start3A_434 = tpu.memref_slice %arg8[%dma_start3A_431, %dma_start3A_433] : memref<4x400xi32, #tpu.memory_space<vmem>> -> memref<1x400xi32, #tpu.memory_space<vmem>>
    %dma_start3A_435 = tpu.memref_squeeze %dma_start3A_434 : memref<1x400xi32, #tpu.memory_space<vmem>> -> memref<400xi32, #tpu.memory_space<vmem>>
    %dma_start3A_436 = arith.constant 0 : i32
    %dma_start3A_437 = tpu.memref_slice %arg4[%add3A_430, %dma_start3A_436] : memref<16000x400xi32, #tpu.memory_space<hbm>> -> memref<1x400xi32, #tpu.memory_space<hbm>>
    %dma_start3A_438 = tpu.memref_squeeze %dma_start3A_437 : memref<1x400xi32, #tpu.memory_space<hbm>> -> memref<400xi32, #tpu.memory_space<hbm>>
    %dma_start3A_439 = tpu.memref_slice %arg11[%dma_start3A_432] : memref<4x!tpu.dma_semaphore, #tpu.memory_space<semaphore_mem>> -> memref<1x!tpu.dma_semaphore, #tpu.memory_space<semaphore_mem>>
    %dma_start3A_440 = tpu.memref_squeeze %dma_start3A_439 : memref<1x!tpu.dma_semaphore, #tpu.memory_space<semaphore_mem>> -> memref<!tpu.dma_semaphore, #tpu.memory_space<semaphore_mem>>
    %dma_start3A_441 = arith.constant 0 : i32
    %dma_start3A_442 = tpu.memref_slice %arg8[%dma_start3A_431, %dma_start3A_441] : memref<4x400xi32, #tpu.memory_space<vmem>> -> memref<1x400xi32, #tpu.memory_space<vmem>>
    %dma_start3A_443 = tpu.memref_squeeze %dma_start3A_442 : memref<1x400xi32, #tpu.memory_space<vmem>> -> memref<400xi32, #tpu.memory_space<vmem>>
    %dma_start3A_444 = arith.constant 0 : i32
    %dma_start3A_445 = tpu.memref_slice %arg4[%add3A_430, %dma_start3A_444] : memref<16000x400xi32, #tpu.memory_space<hbm>> -> memref<1x400xi32, #tpu.memory_space<hbm>>
    %dma_start3A_446 = tpu.memref_squeeze %dma_start3A_445 : memref<1x400xi32, #tpu.memory_space<hbm>> -> memref<400xi32, #tpu.memory_space<hbm>>
    tpu.enqueue_dma source(%dma_start3A_446 : memref<400xi32, #tpu.memory_space<hbm>>) target(%dma_start3A_443 : memref<400xi32, #tpu.memory_space<vmem>>) target_semaphore(%dma_start3A_440 : memref<!tpu.dma_semaphore, #tpu.memory_space<semaphore_mem>>)
    %dma_wait3A_447 = arith.constant 0 : i32
    %dma_wait3A_448 = arith.constant 3 : i32
    %dma_wait3A_449 = arith.constant 3 : i32
    %dma_wait3A_450 = arith.constant 0 : i32
    %dma_wait3A_451 = tpu.memref_slice %arg7[%dma_wait3A_448, %dma_wait3A_450] : memref<4x400xi32, #tpu.memory_space<vmem>> -> memref<1x400xi32, #tpu.memory_space<vmem>>
    %dma_wait3A_452 = tpu.memref_squeeze %dma_wait3A_451 : memref<1x400xi32, #tpu.memory_space<vmem>> -> memref<400xi32, #tpu.memory_space<vmem>>
    %dma_wait3A_453 = arith.constant 0 : i32
    %dma_wait3A_454 = tpu.memref_slice %arg3[%dma_wait3A_447, %dma_wait3A_453] : memref<16000x400xi32, #tpu.memory_space<hbm>> -> memref<1x400xi32, #tpu.memory_space<hbm>>
    %dma_wait3A_455 = tpu.memref_squeeze %dma_wait3A_454 : memref<1x400xi32, #tpu.memory_space<hbm>> -> memref<400xi32, #tpu.memory_space<hbm>>
    %dma_wait3A_456 = tpu.memref_slice %arg11[%dma_wait3A_449] : memref<4x!tpu.dma_semaphore, #tpu.memory_space<semaphore_mem>> -> memref<1x!tpu.dma_semaphore, #tpu.memory_space<semaphore_mem>>
    %dma_wait3A_457 = tpu.memref_squeeze %dma_wait3A_456 : memref<1x!tpu.dma_semaphore, #tpu.memory_space<semaphore_mem>> -> memref<!tpu.dma_semaphore, #tpu.memory_space<semaphore_mem>>
    %dma_wait3A_458 = arith.constant 0 : i32
    %dma_wait3A_459 = tpu.memref_slice %arg7[%dma_wait3A_448, %dma_wait3A_458] : memref<4x400xi32, #tpu.memory_space<vmem>> -> memref<1x400xi32, #tpu.memory_space<vmem>>
    %dma_wait3A_460 = tpu.memref_squeeze %dma_wait3A_459 : memref<1x400xi32, #tpu.memory_space<vmem>> -> memref<400xi32, #tpu.memory_space<vmem>>
    %dma_wait3A_461 = arith.constant 0 : i32
    %dma_wait3A_462 = tpu.memref_slice %arg3[%dma_wait3A_447, %dma_wait3A_461] : memref<16000x400xi32, #tpu.memory_space<hbm>> -> memref<1x400xi32, #tpu.memory_space<hbm>>
    %dma_wait3A_463 = tpu.memref_squeeze %dma_wait3A_462 : memref<1x400xi32, #tpu.memory_space<hbm>> -> memref<400xi32, #tpu.memory_space<hbm>>
    tpu.wait_dma2 semaphore(%dma_wait3A_457 : memref<!tpu.dma_semaphore, #tpu.memory_space<semaphore_mem>>) src(%dma_wait3A_463 : memref<400xi32, #tpu.memory_space<hbm>>) dst(%dma_wait3A_460 : memref<400xi32, #tpu.memory_space<vmem>>)
    %dma_wait3A_464 = arith.constant 0 : i32
    %dma_wait3A_465 = arith.constant 3 : i32
    %dma_wait3A_466 = arith.constant 3 : i32
    %dma_wait3A_467 = arith.constant 0 : i32
    %dma_wait3A_468 = tpu.memref_slice %arg8[%dma_wait3A_465, %dma_wait3A_467] : memref<4x400xi32, #tpu.memory_space<vmem>> -> memref<1x400xi32, #tpu.memory_space<vmem>>
    %dma_wait3A_469 = tpu.memref_squeeze %dma_wait3A_468 : memref<1x400xi32, #tpu.memory_space<vmem>> -> memref<400xi32, #tpu.memory_space<vmem>>
    %dma_wait3A_470 = arith.constant 0 : i32
    %dma_wait3A_471 = tpu.memref_slice %arg3[%dma_wait3A_464, %dma_wait3A_470] : memref<16000x400xi32, #tpu.memory_space<hbm>> -> memref<1x400xi32, #tpu.memory_space<hbm>>
    %dma_wait3A_472 = tpu.memref_squeeze %dma_wait3A_471 : memref<1x400xi32, #tpu.memory_space<hbm>> -> memref<400xi32, #tpu.memory_space<hbm>>
    %dma_wait3A_473 = tpu.memref_slice %arg11[%dma_wait3A_466] : memref<4x!tpu.dma_semaphore, #tpu.memory_space<semaphore_mem>> -> memref<1x!tpu.dma_semaphore, #tpu.memory_space<semaphore_mem>>
    %dma_wait3A_474 = tpu.memref_squeeze %dma_wait3A_473 : memref<1x!tpu.dma_semaphore, #tpu.memory_space<semaphore_mem>> -> memref<!tpu.dma_semaphore, #tpu.memory_space<semaphore_mem>>
    %dma_wait3A_475 = arith.constant 0 : i32
    %dma_wait3A_476 = tpu.memref_slice %arg8[%dma_wait3A_465, %dma_wait3A_475] : memref<4x400xi32, #tpu.memory_space<vmem>> -> memref<1x400xi32, #tpu.memory_space<vmem>>
    %dma_wait3A_477 = tpu.memref_squeeze %dma_wait3A_476 : memref<1x400xi32, #tpu.memory_space<vmem>> -> memref<400xi32, #tpu.memory_space<vmem>>
    %dma_wait3A_478 = arith.constant 0 : i32
    %dma_wait3A_479 = tpu.memref_slice %arg3[%dma_wait3A_464, %dma_wait3A_478] : memref<16000x400xi32, #tpu.memory_space<hbm>> -> memref<1x400xi32, #tpu.memory_space<hbm>>
    %dma_wait3A_480 = tpu.memref_squeeze %dma_wait3A_479 : memref<1x400xi32, #tpu.memory_space<hbm>> -> memref<400xi32, #tpu.memory_space<hbm>>
    tpu.wait_dma2 semaphore(%dma_wait3A_474 : memref<!tpu.dma_semaphore, #tpu.memory_space<semaphore_mem>>) src(%dma_wait3A_480 : memref<400xi32, #tpu.memory_space<hbm>>) dst(%dma_wait3A_477 : memref<400xi32, #tpu.memory_space<vmem>>)
    %dma_start3A_481 = arith.constant 3 : i32
    %dma_start3A_482 = arith.constant 3 : i32
    %dma_start3A_483 = arith.constant 3 : i32
    %dma_start3A_484 = arith.constant 0 : i32
    %dma_start3A_485 = arith.constant 0 : i32
    %dma_start3A_486 = tpu.memref_slice %arg9[%dma_start3A_482, %dma_start3A_484, %dma_start3A_485] : memref<4x400x16xf32, #tpu.memory_space<vmem>> -> memref<1x400x16xf32, #tpu.memory_space<vmem>>
    %dma_start3A_487 = tpu.memref_squeeze %dma_start3A_486 : memref<1x400x16xf32, #tpu.memory_space<vmem>> -> memref<400x16xf32, #tpu.memory_space<vmem>>
    %dma_start3A_488 = arith.constant 0 : i32
    %dma_start3A_489 = tpu.memref_slice %arg7[%dma_start3A_481, %dma_start3A_488] : memref<4x400xi32, #tpu.memory_space<vmem>> -> memref<1x400xi32, #tpu.memory_space<vmem>>
    %dma_start3A_490 = tpu.memref_squeeze %dma_start3A_489 : memref<1x400xi32, #tpu.memory_space<vmem>> -> memref<400xi32, #tpu.memory_space<vmem>>
    %dma_start3A_491 = arith.constant 0 : i32
    %dma_start3A_492 = arith.constant 0 : i32
    %dma_start3A_493 = tpu.memref_slice %arg2[%dma_start3A_491, %dma_start3A_492] : memref<100000x16xf32, #tpu.memory_space<hbm>> -> memref<100000x16xf32, #tpu.memory_space<hbm>>
    %dma_start3A_494 = tpu.memref_slice %arg12[%dma_start3A_483] : memref<4x!tpu.dma_semaphore, #tpu.memory_space<semaphore_mem>> -> memref<1x!tpu.dma_semaphore, #tpu.memory_space<semaphore_mem>>
    %dma_start3A_495 = tpu.memref_squeeze %dma_start3A_494 : memref<1x!tpu.dma_semaphore, #tpu.memory_space<semaphore_mem>> -> memref<!tpu.dma_semaphore, #tpu.memory_space<semaphore_mem>>
    tpu.enqueue_indirect_dma source(%dma_start3A_493 : memref<100000x16xf32, #tpu.memory_space<hbm>>) target(%dma_start3A_487 : memref<400x16xf32, #tpu.memory_space<vmem>>) offsets(%dma_start3A_490 : memref<400xi32, #tpu.memory_space<vmem>>) semaphore(%dma_start3A_495 : memref<!tpu.dma_semaphore, #tpu.memory_space<semaphore_mem>>)
    %dma_wait3A_496 = arith.constant 3 : i32
    %dma_wait3A_497 = arith.constant 3 : i32
    %dma_wait3A_498 = arith.constant 0 : i32
    %dma_wait3A_499 = arith.constant 0 : i32
    %dma_wait3A_500 = tpu.memref_slice %arg9[%dma_wait3A_496, %dma_wait3A_498, %dma_wait3A_499] : memref<4x400x16xf32, #tpu.memory_space<vmem>> -> memref<1x400x16xf32, #tpu.memory_space<vmem>>
    %dma_wait3A_501 = tpu.memref_squeeze %dma_wait3A_500 : memref<1x400x16xf32, #tpu.memory_space<vmem>> -> memref<400x16xf32, #tpu.memory_space<vmem>>
    %dma_wait3A_502 = arith.constant 0 : i32
    %dma_wait3A_503 = arith.constant 0 : i32
    %dma_wait3A_504 = tpu.memref_slice %arg2[%dma_wait3A_502, %dma_wait3A_503] : memref<100000x16xf32, #tpu.memory_space<hbm>> -> memref<400x16xf32, #tpu.memory_space<hbm>>
    %dma_wait3A_505 = tpu.memref_slice %arg12[%dma_wait3A_497] : memref<4x!tpu.dma_semaphore, #tpu.memory_space<semaphore_mem>> -> memref<1x!tpu.dma_semaphore, #tpu.memory_space<semaphore_mem>>
    %dma_wait3A_506 = tpu.memref_squeeze %dma_wait3A_505 : memref<1x!tpu.dma_semaphore, #tpu.memory_space<semaphore_mem>> -> memref<!tpu.dma_semaphore, #tpu.memory_space<semaphore_mem>>
    %dma_wait3A_507 = arith.constant 0 : i32
    %dma_wait3A_508 = arith.constant 0 : i32
    %dma_wait3A_509 = tpu.memref_slice %arg9[%dma_wait3A_496, %dma_wait3A_507, %dma_wait3A_508] : memref<4x400x16xf32, #tpu.memory_space<vmem>> -> memref<1x400x16xf32, #tpu.memory_space<vmem>>
    %dma_wait3A_510 = tpu.memref_squeeze %dma_wait3A_509 : memref<1x400x16xf32, #tpu.memory_space<vmem>> -> memref<400x16xf32, #tpu.memory_space<vmem>>
    %dma_wait3A_511 = arith.constant 0 : i32
    %dma_wait3A_512 = arith.constant 0 : i32
    %dma_wait3A_513 = tpu.memref_slice %arg2[%dma_wait3A_511, %dma_wait3A_512] : memref<100000x16xf32, #tpu.memory_space<hbm>> -> memref<400x16xf32, #tpu.memory_space<hbm>>
    tpu.wait_dma2 semaphore(%dma_wait3A_506 : memref<!tpu.dma_semaphore, #tpu.memory_space<semaphore_mem>>) src(%dma_wait3A_513 : memref<400x16xf32, #tpu.memory_space<hbm>>) dst(%dma_wait3A_510 : memref<400x16xf32, #tpu.memory_space<vmem>>)
    %dma_start3A_514 = arith.constant 3 : i32
    %dma_start3A_515 = arith.constant 3 : i32
    %dma_start3A_516 = arith.constant 3 : i32
    %dma_start3A_517 = arith.constant 0 : i32
    %dma_start3A_518 = arith.constant 0 : i32
    %dma_start3A_519 = tpu.memref_slice %arg9[%dma_start3A_514, %dma_start3A_517, %dma_start3A_518] : memref<4x400x16xf32, #tpu.memory_space<vmem>> -> memref<1x400x16xf32, #tpu.memory_space<vmem>>
    %dma_start3A_520 = tpu.memref_squeeze %dma_start3A_519 : memref<1x400x16xf32, #tpu.memory_space<vmem>> -> memref<400x16xf32, #tpu.memory_space<vmem>>
    %dma_start3A_521 = arith.constant 0 : i32
    %dma_start3A_522 = tpu.memref_slice %arg8[%dma_start3A_515, %dma_start3A_521] : memref<4x400xi32, #tpu.memory_space<vmem>> -> memref<1x400xi32, #tpu.memory_space<vmem>>
    %dma_start3A_523 = tpu.memref_squeeze %dma_start3A_522 : memref<1x400xi32, #tpu.memory_space<vmem>> -> memref<400xi32, #tpu.memory_space<vmem>>
    %dma_start3A_524 = arith.constant 0 : i32
    %dma_start3A_525 = arith.constant 0 : i32
    %dma_start3A_526 = tpu.memref_slice %arg10[%dma_start3A_524, %dma_start3A_525] : memref<100096x16xf32, #tpu.memory_space<vmem_shared>> -> memref<100096x16xf32, #tpu.memory_space<vmem_shared>>
    %dma_start3A_527 = tpu.memref_slice %arg13[%dma_start3A_516] : memref<4x!tpu.dma_semaphore, #tpu.memory_space<semaphore_mem>> -> memref<1x!tpu.dma_semaphore, #tpu.memory_space<semaphore_mem>>
    %dma_start3A_528 = tpu.memref_squeeze %dma_start3A_527 : memref<1x!tpu.dma_semaphore, #tpu.memory_space<semaphore_mem>> -> memref<!tpu.dma_semaphore, #tpu.memory_space<semaphore_mem>>
    tpu.enqueue_indirect_dma source(%dma_start3A_520 : memref<400x16xf32, #tpu.memory_space<vmem>>) target(%dma_start3A_526 : memref<100096x16xf32, #tpu.memory_space<vmem_shared>>) offsets(%dma_start3A_523 : memref<400xi32, #tpu.memory_space<vmem>>) semaphore(%dma_start3A_528 : memref<!tpu.dma_semaphore, #tpu.memory_space<semaphore_mem>>) {add = true}
    %dma_wait3A_529 = arith.constant 1 : i32
    %dma_wait3A_530 = arith.constant 1 : i32
    %dma_wait3A_531 = arith.constant 0 : i32
    %dma_wait3A_532 = arith.constant 0 : i32
    %dma_wait3A_533 = tpu.memref_slice %arg9[%dma_wait3A_529, %dma_wait3A_531, %dma_wait3A_532] : memref<4x400x16xf32, #tpu.memory_space<vmem>> -> memref<1x400x16xf32, #tpu.memory_space<vmem>>
    %dma_wait3A_534 = tpu.memref_squeeze %dma_wait3A_533 : memref<1x400x16xf32, #tpu.memory_space<vmem>> -> memref<400x16xf32, #tpu.memory_space<vmem>>
    %dma_wait3A_535 = arith.constant 0 : i32
    %dma_wait3A_536 = arith.constant 0 : i32
    %dma_wait3A_537 = tpu.memref_slice %arg2[%dma_wait3A_535, %dma_wait3A_536] : memref<100000x16xf32, #tpu.memory_space<hbm>> -> memref<400x16xf32, #tpu.memory_space<hbm>>
    %dma_wait3A_538 = tpu.memref_slice %arg13[%dma_wait3A_530] : memref<4x!tpu.dma_semaphore, #tpu.memory_space<semaphore_mem>> -> memref<1x!tpu.dma_semaphore, #tpu.memory_space<semaphore_mem>>
    %dma_wait3A_539 = tpu.memref_squeeze %dma_wait3A_538 : memref<1x!tpu.dma_semaphore, #tpu.memory_space<semaphore_mem>> -> memref<!tpu.dma_semaphore, #tpu.memory_space<semaphore_mem>>
    %dma_wait3A_540 = arith.constant 0 : i32
    %dma_wait3A_541 = arith.constant 0 : i32
    %dma_wait3A_542 = tpu.memref_slice %arg9[%dma_wait3A_529, %dma_wait3A_540, %dma_wait3A_541] : memref<4x400x16xf32, #tpu.memory_space<vmem>> -> memref<1x400x16xf32, #tpu.memory_space<vmem>>
    %dma_wait3A_543 = tpu.memref_squeeze %dma_wait3A_542 : memref<1x400x16xf32, #tpu.memory_space<vmem>> -> memref<400x16xf32, #tpu.memory_space<vmem>>
    %dma_wait3A_544 = arith.constant 0 : i32
    %dma_wait3A_545 = arith.constant 0 : i32
    %dma_wait3A_546 = tpu.memref_slice %arg2[%dma_wait3A_544, %dma_wait3A_545] : memref<100000x16xf32, #tpu.memory_space<hbm>> -> memref<400x16xf32, #tpu.memory_space<hbm>>
    tpu.wait_dma2 semaphore(%dma_wait3A_539 : memref<!tpu.dma_semaphore, #tpu.memory_space<semaphore_mem>>) src(%dma_wait3A_546 : memref<400x16xf32, #tpu.memory_space<hbm>>) dst(%dma_wait3A_543 : memref<400x16xf32, #tpu.memory_space<vmem>>)
    %add3A_547 = arith.constant 5 : i32
    %add3A_548 = arith.addi %mul3A_4, %add3A_547 : i32
    %dma_start3A_549 = arith.constant 1 : i32
    %dma_start3A_550 = arith.constant 1 : i32
    %dma_start3A_551 = arith.constant 0 : i32
    %dma_start3A_552 = tpu.memref_slice %arg7[%dma_start3A_549, %dma_start3A_551] : memref<4x400xi32, #tpu.memory_space<vmem>> -> memref<1x400xi32, #tpu.memory_space<vmem>>
    %dma_start3A_553 = tpu.memref_squeeze %dma_start3A_552 : memref<1x400xi32, #tpu.memory_space<vmem>> -> memref<400xi32, #tpu.memory_space<vmem>>
    %dma_start3A_554 = arith.constant 0 : i32
    %dma_start3A_555 = tpu.memref_slice %arg3[%add3A_548, %dma_start3A_554] : memref<16000x400xi32, #tpu.memory_space<hbm>> -> memref<1x400xi32, #tpu.memory_space<hbm>>
    %dma_start3A_556 = tpu.memref_squeeze %dma_start3A_555 : memref<1x400xi32, #tpu.memory_space<hbm>> -> memref<400xi32, #tpu.memory_space<hbm>>
    %dma_start3A_557 = tpu.memref_slice %arg11[%dma_start3A_550] : memref<4x!tpu.dma_semaphore, #tpu.memory_space<semaphore_mem>> -> memref<1x!tpu.dma_semaphore, #tpu.memory_space<semaphore_mem>>
    %dma_start3A_558 = tpu.memref_squeeze %dma_start3A_557 : memref<1x!tpu.dma_semaphore, #tpu.memory_space<semaphore_mem>> -> memref<!tpu.dma_semaphore, #tpu.memory_space<semaphore_mem>>
    %dma_start3A_559 = arith.constant 0 : i32
    %dma_start3A_560 = tpu.memref_slice %arg7[%dma_start3A_549, %dma_start3A_559] : memref<4x400xi32, #tpu.memory_space<vmem>> -> memref<1x400xi32, #tpu.memory_space<vmem>>
    %dma_start3A_561 = tpu.memref_squeeze %dma_start3A_560 : memref<1x400xi32, #tpu.memory_space<vmem>> -> memref<400xi32, #tpu.memory_space<vmem>>
    %dma_start3A_562 = arith.constant 0 : i32
    %dma_start3A_563 = tpu.memref_slice %arg3[%add3A_548, %dma_start3A_562] : memref<16000x400xi32, #tpu.memory_space<hbm>> -> memref<1x400xi32, #tpu.memory_space<hbm>>
    %dma_start3A_564 = tpu.memref_squeeze %dma_start3A_563 : memref<1x400xi32, #tpu.memory_space<hbm>> -> memref<400xi32, #tpu.memory_space<hbm>>
    tpu.enqueue_dma source(%dma_start3A_564 : memref<400xi32, #tpu.memory_space<hbm>>) target(%dma_start3A_561 : memref<400xi32, #tpu.memory_space<vmem>>) target_semaphore(%dma_start3A_558 : memref<!tpu.dma_semaphore, #tpu.memory_space<semaphore_mem>>)
    %add3A_565 = arith.constant 5 : i32
    %add3A_566 = arith.addi %mul3A_4, %add3A_565 : i32
    %dma_start3A_567 = arith.constant 1 : i32
    %dma_start3A_568 = arith.constant 1 : i32
    %dma_start3A_569 = arith.constant 0 : i32
    %dma_start3A_570 = tpu.memref_slice %arg8[%dma_start3A_567, %dma_start3A_569] : memref<4x400xi32, #tpu.memory_space<vmem>> -> memref<1x400xi32, #tpu.memory_space<vmem>>
    %dma_start3A_571 = tpu.memref_squeeze %dma_start3A_570 : memref<1x400xi32, #tpu.memory_space<vmem>> -> memref<400xi32, #tpu.memory_space<vmem>>
    %dma_start3A_572 = arith.constant 0 : i32
    %dma_start3A_573 = tpu.memref_slice %arg4[%add3A_566, %dma_start3A_572] : memref<16000x400xi32, #tpu.memory_space<hbm>> -> memref<1x400xi32, #tpu.memory_space<hbm>>
    %dma_start3A_574 = tpu.memref_squeeze %dma_start3A_573 : memref<1x400xi32, #tpu.memory_space<hbm>> -> memref<400xi32, #tpu.memory_space<hbm>>
    %dma_start3A_575 = tpu.memref_slice %arg11[%dma_start3A_568] : memref<4x!tpu.dma_semaphore, #tpu.memory_space<semaphore_mem>> -> memref<1x!tpu.dma_semaphore, #tpu.memory_space<semaphore_mem>>
    %dma_start3A_576 = tpu.memref_squeeze %dma_start3A_575 : memref<1x!tpu.dma_semaphore, #tpu.memory_space<semaphore_mem>> -> memref<!tpu.dma_semaphore, #tpu.memory_space<semaphore_mem>>
    %dma_start3A_577 = arith.constant 0 : i32
    %dma_start3A_578 = tpu.memref_slice %arg8[%dma_start3A_567, %dma_start3A_577] : memref<4x400xi32, #tpu.memory_space<vmem>> -> memref<1x400xi32, #tpu.memory_space<vmem>>
    %dma_start3A_579 = tpu.memref_squeeze %dma_start3A_578 : memref<1x400xi32, #tpu.memory_space<vmem>> -> memref<400xi32, #tpu.memory_space<vmem>>
    %dma_start3A_580 = arith.constant 0 : i32
    %dma_start3A_581 = tpu.memref_slice %arg4[%add3A_566, %dma_start3A_580] : memref<16000x400xi32, #tpu.memory_space<hbm>> -> memref<1x400xi32, #tpu.memory_space<hbm>>
    %dma_start3A_582 = tpu.memref_squeeze %dma_start3A_581 : memref<1x400xi32, #tpu.memory_space<hbm>> -> memref<400xi32, #tpu.memory_space<hbm>>
    tpu.enqueue_dma source(%dma_start3A_582 : memref<400xi32, #tpu.memory_space<hbm>>) target(%dma_start3A_579 : memref<400xi32, #tpu.memory_space<vmem>>) target_semaphore(%dma_start3A_576 : memref<!tpu.dma_semaphore, #tpu.memory_space<semaphore_mem>>)
    %dma_wait3A_583 = arith.constant 0 : i32
    %dma_wait3A_584 = arith.constant 0 : i32
    %dma_wait3A_585 = arith.constant 0 : i32
    %dma_wait3A_586 = arith.constant 0 : i32
    %dma_wait3A_587 = tpu.memref_slice %arg7[%dma_wait3A_584, %dma_wait3A_586] : memref<4x400xi32, #tpu.memory_space<vmem>> -> memref<1x400xi32, #tpu.memory_space<vmem>>
    %dma_wait3A_588 = tpu.memref_squeeze %dma_wait3A_587 : memref<1x400xi32, #tpu.memory_space<vmem>> -> memref<400xi32, #tpu.memory_space<vmem>>
    %dma_wait3A_589 = arith.constant 0 : i32
    %dma_wait3A_590 = tpu.memref_slice %arg3[%dma_wait3A_583, %dma_wait3A_589] : memref<16000x400xi32, #tpu.memory_space<hbm>> -> memref<1x400xi32, #tpu.memory_space<hbm>>
    %dma_wait3A_591 = tpu.memref_squeeze %dma_wait3A_590 : memref<1x400xi32, #tpu.memory_space<hbm>> -> memref<400xi32, #tpu.memory_space<hbm>>
    %dma_wait3A_592 = tpu.memref_slice %arg11[%dma_wait3A_585] : memref<4x!tpu.dma_semaphore, #tpu.memory_space<semaphore_mem>> -> memref<1x!tpu.dma_semaphore, #tpu.memory_space<semaphore_mem>>
    %dma_wait3A_593 = tpu.memref_squeeze %dma_wait3A_592 : memref<1x!tpu.dma_semaphore, #tpu.memory_space<semaphore_mem>> -> memref<!tpu.dma_semaphore, #tpu.memory_space<semaphore_mem>>
    %dma_wait3A_594 = arith.constant 0 : i32
    %dma_wait3A_595 = tpu.memref_slice %arg7[%dma_wait3A_584, %dma_wait3A_594] : memref<4x400xi32, #tpu.memory_space<vmem>> -> memref<1x400xi32, #tpu.memory_space<vmem>>
    %dma_wait3A_596 = tpu.memref_squeeze %dma_wait3A_595 : memref<1x400xi32, #tpu.memory_space<vmem>> -> memref<400xi32, #tpu.memory_space<vmem>>
    %dma_wait3A_597 = arith.constant 0 : i32
    %dma_wait3A_598 = tpu.memref_slice %arg3[%dma_wait3A_583, %dma_wait3A_597] : memref<16000x400xi32, #tpu.memory_space<hbm>> -> memref<1x400xi32, #tpu.memory_space<hbm>>
    %dma_wait3A_599 = tpu.memref_squeeze %dma_wait3A_598 : memref<1x400xi32, #tpu.memory_space<hbm>> -> memref<400xi32, #tpu.memory_space<hbm>>
    tpu.wait_dma2 semaphore(%dma_wait3A_593 : memref<!tpu.dma_semaphore, #tpu.memory_space<semaphore_mem>>) src(%dma_wait3A_599 : memref<400xi32, #tpu.memory_space<hbm>>) dst(%dma_wait3A_596 : memref<400xi32, #tpu.memory_space<vmem>>)
    %dma_wait3A_600 = arith.constant 0 : i32
    %dma_wait3A_601 = arith.constant 0 : i32
    %dma_wait3A_602 = arith.constant 0 : i32
    %dma_wait3A_603 = arith.constant 0 : i32
    %dma_wait3A_604 = tpu.memref_slice %arg8[%dma_wait3A_601, %dma_wait3A_603] : memref<4x400xi32, #tpu.memory_space<vmem>> -> memref<1x400xi32, #tpu.memory_space<vmem>>
    %dma_wait3A_605 = tpu.memref_squeeze %dma_wait3A_604 : memref<1x400xi32, #tpu.memory_space<vmem>> -> memref<400xi32, #tpu.memory_space<vmem>>
    %dma_wait3A_606 = arith.constant 0 : i32
    %dma_wait3A_607 = tpu.memref_slice %arg3[%dma_wait3A_600, %dma_wait3A_606] : memref<16000x400xi32, #tpu.memory_space<hbm>> -> memref<1x400xi32, #tpu.memory_space<hbm>>
    %dma_wait3A_608 = tpu.memref_squeeze %dma_wait3A_607 : memref<1x400xi32, #tpu.memory_space<hbm>> -> memref<400xi32, #tpu.memory_space<hbm>>
    %dma_wait3A_609 = tpu.memref_slice %arg11[%dma_wait3A_602] : memref<4x!tpu.dma_semaphore, #tpu.memory_space<semaphore_mem>> -> memref<1x!tpu.dma_semaphore, #tpu.memory_space<semaphore_mem>>
    %dma_wait3A_610 = tpu.memref_squeeze %dma_wait3A_609 : memref<1x!tpu.dma_semaphore, #tpu.memory_space<semaphore_mem>> -> memref<!tpu.dma_semaphore, #tpu.memory_space<semaphore_mem>>
    %dma_wait3A_611 = arith.constant 0 : i32
    %dma_wait3A_612 = tpu.memref_slice %arg8[%dma_wait3A_601, %dma_wait3A_611] : memref<4x400xi32, #tpu.memory_space<vmem>> -> memref<1x400xi32, #tpu.memory_space<vmem>>
    %dma_wait3A_613 = tpu.memref_squeeze %dma_wait3A_612 : memref<1x400xi32, #tpu.memory_space<vmem>> -> memref<400xi32, #tpu.memory_space<vmem>>
    %dma_wait3A_614 = arith.constant 0 : i32
    %dma_wait3A_615 = tpu.memref_slice %arg3[%dma_wait3A_600, %dma_wait3A_614] : memref<16000x400xi32, #tpu.memory_space<hbm>> -> memref<1x400xi32, #tpu.memory_space<hbm>>
    %dma_wait3A_616 = tpu.memref_squeeze %dma_wait3A_615 : memref<1x400xi32, #tpu.memory_space<hbm>> -> memref<400xi32, #tpu.memory_space<hbm>>
    tpu.wait_dma2 semaphore(%dma_wait3A_610 : memref<!tpu.dma_semaphore, #tpu.memory_space<semaphore_mem>>) src(%dma_wait3A_616 : memref<400xi32, #tpu.memory_space<hbm>>) dst(%dma_wait3A_613 : memref<400xi32, #tpu.memory_space<vmem>>)
    %dma_start3A_617 = arith.constant 0 : i32
    %dma_start3A_618 = arith.constant 0 : i32
    %dma_start3A_619 = arith.constant 0 : i32
    %dma_start3A_620 = arith.constant 0 : i32
    %dma_start3A_621 = arith.constant 0 : i32
    %dma_start3A_622 = tpu.memref_slice %arg9[%dma_start3A_618, %dma_start3A_620, %dma_start3A_621] : memref<4x400x16xf32, #tpu.memory_space<vmem>> -> memref<1x400x16xf32, #tpu.memory_space<vmem>>
    %dma_start3A_623 = tpu.memref_squeeze %dma_start3A_622 : memref<1x400x16xf32, #tpu.memory_space<vmem>> -> memref<400x16xf32, #tpu.memory_space<vmem>>
    %dma_start3A_624 = arith.constant 0 : i32
    %dma_start3A_625 = tpu.memref_slice %arg7[%dma_start3A_617, %dma_start3A_624] : memref<4x400xi32, #tpu.memory_space<vmem>> -> memref<1x400xi32, #tpu.memory_space<vmem>>
    %dma_start3A_626 = tpu.memref_squeeze %dma_start3A_625 : memref<1x400xi32, #tpu.memory_space<vmem>> -> memref<400xi32, #tpu.memory_space<vmem>>
    %dma_start3A_627 = arith.constant 0 : i32
    %dma_start3A_628 = arith.constant 0 : i32
    %dma_start3A_629 = tpu.memref_slice %arg2[%dma_start3A_627, %dma_start3A_628] : memref<100000x16xf32, #tpu.memory_space<hbm>> -> memref<100000x16xf32, #tpu.memory_space<hbm>>
    %dma_start3A_630 = tpu.memref_slice %arg12[%dma_start3A_619] : memref<4x!tpu.dma_semaphore, #tpu.memory_space<semaphore_mem>> -> memref<1x!tpu.dma_semaphore, #tpu.memory_space<semaphore_mem>>
    %dma_start3A_631 = tpu.memref_squeeze %dma_start3A_630 : memref<1x!tpu.dma_semaphore, #tpu.memory_space<semaphore_mem>> -> memref<!tpu.dma_semaphore, #tpu.memory_space<semaphore_mem>>
    tpu.enqueue_indirect_dma source(%dma_start3A_629 : memref<100000x16xf32, #tpu.memory_space<hbm>>) target(%dma_start3A_623 : memref<400x16xf32, #tpu.memory_space<vmem>>) offsets(%dma_start3A_626 : memref<400xi32, #tpu.memory_space<vmem>>) semaphore(%dma_start3A_631 : memref<!tpu.dma_semaphore, #tpu.memory_space<semaphore_mem>>)
    %scan3A = arith.constant 0 : i32
    %scan3A_632 = arith.constant 123 : i32
    %scan3A_633 = arith.addi %scan3A, %scan3A_632 : i32
    %scan3A_634 = arith.constant 1 : i32
    scf.for %scan3A_1100 = %scan3A to %scan3A_633 step %scan3A_634  : i32 {
      %mul3A_1101 = arith.constant 1 : i32
      %mul3A_1102 = arith.muli %scan3A_1100, %mul3A_1101 : i32
      %add3A_1103 = arith.constant 1 : i32
      %add3A_1104 = arith.addi %add3A_1103, %mul3A_1102 : i32
      %mul3A_1105 = arith.constant 4 : i32
      %mul3A_1106 = arith.muli %mul3A_1105, %add3A_1104 : i32
      %add3A_1107 = arith.constant 0 : i32
      %add3A_1108 = arith.addi %mul3A_1106, %add3A_1107 : i32
      %dma_wait3A_1109 = arith.constant 0 : i32
      %dma_wait3A_1110 = arith.constant 0 : i32
      %dma_wait3A_1111 = arith.constant 0 : i32
      %dma_wait3A_1112 = arith.constant 0 : i32
      %dma_wait3A_1113 = tpu.memref_slice %arg9[%dma_wait3A_1109, %dma_wait3A_1111, %dma_wait3A_1112] : memref<4x400x16xf32, #tpu.memory_space<vmem>> -> memref<1x400x16xf32, #tpu.memory_space<vmem>>
      %dma_wait3A_1114 = tpu.memref_squeeze %dma_wait3A_1113 : memref<1x400x16xf32, #tpu.memory_space<vmem>> -> memref<400x16xf32, #tpu.memory_space<vmem>>
      %dma_wait3A_1115 = arith.constant 0 : i32
      %dma_wait3A_1116 = arith.constant 0 : i32
      %dma_wait3A_1117 = tpu.memref_slice %arg2[%dma_wait3A_1115, %dma_wait3A_1116] : memref<100000x16xf32, #tpu.memory_space<hbm>> -> memref<400x16xf32, #tpu.memory_space<hbm>>
      %dma_wait3A_1118 = tpu.memref_slice %arg12[%dma_wait3A_1110] : memref<4x!tpu.dma_semaphore, #tpu.memory_space<semaphore_mem>> -> memref<1x!tpu.dma_semaphore, #tpu.memory_space<semaphore_mem>>
      %dma_wait3A_1119 = tpu.memref_squeeze %dma_wait3A_1118 : memref<1x!tpu.dma_semaphore, #tpu.memory_space<semaphore_mem>> -> memref<!tpu.dma_semaphore, #tpu.memory_space<semaphore_mem>>
      %dma_wait3A_1120 = arith.constant 0 : i32
      %dma_wait3A_1121 = arith.constant 0 : i32
      %dma_wait3A_1122 = tpu.memref_slice %arg9[%dma_wait3A_1109, %dma_wait3A_1120, %dma_wait3A_1121] : memref<4x400x16xf32, #tpu.memory_space<vmem>> -> memref<1x400x16xf32, #tpu.memory_space<vmem>>
      %dma_wait3A_1123 = tpu.memref_squeeze %dma_wait3A_1122 : memref<1x400x16xf32, #tpu.memory_space<vmem>> -> memref<400x16xf32, #tpu.memory_space<vmem>>
      %dma_wait3A_1124 = arith.constant 0 : i32
      %dma_wait3A_1125 = arith.constant 0 : i32
      %dma_wait3A_1126 = tpu.memref_slice %arg2[%dma_wait3A_1124, %dma_wait3A_1125] : memref<100000x16xf32, #tpu.memory_space<hbm>> -> memref<400x16xf32, #tpu.memory_space<hbm>>
      tpu.wait_dma2 semaphore(%dma_wait3A_1119 : memref<!tpu.dma_semaphore, #tpu.memory_space<semaphore_mem>>) src(%dma_wait3A_1126 : memref<400x16xf32, #tpu.memory_space<hbm>>) dst(%dma_wait3A_1123 : memref<400x16xf32, #tpu.memory_space<vmem>>)
      %dma_start3A_1127 = arith.constant 0 : i32
      %dma_start3A_1128 = arith.constant 0 : i32
      %dma_start3A_1129 = arith.constant 0 : i32
      %dma_start3A_1130 = arith.constant 0 : i32
      %dma_start3A_1131 = arith.constant 0 : i32
      %dma_start3A_1132 = tpu.memref_slice %arg9[%dma_start3A_1127, %dma_start3A_1130, %dma_start3A_1131] : memref<4x400x16xf32, #tpu.memory_space<vmem>> -> memref<1x400x16xf32, #tpu.memory_space<vmem>>
      %dma_start3A_1133 = tpu.memref_squeeze %dma_start3A_1132 : memref<1x400x16xf32, #tpu.memory_space<vmem>> -> memref<400x16xf32, #tpu.memory_space<vmem>>
      %dma_start3A_1134 = arith.constant 0 : i32
      %dma_start3A_1135 = tpu.memref_slice %arg8[%dma_start3A_1128, %dma_start3A_1134] : memref<4x400xi32, #tpu.memory_space<vmem>> -> memref<1x400xi32, #tpu.memory_space<vmem>>
      %dma_start3A_1136 = tpu.memref_squeeze %dma_start3A_1135 : memref<1x400xi32, #tpu.memory_space<vmem>> -> memref<400xi32, #tpu.memory_space<vmem>>
      %dma_start3A_1137 = arith.constant 0 : i32
      %dma_start3A_1138 = arith.constant 0 : i32
      %dma_start3A_1139 = tpu.memref_slice %arg10[%dma_start3A_1137, %dma_start3A_1138] : memref<100096x16xf32, #tpu.memory_space<vmem_shared>> -> memref<100096x16xf32, #tpu.memory_space<vmem_shared>>
      %dma_start3A_1140 = tpu.memref_slice %arg13[%dma_start3A_1129] : memref<4x!tpu.dma_semaphore, #tpu.memory_space<semaphore_mem>> -> memref<1x!tpu.dma_semaphore, #tpu.memory_space<semaphore_mem>>
      %dma_start3A_1141 = tpu.memref_squeeze %dma_start3A_1140 : memref<1x!tpu.dma_semaphore, #tpu.memory_space<semaphore_mem>> -> memref<!tpu.dma_semaphore, #tpu.memory_space<semaphore_mem>>
      tpu.enqueue_indirect_dma source(%dma_start3A_1133 : memref<400x16xf32, #tpu.memory_space<vmem>>) target(%dma_start3A_1139 : memref<100096x16xf32, #tpu.memory_space<vmem_shared>>) offsets(%dma_start3A_1136 : memref<400xi32, #tpu.memory_space<vmem>>) semaphore(%dma_start3A_1141 : memref<!tpu.dma_semaphore, #tpu.memory_space<semaphore_mem>>) {add = true}
      %dma_wait3A_1142 = arith.constant 2 : i32
      %dma_wait3A_1143 = arith.constant 2 : i32
      %dma_wait3A_1144 = arith.constant 0 : i32
      %dma_wait3A_1145 = arith.constant 0 : i32
      %dma_wait3A_1146 = tpu.memref_slice %arg9[%dma_wait3A_1142, %dma_wait3A_1144, %dma_wait3A_1145] : memref<4x400x16xf32, #tpu.memory_space<vmem>> -> memref<1x400x16xf32, #tpu.memory_space<vmem>>
      %dma_wait3A_1147 = tpu.memref_squeeze %dma_wait3A_1146 : memref<1x400x16xf32, #tpu.memory_space<vmem>> -> memref<400x16xf32, #tpu.memory_space<vmem>>
      %dma_wait3A_1148 = arith.constant 0 : i32
      %dma_wait3A_1149 = arith.constant 0 : i32
      %dma_wait3A_1150 = tpu.memref_slice %arg2[%dma_wait3A_1148, %dma_wait3A_1149] : memref<100000x16xf32, #tpu.memory_space<hbm>> -> memref<400x16xf32, #tpu.memory_space<hbm>>
      %dma_wait3A_1151 = tpu.memref_slice %arg13[%dma_wait3A_1143] : memref<4x!tpu.dma_semaphore, #tpu.memory_space<semaphore_mem>> -> memref<1x!tpu.dma_semaphore, #tpu.memory_space<semaphore_mem>>
      %dma_wait3A_1152 = tpu.memref_squeeze %dma_wait3A_1151 : memref<1x!tpu.dma_semaphore, #tpu.memory_space<semaphore_mem>> -> memref<!tpu.dma_semaphore, #tpu.memory_space<semaphore_mem>>
      %dma_wait3A_1153 = arith.constant 0 : i32
      %dma_wait3A_1154 = arith.constant 0 : i32
      %dma_wait3A_1155 = tpu.memref_slice %arg9[%dma_wait3A_1142, %dma_wait3A_1153, %dma_wait3A_1154] : memref<4x400x16xf32, #tpu.memory_space<vmem>> -> memref<1x400x16xf32, #tpu.memory_space<vmem>>
      %dma_wait3A_1156 = tpu.memref_squeeze %dma_wait3A_1155 : memref<1x400x16xf32, #tpu.memory_space<vmem>> -> memref<400x16xf32, #tpu.memory_space<vmem>>
      %dma_wait3A_1157 = arith.constant 0 : i32
      %dma_wait3A_1158 = arith.constant 0 : i32
      %dma_wait3A_1159 = tpu.memref_slice %arg2[%dma_wait3A_1157, %dma_wait3A_1158] : memref<100000x16xf32, #tpu.memory_space<hbm>> -> memref<400x16xf32, #tpu.memory_space<hbm>>
      tpu.wait_dma2 semaphore(%dma_wait3A_1152 : memref<!tpu.dma_semaphore, #tpu.memory_space<semaphore_mem>>) src(%dma_wait3A_1159 : memref<400x16xf32, #tpu.memory_space<hbm>>) dst(%dma_wait3A_1156 : memref<400x16xf32, #tpu.memory_space<vmem>>)
      %add3A_1160 = arith.constant 2 : i32
      %add3A_1161 = arith.addi %add3A_1108, %add3A_1160 : i32
      %add3A_1162 = arith.addi %mul3A_4, %add3A_1161 : i32
      %dma_start3A_1163 = arith.constant 2 : i32
      %dma_start3A_1164 = arith.constant 2 : i32
      %dma_start3A_1165 = arith.constant 0 : i32
      %dma_start3A_1166 = tpu.memref_slice %arg7[%dma_start3A_1163, %dma_start3A_1165] : memref<4x400xi32, #tpu.memory_space<vmem>> -> memref<1x400xi32, #tpu.memory_space<vmem>>
      %dma_start3A_1167 = tpu.memref_squeeze %dma_start3A_1166 : memref<1x400xi32, #tpu.memory_space<vmem>> -> memref<400xi32, #tpu.memory_space<vmem>>
      %dma_start3A_1168 = arith.constant 0 : i32
      %dma_start3A_1169 = tpu.memref_slice %arg3[%add3A_1162, %dma_start3A_1168] : memref<16000x400xi32, #tpu.memory_space<hbm>> -> memref<1x400xi32, #tpu.memory_space<hbm>>
      %dma_start3A_1170 = tpu.memref_squeeze %dma_start3A_1169 : memref<1x400xi32, #tpu.memory_space<hbm>> -> memref<400xi32, #tpu.memory_space<hbm>>
      %dma_start3A_1171 = tpu.memref_slice %arg11[%dma_start3A_1164] : memref<4x!tpu.dma_semaphore, #tpu.memory_space<semaphore_mem>> -> memref<1x!tpu.dma_semaphore, #tpu.memory_space<semaphore_mem>>
      %dma_start3A_1172 = tpu.memref_squeeze %dma_start3A_1171 : memref<1x!tpu.dma_semaphore, #tpu.memory_space<semaphore_mem>> -> memref<!tpu.dma_semaphore, #tpu.memory_space<semaphore_mem>>
      %dma_start3A_1173 = arith.constant 0 : i32
      %dma_start3A_1174 = tpu.memref_slice %arg7[%dma_start3A_1163, %dma_start3A_1173] : memref<4x400xi32, #tpu.memory_space<vmem>> -> memref<1x400xi32, #tpu.memory_space<vmem>>
      %dma_start3A_1175 = tpu.memref_squeeze %dma_start3A_1174 : memref<1x400xi32, #tpu.memory_space<vmem>> -> memref<400xi32, #tpu.memory_space<vmem>>
      %dma_start3A_1176 = arith.constant 0 : i32
      %dma_start3A_1177 = tpu.memref_slice %arg3[%add3A_1162, %dma_start3A_1176] : memref<16000x400xi32, #tpu.memory_space<hbm>> -> memref<1x400xi32, #tpu.memory_space<hbm>>
      %dma_start3A_1178 = tpu.memref_squeeze %dma_start3A_1177 : memref<1x400xi32, #tpu.memory_space<hbm>> -> memref<400xi32, #tpu.memory_space<hbm>>
      tpu.enqueue_dma source(%dma_start3A_1178 : memref<400xi32, #tpu.memory_space<hbm>>) target(%dma_start3A_1175 : memref<400xi32, #tpu.memory_space<vmem>>) target_semaphore(%dma_start3A_1172 : memref<!tpu.dma_semaphore, #tpu.memory_space<semaphore_mem>>)
      %add3A_1179 = arith.addi %mul3A_4, %add3A_1161 : i32
      %dma_start3A_1180 = arith.constant 2 : i32
      %dma_start3A_1181 = arith.constant 2 : i32
      %dma_start3A_1182 = arith.constant 0 : i32
      %dma_start3A_1183 = tpu.memref_slice %arg8[%dma_start3A_1180, %dma_start3A_1182] : memref<4x400xi32, #tpu.memory_space<vmem>> -> memref<1x400xi32, #tpu.memory_space<vmem>>
      %dma_start3A_1184 = tpu.memref_squeeze %dma_start3A_1183 : memref<1x400xi32, #tpu.memory_space<vmem>> -> memref<400xi32, #tpu.memory_space<vmem>>
      %dma_start3A_1185 = arith.constant 0 : i32
      %dma_start3A_1186 = tpu.memref_slice %arg4[%add3A_1179, %dma_start3A_1185] : memref<16000x400xi32, #tpu.memory_space<hbm>> -> memref<1x400xi32, #tpu.memory_space<hbm>>
      %dma_start3A_1187 = tpu.memref_squeeze %dma_start3A_1186 : memref<1x400xi32, #tpu.memory_space<hbm>> -> memref<400xi32, #tpu.memory_space<hbm>>
      %dma_start3A_1188 = tpu.memref_slice %arg11[%dma_start3A_1181] : memref<4x!tpu.dma_semaphore, #tpu.memory_space<semaphore_mem>> -> memref<1x!tpu.dma_semaphore, #tpu.memory_space<semaphore_mem>>
      %dma_start3A_1189 = tpu.memref_squeeze %dma_start3A_1188 : memref<1x!tpu.dma_semaphore, #tpu.memory_space<semaphore_mem>> -> memref<!tpu.dma_semaphore, #tpu.memory_space<semaphore_mem>>
      %dma_start3A_1190 = arith.constant 0 : i32
      %dma_start3A_1191 = tpu.memref_slice %arg8[%dma_start3A_1180, %dma_start3A_1190] : memref<4x400xi32, #tpu.memory_space<vmem>> -> memref<1x400xi32, #tpu.memory_space<vmem>>
      %dma_start3A_1192 = tpu.memref_squeeze %dma_start3A_1191 : memref<1x400xi32, #tpu.memory_space<vmem>> -> memref<400xi32, #tpu.memory_space<vmem>>
      %dma_start3A_1193 = arith.constant 0 : i32
      %dma_start3A_1194 = tpu.memref_slice %arg4[%add3A_1179, %dma_start3A_1193] : memref<16000x400xi32, #tpu.memory_space<hbm>> -> memref<1x400xi32, #tpu.memory_space<hbm>>
      %dma_start3A_1195 = tpu.memref_squeeze %dma_start3A_1194 : memref<1x400xi32, #tpu.memory_space<hbm>> -> memref<400xi32, #tpu.memory_space<hbm>>
      tpu.enqueue_dma source(%dma_start3A_1195 : memref<400xi32, #tpu.memory_space<hbm>>) target(%dma_start3A_1192 : memref<400xi32, #tpu.memory_space<vmem>>) target_semaphore(%dma_start3A_1189 : memref<!tpu.dma_semaphore, #tpu.memory_space<semaphore_mem>>)
      %dma_wait3A_1196 = arith.constant 0 : i32
      %dma_wait3A_1197 = arith.constant 1 : i32
      %dma_wait3A_1198 = arith.constant 1 : i32
      %dma_wait3A_1199 = arith.constant 0 : i32
      %dma_wait3A_1200 = tpu.memref_slice %arg7[%dma_wait3A_1197, %dma_wait3A_1199] : memref<4x400xi32, #tpu.memory_space<vmem>> -> memref<1x400xi32, #tpu.memory_space<vmem>>
      %dma_wait3A_1201 = tpu.memref_squeeze %dma_wait3A_1200 : memref<1x400xi32, #tpu.memory_space<vmem>> -> memref<400xi32, #tpu.memory_space<vmem>>
      %dma_wait3A_1202 = arith.constant 0 : i32
      %dma_wait3A_1203 = tpu.memref_slice %arg3[%dma_wait3A_1196, %dma_wait3A_1202] : memref<16000x400xi32, #tpu.memory_space<hbm>> -> memref<1x400xi32, #tpu.memory_space<hbm>>
      %dma_wait3A_1204 = tpu.memref_squeeze %dma_wait3A_1203 : memref<1x400xi32, #tpu.memory_space<hbm>> -> memref<400xi32, #tpu.memory_space<hbm>>
      %dma_wait3A_1205 = tpu.memref_slice %arg11[%dma_wait3A_1198] : memref<4x!tpu.dma_semaphore, #tpu.memory_space<semaphore_mem>> -> memref<1x!tpu.dma_semaphore, #tpu.memory_space<semaphore_mem>>
      %dma_wait3A_1206 = tpu.memref_squeeze %dma_wait3A_1205 : memref<1x!tpu.dma_semaphore, #tpu.memory_space<semaphore_mem>> -> memref<!tpu.dma_semaphore, #tpu.memory_space<semaphore_mem>>
      %dma_wait3A_1207 = arith.constant 0 : i32
      %dma_wait3A_1208 = tpu.memref_slice %arg7[%dma_wait3A_1197, %dma_wait3A_1207] : memref<4x400xi32, #tpu.memory_space<vmem>> -> memref<1x400xi32, #tpu.memory_space<vmem>>
      %dma_wait3A_1209 = tpu.memref_squeeze %dma_wait3A_1208 : memref<1x400xi32, #tpu.memory_space<vmem>> -> memref<400xi32, #tpu.memory_space<vmem>>
      %dma_wait3A_1210 = arith.constant 0 : i32
      %dma_wait3A_1211 = tpu.memref_slice %arg3[%dma_wait3A_1196, %dma_wait3A_1210] : memref<16000x400xi32, #tpu.memory_space<hbm>> -> memref<1x400xi32, #tpu.memory_space<hbm>>
      %dma_wait3A_1212 = tpu.memref_squeeze %dma_wait3A_1211 : memref<1x400xi32, #tpu.memory_space<hbm>> -> memref<400xi32, #tpu.memory_space<hbm>>
      tpu.wait_dma2 semaphore(%dma_wait3A_1206 : memref<!tpu.dma_semaphore, #tpu.memory_space<semaphore_mem>>) src(%dma_wait3A_1212 : memref<400xi32, #tpu.memory_space<hbm>>) dst(%dma_wait3A_1209 : memref<400xi32, #tpu.memory_space<vmem>>)
      %dma_wait3A_1213 = arith.constant 0 : i32
      %dma_wait3A_1214 = arith.constant 1 : i32
      %dma_wait3A_1215 = arith.constant 1 : i32
      %dma_wait3A_1216 = arith.constant 0 : i32
      %dma_wait3A_1217 = tpu.memref_slice %arg8[%dma_wait3A_1214, %dma_wait3A_1216] : memref<4x400xi32, #tpu.memory_space<vmem>> -> memref<1x400xi32, #tpu.memory_space<vmem>>
      %dma_wait3A_1218 = tpu.memref_squeeze %dma_wait3A_1217 : memref<1x400xi32, #tpu.memory_space<vmem>> -> memref<400xi32, #tpu.memory_space<vmem>>
      %dma_wait3A_1219 = arith.constant 0 : i32
      %dma_wait3A_1220 = tpu.memref_slice %arg3[%dma_wait3A_1213, %dma_wait3A_1219] : memref<16000x400xi32, #tpu.memory_space<hbm>> -> memref<1x400xi32, #tpu.memory_space<hbm>>
      %dma_wait3A_1221 = tpu.memref_squeeze %dma_wait3A_1220 : memref<1x400xi32, #tpu.memory_space<hbm>> -> memref<400xi32, #tpu.memory_space<hbm>>
      %dma_wait3A_1222 = tpu.memref_slice %arg11[%dma_wait3A_1215] : memref<4x!tpu.dma_semaphore, #tpu.memory_space<semaphore_mem>> -> memref<1x!tpu.dma_semaphore, #tpu.memory_space<semaphore_mem>>
      %dma_wait3A_1223 = tpu.memref_squeeze %dma_wait3A_1222 : memref<1x!tpu.dma_semaphore, #tpu.memory_space<semaphore_mem>> -> memref<!tpu.dma_semaphore, #tpu.memory_space<semaphore_mem>>
      %dma_wait3A_1224 = arith.constant 0 : i32
      %dma_wait3A_1225 = tpu.memref_slice %arg8[%dma_wait3A_1214, %dma_wait3A_1224] : memref<4x400xi32, #tpu.memory_space<vmem>> -> memref<1x400xi32, #tpu.memory_space<vmem>>
      %dma_wait3A_1226 = tpu.memref_squeeze %dma_wait3A_1225 : memref<1x400xi32, #tpu.memory_space<vmem>> -> memref<400xi32, #tpu.memory_space<vmem>>
      %dma_wait3A_1227 = arith.constant 0 : i32
      %dma_wait3A_1228 = tpu.memref_slice %arg3[%dma_wait3A_1213, %dma_wait3A_1227] : memref<16000x400xi32, #tpu.memory_space<hbm>> -> memref<1x400xi32, #tpu.memory_space<hbm>>
      %dma_wait3A_1229 = tpu.memref_squeeze %dma_wait3A_1228 : memref<1x400xi32, #tpu.memory_space<hbm>> -> memref<400xi32, #tpu.memory_space<hbm>>
      tpu.wait_dma2 semaphore(%dma_wait3A_1223 : memref<!tpu.dma_semaphore, #tpu.memory_space<semaphore_mem>>) src(%dma_wait3A_1229 : memref<400xi32, #tpu.memory_space<hbm>>) dst(%dma_wait3A_1226 : memref<400xi32, #tpu.memory_space<vmem>>)
      %dma_start3A_1230 = arith.constant 1 : i32
      %dma_start3A_1231 = arith.constant 1 : i32
      %dma_start3A_1232 = arith.constant 1 : i32
      %dma_start3A_1233 = arith.constant 0 : i32
      %dma_start3A_1234 = arith.constant 0 : i32
      %dma_start3A_1235 = tpu.memref_slice %arg9[%dma_start3A_1231, %dma_start3A_1233, %dma_start3A_1234] : memref<4x400x16xf32, #tpu.memory_space<vmem>> -> memref<1x400x16xf32, #tpu.memory_space<vmem>>
      %dma_start3A_1236 = tpu.memref_squeeze %dma_start3A_1235 : memref<1x400x16xf32, #tpu.memory_space<vmem>> -> memref<400x16xf32, #tpu.memory_space<vmem>>
      %dma_start3A_1237 = arith.constant 0 : i32
      %dma_start3A_1238 = tpu.memref_slice %arg7[%dma_start3A_1230, %dma_start3A_1237] : memref<4x400xi32, #tpu.memory_space<vmem>> -> memref<1x400xi32, #tpu.memory_space<vmem>>
      %dma_start3A_1239 = tpu.memref_squeeze %dma_start3A_1238 : memref<1x400xi32, #tpu.memory_space<vmem>> -> memref<400xi32, #tpu.memory_space<vmem>>
      %dma_start3A_1240 = arith.constant 0 : i32
      %dma_start3A_1241 = arith.constant 0 : i32
      %dma_start3A_1242 = tpu.memref_slice %arg2[%dma_start3A_1240, %dma_start3A_1241] : memref<100000x16xf32, #tpu.memory_space<hbm>> -> memref<100000x16xf32, #tpu.memory_space<hbm>>
      %dma_start3A_1243 = tpu.memref_slice %arg12[%dma_start3A_1232] : memref<4x!tpu.dma_semaphore, #tpu.memory_space<semaphore_mem>> -> memref<1x!tpu.dma_semaphore, #tpu.memory_space<semaphore_mem>>
      %dma_start3A_1244 = tpu.memref_squeeze %dma_start3A_1243 : memref<1x!tpu.dma_semaphore, #tpu.memory_space<semaphore_mem>> -> memref<!tpu.dma_semaphore, #tpu.memory_space<semaphore_mem>>
      tpu.enqueue_indirect_dma source(%dma_start3A_1242 : memref<100000x16xf32, #tpu.memory_space<hbm>>) target(%dma_start3A_1236 : memref<400x16xf32, #tpu.memory_space<vmem>>) offsets(%dma_start3A_1239 : memref<400xi32, #tpu.memory_space<vmem>>) semaphore(%dma_start3A_1244 : memref<!tpu.dma_semaphore, #tpu.memory_space<semaphore_mem>>)
      %add3A_1245 = arith.constant 1 : i32
      %add3A_1246 = arith.addi %mul3A_1106, %add3A_1245 : i32
      %dma_wait3A_1247 = arith.constant 1 : i32
      %dma_wait3A_1248 = arith.constant 1 : i32
      %dma_wait3A_1249 = arith.constant 0 : i32
      %dma_wait3A_1250 = arith.constant 0 : i32
      %dma_wait3A_1251 = tpu.memref_slice %arg9[%dma_wait3A_1247, %dma_wait3A_1249, %dma_wait3A_1250] : memref<4x400x16xf32, #tpu.memory_space<vmem>> -> memref<1x400x16xf32, #tpu.memory_space<vmem>>
      %dma_wait3A_1252 = tpu.memref_squeeze %dma_wait3A_1251 : memref<1x400x16xf32, #tpu.memory_space<vmem>> -> memref<400x16xf32, #tpu.memory_space<vmem>>
      %dma_wait3A_1253 = arith.constant 0 : i32
      %dma_wait3A_1254 = arith.constant 0 : i32
      %dma_wait3A_1255 = tpu.memref_slice %arg2[%dma_wait3A_1253, %dma_wait3A_1254] : memref<100000x16xf32, #tpu.memory_space<hbm>> -> memref<400x16xf32, #tpu.memory_space<hbm>>
      %dma_wait3A_1256 = tpu.memref_slice %arg12[%dma_wait3A_1248] : memref<4x!tpu.dma_semaphore, #tpu.memory_space<semaphore_mem>> -> memref<1x!tpu.dma_semaphore, #tpu.memory_space<semaphore_mem>>
      %dma_wait3A_1257 = tpu.memref_squeeze %dma_wait3A_1256 : memref<1x!tpu.dma_semaphore, #tpu.memory_space<semaphore_mem>> -> memref<!tpu.dma_semaphore, #tpu.memory_space<semaphore_mem>>
      %dma_wait3A_1258 = arith.constant 0 : i32
      %dma_wait3A_1259 = arith.constant 0 : i32
      %dma_wait3A_1260 = tpu.memref_slice %arg9[%dma_wait3A_1247, %dma_wait3A_1258, %dma_wait3A_1259] : memref<4x400x16xf32, #tpu.memory_space<vmem>> -> memref<1x400x16xf32, #tpu.memory_space<vmem>>
      %dma_wait3A_1261 = tpu.memref_squeeze %dma_wait3A_1260 : memref<1x400x16xf32, #tpu.memory_space<vmem>> -> memref<400x16xf32, #tpu.memory_space<vmem>>
      %dma_wait3A_1262 = arith.constant 0 : i32
      %dma_wait3A_1263 = arith.constant 0 : i32
      %dma_wait3A_1264 = tpu.memref_slice %arg2[%dma_wait3A_1262, %dma_wait3A_1263] : memref<100000x16xf32, #tpu.memory_space<hbm>> -> memref<400x16xf32, #tpu.memory_space<hbm>>
      tpu.wait_dma2 semaphore(%dma_wait3A_1257 : memref<!tpu.dma_semaphore, #tpu.memory_space<semaphore_mem>>) src(%dma_wait3A_1264 : memref<400x16xf32, #tpu.memory_space<hbm>>) dst(%dma_wait3A_1261 : memref<400x16xf32, #tpu.memory_space<vmem>>)
      %dma_start3A_1265 = arith.constant 1 : i32
      %dma_start3A_1266 = arith.constant 1 : i32
      %dma_start3A_1267 = arith.constant 1 : i32
      %dma_start3A_1268 = arith.constant 0 : i32
      %dma_start3A_1269 = arith.constant 0 : i32
      %dma_start3A_1270 = tpu.memref_slice %arg9[%dma_start3A_1265, %dma_start3A_1268, %dma_start3A_1269] : memref<4x400x16xf32, #tpu.memory_space<vmem>> -> memref<1x400x16xf32, #tpu.memory_space<vmem>>
      %dma_start3A_1271 = tpu.memref_squeeze %dma_start3A_1270 : memref<1x400x16xf32, #tpu.memory_space<vmem>> -> memref<400x16xf32, #tpu.memory_space<vmem>>
      %dma_start3A_1272 = arith.constant 0 : i32
      %dma_start3A_1273 = tpu.memref_slice %arg8[%dma_start3A_1266, %dma_start3A_1272] : memref<4x400xi32, #tpu.memory_space<vmem>> -> memref<1x400xi32, #tpu.memory_space<vmem>>
      %dma_start3A_1274 = tpu.memref_squeeze %dma_start3A_1273 : memref<1x400xi32, #tpu.memory_space<vmem>> -> memref<400xi32, #tpu.memory_space<vmem>>
      %dma_start3A_1275 = arith.constant 0 : i32
      %dma_start3A_1276 = arith.constant 0 : i32
      %dma_start3A_1277 = tpu.memref_slice %arg10[%dma_start3A_1275, %dma_start3A_1276] : memref<100096x16xf32, #tpu.memory_space<vmem_shared>> -> memref<100096x16xf32, #tpu.memory_space<vmem_shared>>
      %dma_start3A_1278 = tpu.memref_slice %arg13[%dma_start3A_1267] : memref<4x!tpu.dma_semaphore, #tpu.memory_space<semaphore_mem>> -> memref<1x!tpu.dma_semaphore, #tpu.memory_space<semaphore_mem>>
      %dma_start3A_1279 = tpu.memref_squeeze %dma_start3A_1278 : memref<1x!tpu.dma_semaphore, #tpu.memory_space<semaphore_mem>> -> memref<!tpu.dma_semaphore, #tpu.memory_space<semaphore_mem>>
      tpu.enqueue_indirect_dma source(%dma_start3A_1271 : memref<400x16xf32, #tpu.memory_space<vmem>>) target(%dma_start3A_1277 : memref<100096x16xf32, #tpu.memory_space<vmem_shared>>) offsets(%dma_start3A_1274 : memref<400xi32, #tpu.memory_space<vmem>>) semaphore(%dma_start3A_1279 : memref<!tpu.dma_semaphore, #tpu.memory_space<semaphore_mem>>) {add = true}
      %dma_wait3A_1280 = arith.constant 3 : i32
      %dma_wait3A_1281 = arith.constant 3 : i32
      %dma_wait3A_1282 = arith.constant 0 : i32
      %dma_wait3A_1283 = arith.constant 0 : i32
      %dma_wait3A_1284 = tpu.memref_slice %arg9[%dma_wait3A_1280, %dma_wait3A_1282, %dma_wait3A_1283] : memref<4x400x16xf32, #tpu.memory_space<vmem>> -> memref<1x400x16xf32, #tpu.memory_space<vmem>>
      %dma_wait3A_1285 = tpu.memref_squeeze %dma_wait3A_1284 : memref<1x400x16xf32, #tpu.memory_space<vmem>> -> memref<400x16xf32, #tpu.memory_space<vmem>>
      %dma_wait3A_1286 = arith.constant 0 : i32
      %dma_wait3A_1287 = arith.constant 0 : i32
      %dma_wait3A_1288 = tpu.memref_slice %arg2[%dma_wait3A_1286, %dma_wait3A_1287] : memref<100000x16xf32, #tpu.memory_space<hbm>> -> memref<400x16xf32, #tpu.memory_space<hbm>>
      %dma_wait3A_1289 = tpu.memref_slice %arg13[%dma_wait3A_1281] : memref<4x!tpu.dma_semaphore, #tpu.memory_space<semaphore_mem>> -> memref<1x!tpu.dma_semaphore, #tpu.memory_space<semaphore_mem>>
      %dma_wait3A_1290 = tpu.memref_squeeze %dma_wait3A_1289 : memref<1x!tpu.dma_semaphore, #tpu.memory_space<semaphore_mem>> -> memref<!tpu.dma_semaphore, #tpu.memory_space<semaphore_mem>>
      %dma_wait3A_1291 = arith.constant 0 : i32
      %dma_wait3A_1292 = arith.constant 0 : i32
      %dma_wait3A_1293 = tpu.memref_slice %arg9[%dma_wait3A_1280, %dma_wait3A_1291, %dma_wait3A_1292] : memref<4x400x16xf32, #tpu.memory_space<vmem>> -> memref<1x400x16xf32, #tpu.memory_space<vmem>>
      %dma_wait3A_1294 = tpu.memref_squeeze %dma_wait3A_1293 : memref<1x400x16xf32, #tpu.memory_space<vmem>> -> memref<400x16xf32, #tpu.memory_space<vmem>>
      %dma_wait3A_1295 = arith.constant 0 : i32
      %dma_wait3A_1296 = arith.constant 0 : i32
      %dma_wait3A_1297 = tpu.memref_slice %arg2[%dma_wait3A_1295, %dma_wait3A_1296] : memref<100000x16xf32, #tpu.memory_space<hbm>> -> memref<400x16xf32, #tpu.memory_space<hbm>>
      tpu.wait_dma2 semaphore(%dma_wait3A_1290 : memref<!tpu.dma_semaphore, #tpu.memory_space<semaphore_mem>>) src(%dma_wait3A_1297 : memref<400x16xf32, #tpu.memory_space<hbm>>) dst(%dma_wait3A_1294 : memref<400x16xf32, #tpu.memory_space<vmem>>)
      %add3A_1298 = arith.constant 2 : i32
      %add3A_1299 = arith.addi %add3A_1246, %add3A_1298 : i32
      %add3A_1300 = arith.addi %mul3A_4, %add3A_1299 : i32
      %dma_start3A_1301 = arith.constant 3 : i32
      %dma_start3A_1302 = arith.constant 3 : i32
      %dma_start3A_1303 = arith.constant 0 : i32
      %dma_start3A_1304 = tpu.memref_slice %arg7[%dma_start3A_1301, %dma_start3A_1303] : memref<4x400xi32, #tpu.memory_space<vmem>> -> memref<1x400xi32, #tpu.memory_space<vmem>>
      %dma_start3A_1305 = tpu.memref_squeeze %dma_start3A_1304 : memref<1x400xi32, #tpu.memory_space<vmem>> -> memref<400xi32, #tpu.memory_space<vmem>>
      %dma_start3A_1306 = arith.constant 0 : i32
      %dma_start3A_1307 = tpu.memref_slice %arg3[%add3A_1300, %dma_start3A_1306] : memref<16000x400xi32, #tpu.memory_space<hbm>> -> memref<1x400xi32, #tpu.memory_space<hbm>>
      %dma_start3A_1308 = tpu.memref_squeeze %dma_start3A_1307 : memref<1x400xi32, #tpu.memory_space<hbm>> -> memref<400xi32, #tpu.memory_space<hbm>>
      %dma_start3A_1309 = tpu.memref_slice %arg11[%dma_start3A_1302] : memref<4x!tpu.dma_semaphore, #tpu.memory_space<semaphore_mem>> -> memref<1x!tpu.dma_semaphore, #tpu.memory_space<semaphore_mem>>
      %dma_start3A_1310 = tpu.memref_squeeze %dma_start3A_1309 : memref<1x!tpu.dma_semaphore, #tpu.memory_space<semaphore_mem>> -> memref<!tpu.dma_semaphore, #tpu.memory_space<semaphore_mem>>
      %dma_start3A_1311 = arith.constant 0 : i32
      %dma_start3A_1312 = tpu.memref_slice %arg7[%dma_start3A_1301, %dma_start3A_1311] : memref<4x400xi32, #tpu.memory_space<vmem>> -> memref<1x400xi32, #tpu.memory_space<vmem>>
      %dma_start3A_1313 = tpu.memref_squeeze %dma_start3A_1312 : memref<1x400xi32, #tpu.memory_space<vmem>> -> memref<400xi32, #tpu.memory_space<vmem>>
      %dma_start3A_1314 = arith.constant 0 : i32
      %dma_start3A_1315 = tpu.memref_slice %arg3[%add3A_1300, %dma_start3A_1314] : memref<16000x400xi32, #tpu.memory_space<hbm>> -> memref<1x400xi32, #tpu.memory_space<hbm>>
      %dma_start3A_1316 = tpu.memref_squeeze %dma_start3A_1315 : memref<1x400xi32, #tpu.memory_space<hbm>> -> memref<400xi32, #tpu.memory_space<hbm>>
      tpu.enqueue_dma source(%dma_start3A_1316 : memref<400xi32, #tpu.memory_space<hbm>>) target(%dma_start3A_1313 : memref<400xi32, #tpu.memory_space<vmem>>) target_semaphore(%dma_start3A_1310 : memref<!tpu.dma_semaphore, #tpu.memory_space<semaphore_mem>>)
      %add3A_1317 = arith.addi %mul3A_4, %add3A_1299 : i32
      %dma_start3A_1318 = arith.constant 3 : i32
      %dma_start3A_1319 = arith.constant 3 : i32
      %dma_start3A_1320 = arith.constant 0 : i32
      %dma_start3A_1321 = tpu.memref_slice %arg8[%dma_start3A_1318, %dma_start3A_1320] : memref<4x400xi32, #tpu.memory_space<vmem>> -> memref<1x400xi32, #tpu.memory_space<vmem>>
      %dma_start3A_1322 = tpu.memref_squeeze %dma_start3A_1321 : memref<1x400xi32, #tpu.memory_space<vmem>> -> memref<400xi32, #tpu.memory_space<vmem>>
      %dma_start3A_1323 = arith.constant 0 : i32
      %dma_start3A_1324 = tpu.memref_slice %arg4[%add3A_1317, %dma_start3A_1323] : memref<16000x400xi32, #tpu.memory_space<hbm>> -> memref<1x400xi32, #tpu.memory_space<hbm>>
      %dma_start3A_1325 = tpu.memref_squeeze %dma_start3A_1324 : memref<1x400xi32, #tpu.memory_space<hbm>> -> memref<400xi32, #tpu.memory_space<hbm>>
      %dma_start3A_1326 = tpu.memref_slice %arg11[%dma_start3A_1319] : memref<4x!tpu.dma_semaphore, #tpu.memory_space<semaphore_mem>> -> memref<1x!tpu.dma_semaphore, #tpu.memory_space<semaphore_mem>>
      %dma_start3A_1327 = tpu.memref_squeeze %dma_start3A_1326 : memref<1x!tpu.dma_semaphore, #tpu.memory_space<semaphore_mem>> -> memref<!tpu.dma_semaphore, #tpu.memory_space<semaphore_mem>>
      %dma_start3A_1328 = arith.constant 0 : i32
      %dma_start3A_1329 = tpu.memref_slice %arg8[%dma_start3A_1318, %dma_start3A_1328] : memref<4x400xi32, #tpu.memory_space<vmem>> -> memref<1x400xi32, #tpu.memory_space<vmem>>
      %dma_start3A_1330 = tpu.memref_squeeze %dma_start3A_1329 : memref<1x400xi32, #tpu.memory_space<vmem>> -> memref<400xi32, #tpu.memory_space<vmem>>
      %dma_start3A_1331 = arith.constant 0 : i32
      %dma_start3A_1332 = tpu.memref_slice %arg4[%add3A_1317, %dma_start3A_1331] : memref<16000x400xi32, #tpu.memory_space<hbm>> -> memref<1x400xi32, #tpu.memory_space<hbm>>
      %dma_start3A_1333 = tpu.memref_squeeze %dma_start3A_1332 : memref<1x400xi32, #tpu.memory_space<hbm>> -> memref<400xi32, #tpu.memory_space<hbm>>
      tpu.enqueue_dma source(%dma_start3A_1333 : memref<400xi32, #tpu.memory_space<hbm>>) target(%dma_start3A_1330 : memref<400xi32, #tpu.memory_space<vmem>>) target_semaphore(%dma_start3A_1327 : memref<!tpu.dma_semaphore, #tpu.memory_space<semaphore_mem>>)
      %dma_wait3A_1334 = arith.constant 0 : i32
      %dma_wait3A_1335 = arith.constant 2 : i32
      %dma_wait3A_1336 = arith.constant 2 : i32
      %dma_wait3A_1337 = arith.constant 0 : i32
      %dma_wait3A_1338 = tpu.memref_slice %arg7[%dma_wait3A_1335, %dma_wait3A_1337] : memref<4x400xi32, #tpu.memory_space<vmem>> -> memref<1x400xi32, #tpu.memory_space<vmem>>
      %dma_wait3A_1339 = tpu.memref_squeeze %dma_wait3A_1338 : memref<1x400xi32, #tpu.memory_space<vmem>> -> memref<400xi32, #tpu.memory_space<vmem>>
      %dma_wait3A_1340 = arith.constant 0 : i32
      %dma_wait3A_1341 = tpu.memref_slice %arg3[%dma_wait3A_1334, %dma_wait3A_1340] : memref<16000x400xi32, #tpu.memory_space<hbm>> -> memref<1x400xi32, #tpu.memory_space<hbm>>
      %dma_wait3A_1342 = tpu.memref_squeeze %dma_wait3A_1341 : memref<1x400xi32, #tpu.memory_space<hbm>> -> memref<400xi32, #tpu.memory_space<hbm>>
      %dma_wait3A_1343 = tpu.memref_slice %arg11[%dma_wait3A_1336] : memref<4x!tpu.dma_semaphore, #tpu.memory_space<semaphore_mem>> -> memref<1x!tpu.dma_semaphore, #tpu.memory_space<semaphore_mem>>
      %dma_wait3A_1344 = tpu.memref_squeeze %dma_wait3A_1343 : memref<1x!tpu.dma_semaphore, #tpu.memory_space<semaphore_mem>> -> memref<!tpu.dma_semaphore, #tpu.memory_space<semaphore_mem>>
      %dma_wait3A_1345 = arith.constant 0 : i32
      %dma_wait3A_1346 = tpu.memref_slice %arg7[%dma_wait3A_1335, %dma_wait3A_1345] : memref<4x400xi32, #tpu.memory_space<vmem>> -> memref<1x400xi32, #tpu.memory_space<vmem>>
      %dma_wait3A_1347 = tpu.memref_squeeze %dma_wait3A_1346 : memref<1x400xi32, #tpu.memory_space<vmem>> -> memref<400xi32, #tpu.memory_space<vmem>>
      %dma_wait3A_1348 = arith.constant 0 : i32
      %dma_wait3A_1349 = tpu.memref_slice %arg3[%dma_wait3A_1334, %dma_wait3A_1348] : memref<16000x400xi32, #tpu.memory_space<hbm>> -> memref<1x400xi32, #tpu.memory_space<hbm>>
      %dma_wait3A_1350 = tpu.memref_squeeze %dma_wait3A_1349 : memref<1x400xi32, #tpu.memory_space<hbm>> -> memref<400xi32, #tpu.memory_space<hbm>>
      tpu.wait_dma2 semaphore(%dma_wait3A_1344 : memref<!tpu.dma_semaphore, #tpu.memory_space<semaphore_mem>>) src(%dma_wait3A_1350 : memref<400xi32, #tpu.memory_space<hbm>>) dst(%dma_wait3A_1347 : memref<400xi32, #tpu.memory_space<vmem>>)
      %dma_wait3A_1351 = arith.constant 0 : i32
      %dma_wait3A_1352 = arith.constant 2 : i32
      %dma_wait3A_1353 = arith.constant 2 : i32
      %dma_wait3A_1354 = arith.constant 0 : i32
      %dma_wait3A_1355 = tpu.memref_slice %arg8[%dma_wait3A_1352, %dma_wait3A_1354] : memref<4x400xi32, #tpu.memory_space<vmem>> -> memref<1x400xi32, #tpu.memory_space<vmem>>
      %dma_wait3A_1356 = tpu.memref_squeeze %dma_wait3A_1355 : memref<1x400xi32, #tpu.memory_space<vmem>> -> memref<400xi32, #tpu.memory_space<vmem>>
      %dma_wait3A_1357 = arith.constant 0 : i32
      %dma_wait3A_1358 = tpu.memref_slice %arg3[%dma_wait3A_1351, %dma_wait3A_1357] : memref<16000x400xi32, #tpu.memory_space<hbm>> -> memref<1x400xi32, #tpu.memory_space<hbm>>
      %dma_wait3A_1359 = tpu.memref_squeeze %dma_wait3A_1358 : memref<1x400xi32, #tpu.memory_space<hbm>> -> memref<400xi32, #tpu.memory_space<hbm>>
      %dma_wait3A_1360 = tpu.memref_slice %arg11[%dma_wait3A_1353] : memref<4x!tpu.dma_semaphore, #tpu.memory_space<semaphore_mem>> -> memref<1x!tpu.dma_semaphore, #tpu.memory_space<semaphore_mem>>
      %dma_wait3A_1361 = tpu.memref_squeeze %dma_wait3A_1360 : memref<1x!tpu.dma_semaphore, #tpu.memory_space<semaphore_mem>> -> memref<!tpu.dma_semaphore, #tpu.memory_space<semaphore_mem>>
      %dma_wait3A_1362 = arith.constant 0 : i32
      %dma_wait3A_1363 = tpu.memref_slice %arg8[%dma_wait3A_1352, %dma_wait3A_1362] : memref<4x400xi32, #tpu.memory_space<vmem>> -> memref<1x400xi32, #tpu.memory_space<vmem>>
      %dma_wait3A_1364 = tpu.memref_squeeze %dma_wait3A_1363 : memref<1x400xi32, #tpu.memory_space<vmem>> -> memref<400xi32, #tpu.memory_space<vmem>>
      %dma_wait3A_1365 = arith.constant 0 : i32
      %dma_wait3A_1366 = tpu.memref_slice %arg3[%dma_wait3A_1351, %dma_wait3A_1365] : memref<16000x400xi32, #tpu.memory_space<hbm>> -> memref<1x400xi32, #tpu.memory_space<hbm>>
      %dma_wait3A_1367 = tpu.memref_squeeze %dma_wait3A_1366 : memref<1x400xi32, #tpu.memory_space<hbm>> -> memref<400xi32, #tpu.memory_space<hbm>>
      tpu.wait_dma2 semaphore(%dma_wait3A_1361 : memref<!tpu.dma_semaphore, #tpu.memory_space<semaphore_mem>>) src(%dma_wait3A_1367 : memref<400xi32, #tpu.memory_space<hbm>>) dst(%dma_wait3A_1364 : memref<400xi32, #tpu.memory_space<vmem>>)
      %dma_start3A_1368 = arith.constant 2 : i32
      %dma_start3A_1369 = arith.constant 2 : i32
      %dma_start3A_1370 = arith.constant 2 : i32
      %dma_start3A_1371 = arith.constant 0 : i32
      %dma_start3A_1372 = arith.constant 0 : i32
      %dma_start3A_1373 = tpu.memref_slice %arg9[%dma_start3A_1369, %dma_start3A_1371, %dma_start3A_1372] : memref<4x400x16xf32, #tpu.memory_space<vmem>> -> memref<1x400x16xf32, #tpu.memory_space<vmem>>
      %dma_start3A_1374 = tpu.memref_squeeze %dma_start3A_1373 : memref<1x400x16xf32, #tpu.memory_space<vmem>> -> memref<400x16xf32, #tpu.memory_space<vmem>>
      %dma_start3A_1375 = arith.constant 0 : i32
      %dma_start3A_1376 = tpu.memref_slice %arg7[%dma_start3A_1368, %dma_start3A_1375] : memref<4x400xi32, #tpu.memory_space<vmem>> -> memref<1x400xi32, #tpu.memory_space<vmem>>
      %dma_start3A_1377 = tpu.memref_squeeze %dma_start3A_1376 : memref<1x400xi32, #tpu.memory_space<vmem>> -> memref<400xi32, #tpu.memory_space<vmem>>
      %dma_start3A_1378 = arith.constant 0 : i32
      %dma_start3A_1379 = arith.constant 0 : i32
      %dma_start3A_1380 = tpu.memref_slice %arg2[%dma_start3A_1378, %dma_start3A_1379] : memref<100000x16xf32, #tpu.memory_space<hbm>> -> memref<100000x16xf32, #tpu.memory_space<hbm>>
      %dma_start3A_1381 = tpu.memref_slice %arg12[%dma_start3A_1370] : memref<4x!tpu.dma_semaphore, #tpu.memory_space<semaphore_mem>> -> memref<1x!tpu.dma_semaphore, #tpu.memory_space<semaphore_mem>>
      %dma_start3A_1382 = tpu.memref_squeeze %dma_start3A_1381 : memref<1x!tpu.dma_semaphore, #tpu.memory_space<semaphore_mem>> -> memref<!tpu.dma_semaphore, #tpu.memory_space<semaphore_mem>>
      tpu.enqueue_indirect_dma source(%dma_start3A_1380 : memref<100000x16xf32, #tpu.memory_space<hbm>>) target(%dma_start3A_1374 : memref<400x16xf32, #tpu.memory_space<vmem>>) offsets(%dma_start3A_1377 : memref<400xi32, #tpu.memory_space<vmem>>) semaphore(%dma_start3A_1382 : memref<!tpu.dma_semaphore, #tpu.memory_space<semaphore_mem>>)
      %add3A_1383 = arith.constant 2 : i32
      %add3A_1384 = arith.addi %mul3A_1106, %add3A_1383 : i32
      %dma_wait3A_1385 = arith.constant 2 : i32
      %dma_wait3A_1386 = arith.constant 2 : i32
      %dma_wait3A_1387 = arith.constant 0 : i32
      %dma_wait3A_1388 = arith.constant 0 : i32
      %dma_wait3A_1389 = tpu.memref_slice %arg9[%dma_wait3A_1385, %dma_wait3A_1387, %dma_wait3A_1388] : memref<4x400x16xf32, #tpu.memory_space<vmem>> -> memref<1x400x16xf32, #tpu.memory_space<vmem>>
      %dma_wait3A_1390 = tpu.memref_squeeze %dma_wait3A_1389 : memref<1x400x16xf32, #tpu.memory_space<vmem>> -> memref<400x16xf32, #tpu.memory_space<vmem>>
      %dma_wait3A_1391 = arith.constant 0 : i32
      %dma_wait3A_1392 = arith.constant 0 : i32
      %dma_wait3A_1393 = tpu.memref_slice %arg2[%dma_wait3A_1391, %dma_wait3A_1392] : memref<100000x16xf32, #tpu.memory_space<hbm>> -> memref<400x16xf32, #tpu.memory_space<hbm>>
      %dma_wait3A_1394 = tpu.memref_slice %arg12[%dma_wait3A_1386] : memref<4x!tpu.dma_semaphore, #tpu.memory_space<semaphore_mem>> -> memref<1x!tpu.dma_semaphore, #tpu.memory_space<semaphore_mem>>
      %dma_wait3A_1395 = tpu.memref_squeeze %dma_wait3A_1394 : memref<1x!tpu.dma_semaphore, #tpu.memory_space<semaphore_mem>> -> memref<!tpu.dma_semaphore, #tpu.memory_space<semaphore_mem>>
      %dma_wait3A_1396 = arith.constant 0 : i32
      %dma_wait3A_1397 = arith.constant 0 : i32
      %dma_wait3A_1398 = tpu.memref_slice %arg9[%dma_wait3A_1385, %dma_wait3A_1396, %dma_wait3A_1397] : memref<4x400x16xf32, #tpu.memory_space<vmem>> -> memref<1x400x16xf32, #tpu.memory_space<vmem>>
      %dma_wait3A_1399 = tpu.memref_squeeze %dma_wait3A_1398 : memref<1x400x16xf32, #tpu.memory_space<vmem>> -> memref<400x16xf32, #tpu.memory_space<vmem>>
      %dma_wait3A_1400 = arith.constant 0 : i32
      %dma_wait3A_1401 = arith.constant 0 : i32
      %dma_wait3A_1402 = tpu.memref_slice %arg2[%dma_wait3A_1400, %dma_wait3A_1401] : memref<100000x16xf32, #tpu.memory_space<hbm>> -> memref<400x16xf32, #tpu.memory_space<hbm>>
      tpu.wait_dma2 semaphore(%dma_wait3A_1395 : memref<!tpu.dma_semaphore, #tpu.memory_space<semaphore_mem>>) src(%dma_wait3A_1402 : memref<400x16xf32, #tpu.memory_space<hbm>>) dst(%dma_wait3A_1399 : memref<400x16xf32, #tpu.memory_space<vmem>>)
      %dma_start3A_1403 = arith.constant 2 : i32
      %dma_start3A_1404 = arith.constant 2 : i32
      %dma_start3A_1405 = arith.constant 2 : i32
      %dma_start3A_1406 = arith.constant 0 : i32
      %dma_start3A_1407 = arith.constant 0 : i32
      %dma_start3A_1408 = tpu.memref_slice %arg9[%dma_start3A_1403, %dma_start3A_1406, %dma_start3A_1407] : memref<4x400x16xf32, #tpu.memory_space<vmem>> -> memref<1x400x16xf32, #tpu.memory_space<vmem>>
      %dma_start3A_1409 = tpu.memref_squeeze %dma_start3A_1408 : memref<1x400x16xf32, #tpu.memory_space<vmem>> -> memref<400x16xf32, #tpu.memory_space<vmem>>
      %dma_start3A_1410 = arith.constant 0 : i32
      %dma_start3A_1411 = tpu.memref_slice %arg8[%dma_start3A_1404, %dma_start3A_1410] : memref<4x400xi32, #tpu.memory_space<vmem>> -> memref<1x400xi32, #tpu.memory_space<vmem>>
      %dma_start3A_1412 = tpu.memref_squeeze %dma_start3A_1411 : memref<1x400xi32, #tpu.memory_space<vmem>> -> memref<400xi32, #tpu.memory_space<vmem>>
      %dma_start3A_1413 = arith.constant 0 : i32
      %dma_start3A_1414 = arith.constant 0 : i32
      %dma_start3A_1415 = tpu.memref_slice %arg10[%dma_start3A_1413, %dma_start3A_1414] : memref<100096x16xf32, #tpu.memory_space<vmem_shared>> -> memref<100096x16xf32, #tpu.memory_space<vmem_shared>>
      %dma_start3A_1416 = tpu.memref_slice %arg13[%dma_start3A_1405] : memref<4x!tpu.dma_semaphore, #tpu.memory_space<semaphore_mem>> -> memref<1x!tpu.dma_semaphore, #tpu.memory_space<semaphore_mem>>
      %dma_start3A_1417 = tpu.memref_squeeze %dma_start3A_1416 : memref<1x!tpu.dma_semaphore, #tpu.memory_space<semaphore_mem>> -> memref<!tpu.dma_semaphore, #tpu.memory_space<semaphore_mem>>
      tpu.enqueue_indirect_dma source(%dma_start3A_1409 : memref<400x16xf32, #tpu.memory_space<vmem>>) target(%dma_start3A_1415 : memref<100096x16xf32, #tpu.memory_space<vmem_shared>>) offsets(%dma_start3A_1412 : memref<400xi32, #tpu.memory_space<vmem>>) semaphore(%dma_start3A_1417 : memref<!tpu.dma_semaphore, #tpu.memory_space<semaphore_mem>>) {add = true}
      %dma_wait3A_1418 = arith.constant 0 : i32
      %dma_wait3A_1419 = arith.constant 0 : i32
      %dma_wait3A_1420 = arith.constant 0 : i32
      %dma_wait3A_1421 = arith.constant 0 : i32
      %dma_wait3A_1422 = tpu.memref_slice %arg9[%dma_wait3A_1418, %dma_wait3A_1420, %dma_wait3A_1421] : memref<4x400x16xf32, #tpu.memory_space<vmem>> -> memref<1x400x16xf32, #tpu.memory_space<vmem>>
      %dma_wait3A_1423 = tpu.memref_squeeze %dma_wait3A_1422 : memref<1x400x16xf32, #tpu.memory_space<vmem>> -> memref<400x16xf32, #tpu.memory_space<vmem>>
      %dma_wait3A_1424 = arith.constant 0 : i32
      %dma_wait3A_1425 = arith.constant 0 : i32
      %dma_wait3A_1426 = tpu.memref_slice %arg2[%dma_wait3A_1424, %dma_wait3A_1425] : memref<100000x16xf32, #tpu.memory_space<hbm>> -> memref<400x16xf32, #tpu.memory_space<hbm>>
      %dma_wait3A_1427 = tpu.memref_slice %arg13[%dma_wait3A_1419] : memref<4x!tpu.dma_semaphore, #tpu.memory_space<semaphore_mem>> -> memref<1x!tpu.dma_semaphore, #tpu.memory_space<semaphore_mem>>
      %dma_wait3A_1428 = tpu.memref_squeeze %dma_wait3A_1427 : memref<1x!tpu.dma_semaphore, #tpu.memory_space<semaphore_mem>> -> memref<!tpu.dma_semaphore, #tpu.memory_space<semaphore_mem>>
      %dma_wait3A_1429 = arith.constant 0 : i32
      %dma_wait3A_1430 = arith.constant 0 : i32
      %dma_wait3A_1431 = tpu.memref_slice %arg9[%dma_wait3A_1418, %dma_wait3A_1429, %dma_wait3A_1430] : memref<4x400x16xf32, #tpu.memory_space<vmem>> -> memref<1x400x16xf32, #tpu.memory_space<vmem>>
      %dma_wait3A_1432 = tpu.memref_squeeze %dma_wait3A_1431 : memref<1x400x16xf32, #tpu.memory_space<vmem>> -> memref<400x16xf32, #tpu.memory_space<vmem>>
      %dma_wait3A_1433 = arith.constant 0 : i32
      %dma_wait3A_1434 = arith.constant 0 : i32
      %dma_wait3A_1435 = tpu.memref_slice %arg2[%dma_wait3A_1433, %dma_wait3A_1434] : memref<100000x16xf32, #tpu.memory_space<hbm>> -> memref<400x16xf32, #tpu.memory_space<hbm>>
      tpu.wait_dma2 semaphore(%dma_wait3A_1428 : memref<!tpu.dma_semaphore, #tpu.memory_space<semaphore_mem>>) src(%dma_wait3A_1435 : memref<400x16xf32, #tpu.memory_space<hbm>>) dst(%dma_wait3A_1432 : memref<400x16xf32, #tpu.memory_space<vmem>>)
      %add3A_1436 = arith.constant 2 : i32
      %add3A_1437 = arith.addi %add3A_1384, %add3A_1436 : i32
      %add3A_1438 = arith.addi %mul3A_4, %add3A_1437 : i32
      %dma_start3A_1439 = arith.constant 0 : i32
      %dma_start3A_1440 = arith.constant 0 : i32
      %dma_start3A_1441 = arith.constant 0 : i32
      %dma_start3A_1442 = tpu.memref_slice %arg7[%dma_start3A_1439, %dma_start3A_1441] : memref<4x400xi32, #tpu.memory_space<vmem>> -> memref<1x400xi32, #tpu.memory_space<vmem>>
      %dma_start3A_1443 = tpu.memref_squeeze %dma_start3A_1442 : memref<1x400xi32, #tpu.memory_space<vmem>> -> memref<400xi32, #tpu.memory_space<vmem>>
      %dma_start3A_1444 = arith.constant 0 : i32
      %dma_start3A_1445 = tpu.memref_slice %arg3[%add3A_1438, %dma_start3A_1444] : memref<16000x400xi32, #tpu.memory_space<hbm>> -> memref<1x400xi32, #tpu.memory_space<hbm>>
      %dma_start3A_1446 = tpu.memref_squeeze %dma_start3A_1445 : memref<1x400xi32, #tpu.memory_space<hbm>> -> memref<400xi32, #tpu.memory_space<hbm>>
      %dma_start3A_1447 = tpu.memref_slice %arg11[%dma_start3A_1440] : memref<4x!tpu.dma_semaphore, #tpu.memory_space<semaphore_mem>> -> memref<1x!tpu.dma_semaphore, #tpu.memory_space<semaphore_mem>>
      %dma_start3A_1448 = tpu.memref_squeeze %dma_start3A_1447 : memref<1x!tpu.dma_semaphore, #tpu.memory_space<semaphore_mem>> -> memref<!tpu.dma_semaphore, #tpu.memory_space<semaphore_mem>>
      %dma_start3A_1449 = arith.constant 0 : i32
      %dma_start3A_1450 = tpu.memref_slice %arg7[%dma_start3A_1439, %dma_start3A_1449] : memref<4x400xi32, #tpu.memory_space<vmem>> -> memref<1x400xi32, #tpu.memory_space<vmem>>
      %dma_start3A_1451 = tpu.memref_squeeze %dma_start3A_1450 : memref<1x400xi32, #tpu.memory_space<vmem>> -> memref<400xi32, #tpu.memory_space<vmem>>
      %dma_start3A_1452 = arith.constant 0 : i32
      %dma_start3A_1453 = tpu.memref_slice %arg3[%add3A_1438, %dma_start3A_1452] : memref<16000x400xi32, #tpu.memory_space<hbm>> -> memref<1x400xi32, #tpu.memory_space<hbm>>
      %dma_start3A_1454 = tpu.memref_squeeze %dma_start3A_1453 : memref<1x400xi32, #tpu.memory_space<hbm>> -> memref<400xi32, #tpu.memory_space<hbm>>
      tpu.enqueue_dma source(%dma_start3A_1454 : memref<400xi32, #tpu.memory_space<hbm>>) target(%dma_start3A_1451 : memref<400xi32, #tpu.memory_space<vmem>>) target_semaphore(%dma_start3A_1448 : memref<!tpu.dma_semaphore, #tpu.memory_space<semaphore_mem>>)
      %add3A_1455 = arith.addi %mul3A_4, %add3A_1437 : i32
      %dma_start3A_1456 = arith.constant 0 : i32
      %dma_start3A_1457 = arith.constant 0 : i32
      %dma_start3A_1458 = arith.constant 0 : i32
      %dma_start3A_1459 = tpu.memref_slice %arg8[%dma_start3A_1456, %dma_start3A_1458] : memref<4x400xi32, #tpu.memory_space<vmem>> -> memref<1x400xi32, #tpu.memory_space<vmem>>
      %dma_start3A_1460 = tpu.memref_squeeze %dma_start3A_1459 : memref<1x400xi32, #tpu.memory_space<vmem>> -> memref<400xi32, #tpu.memory_space<vmem>>
      %dma_start3A_1461 = arith.constant 0 : i32
      %dma_start3A_1462 = tpu.memref_slice %arg4[%add3A_1455, %dma_start3A_1461] : memref<16000x400xi32, #tpu.memory_space<hbm>> -> memref<1x400xi32, #tpu.memory_space<hbm>>
      %dma_start3A_1463 = tpu.memref_squeeze %dma_start3A_1462 : memref<1x400xi32, #tpu.memory_space<hbm>> -> memref<400xi32, #tpu.memory_space<hbm>>
      %dma_start3A_1464 = tpu.memref_slice %arg11[%dma_start3A_1457] : memref<4x!tpu.dma_semaphore, #tpu.memory_space<semaphore_mem>> -> memref<1x!tpu.dma_semaphore, #tpu.memory_space<semaphore_mem>>
      %dma_start3A_1465 = tpu.memref_squeeze %dma_start3A_1464 : memref<1x!tpu.dma_semaphore, #tpu.memory_space<semaphore_mem>> -> memref<!tpu.dma_semaphore, #tpu.memory_space<semaphore_mem>>
      %dma_start3A_1466 = arith.constant 0 : i32
      %dma_start3A_1467 = tpu.memref_slice %arg8[%dma_start3A_1456, %dma_start3A_1466] : memref<4x400xi32, #tpu.memory_space<vmem>> -> memref<1x400xi32, #tpu.memory_space<vmem>>
      %dma_start3A_1468 = tpu.memref_squeeze %dma_start3A_1467 : memref<1x400xi32, #tpu.memory_space<vmem>> -> memref<400xi32, #tpu.memory_space<vmem>>
      %dma_start3A_1469 = arith.constant 0 : i32
      %dma_start3A_1470 = tpu.memref_slice %arg4[%add3A_1455, %dma_start3A_1469] : memref<16000x400xi32, #tpu.memory_space<hbm>> -> memref<1x400xi32, #tpu.memory_space<hbm>>
      %dma_start3A_1471 = tpu.memref_squeeze %dma_start3A_1470 : memref<1x400xi32, #tpu.memory_space<hbm>> -> memref<400xi32, #tpu.memory_space<hbm>>
      tpu.enqueue_dma source(%dma_start3A_1471 : memref<400xi32, #tpu.memory_space<hbm>>) target(%dma_start3A_1468 : memref<400xi32, #tpu.memory_space<vmem>>) target_semaphore(%dma_start3A_1465 : memref<!tpu.dma_semaphore, #tpu.memory_space<semaphore_mem>>)
      %dma_wait3A_1472 = arith.constant 0 : i32
      %dma_wait3A_1473 = arith.constant 3 : i32
      %dma_wait3A_1474 = arith.constant 3 : i32
      %dma_wait3A_1475 = arith.constant 0 : i32
      %dma_wait3A_1476 = tpu.memref_slice %arg7[%dma_wait3A_1473, %dma_wait3A_1475] : memref<4x400xi32, #tpu.memory_space<vmem>> -> memref<1x400xi32, #tpu.memory_space<vmem>>
      %dma_wait3A_1477 = tpu.memref_squeeze %dma_wait3A_1476 : memref<1x400xi32, #tpu.memory_space<vmem>> -> memref<400xi32, #tpu.memory_space<vmem>>
      %dma_wait3A_1478 = arith.constant 0 : i32
      %dma_wait3A_1479 = tpu.memref_slice %arg3[%dma_wait3A_1472, %dma_wait3A_1478] : memref<16000x400xi32, #tpu.memory_space<hbm>> -> memref<1x400xi32, #tpu.memory_space<hbm>>
      %dma_wait3A_1480 = tpu.memref_squeeze %dma_wait3A_1479 : memref<1x400xi32, #tpu.memory_space<hbm>> -> memref<400xi32, #tpu.memory_space<hbm>>
      %dma_wait3A_1481 = tpu.memref_slice %arg11[%dma_wait3A_1474] : memref<4x!tpu.dma_semaphore, #tpu.memory_space<semaphore_mem>> -> memref<1x!tpu.dma_semaphore, #tpu.memory_space<semaphore_mem>>
      %dma_wait3A_1482 = tpu.memref_squeeze %dma_wait3A_1481 : memref<1x!tpu.dma_semaphore, #tpu.memory_space<semaphore_mem>> -> memref<!tpu.dma_semaphore, #tpu.memory_space<semaphore_mem>>
      %dma_wait3A_1483 = arith.constant 0 : i32
      %dma_wait3A_1484 = tpu.memref_slice %arg7[%dma_wait3A_1473, %dma_wait3A_1483] : memref<4x400xi32, #tpu.memory_space<vmem>> -> memref<1x400xi32, #tpu.memory_space<vmem>>
      %dma_wait3A_1485 = tpu.memref_squeeze %dma_wait3A_1484 : memref<1x400xi32, #tpu.memory_space<vmem>> -> memref<400xi32, #tpu.memory_space<vmem>>
      %dma_wait3A_1486 = arith.constant 0 : i32
      %dma_wait3A_1487 = tpu.memref_slice %arg3[%dma_wait3A_1472, %dma_wait3A_1486] : memref<16000x400xi32, #tpu.memory_space<hbm>> -> memref<1x400xi32, #tpu.memory_space<hbm>>
      %dma_wait3A_1488 = tpu.memref_squeeze %dma_wait3A_1487 : memref<1x400xi32, #tpu.memory_space<hbm>> -> memref<400xi32, #tpu.memory_space<hbm>>
      tpu.wait_dma2 semaphore(%dma_wait3A_1482 : memref<!tpu.dma_semaphore, #tpu.memory_space<semaphore_mem>>) src(%dma_wait3A_1488 : memref<400xi32, #tpu.memory_space<hbm>>) dst(%dma_wait3A_1485 : memref<400xi32, #tpu.memory_space<vmem>>)
      %dma_wait3A_1489 = arith.constant 0 : i32
      %dma_wait3A_1490 = arith.constant 3 : i32
      %dma_wait3A_1491 = arith.constant 3 : i32
      %dma_wait3A_1492 = arith.constant 0 : i32
      %dma_wait3A_1493 = tpu.memref_slice %arg8[%dma_wait3A_1490, %dma_wait3A_1492] : memref<4x400xi32, #tpu.memory_space<vmem>> -> memref<1x400xi32, #tpu.memory_space<vmem>>
      %dma_wait3A_1494 = tpu.memref_squeeze %dma_wait3A_1493 : memref<1x400xi32, #tpu.memory_space<vmem>> -> memref<400xi32, #tpu.memory_space<vmem>>
      %dma_wait3A_1495 = arith.constant 0 : i32
      %dma_wait3A_1496 = tpu.memref_slice %arg3[%dma_wait3A_1489, %dma_wait3A_1495] : memref<16000x400xi32, #tpu.memory_space<hbm>> -> memref<1x400xi32, #tpu.memory_space<hbm>>
      %dma_wait3A_1497 = tpu.memref_squeeze %dma_wait3A_1496 : memref<1x400xi32, #tpu.memory_space<hbm>> -> memref<400xi32, #tpu.memory_space<hbm>>
      %dma_wait3A_1498 = tpu.memref_slice %arg11[%dma_wait3A_1491] : memref<4x!tpu.dma_semaphore, #tpu.memory_space<semaphore_mem>> -> memref<1x!tpu.dma_semaphore, #tpu.memory_space<semaphore_mem>>
      %dma_wait3A_1499 = tpu.memref_squeeze %dma_wait3A_1498 : memref<1x!tpu.dma_semaphore, #tpu.memory_space<semaphore_mem>> -> memref<!tpu.dma_semaphore, #tpu.memory_space<semaphore_mem>>
      %dma_wait3A_1500 = arith.constant 0 : i32
      %dma_wait3A_1501 = tpu.memref_slice %arg8[%dma_wait3A_1490, %dma_wait3A_1500] : memref<4x400xi32, #tpu.memory_space<vmem>> -> memref<1x400xi32, #tpu.memory_space<vmem>>
      %dma_wait3A_1502 = tpu.memref_squeeze %dma_wait3A_1501 : memref<1x400xi32, #tpu.memory_space<vmem>> -> memref<400xi32, #tpu.memory_space<vmem>>
      %dma_wait3A_1503 = arith.constant 0 : i32
      %dma_wait3A_1504 = tpu.memref_slice %arg3[%dma_wait3A_1489, %dma_wait3A_1503] : memref<16000x400xi32, #tpu.memory_space<hbm>> -> memref<1x400xi32, #tpu.memory_space<hbm>>
      %dma_wait3A_1505 = tpu.memref_squeeze %dma_wait3A_1504 : memref<1x400xi32, #tpu.memory_space<hbm>> -> memref<400xi32, #tpu.memory_space<hbm>>
      tpu.wait_dma2 semaphore(%dma_wait3A_1499 : memref<!tpu.dma_semaphore, #tpu.memory_space<semaphore_mem>>) src(%dma_wait3A_1505 : memref<400xi32, #tpu.memory_space<hbm>>) dst(%dma_wait3A_1502 : memref<400xi32, #tpu.memory_space<vmem>>)
      %dma_start3A_1506 = arith.constant 3 : i32
      %dma_start3A_1507 = arith.constant 3 : i32
      %dma_start3A_1508 = arith.constant 3 : i32
      %dma_start3A_1509 = arith.constant 0 : i32
      %dma_start3A_1510 = arith.constant 0 : i32
      %dma_start3A_1511 = tpu.memref_slice %arg9[%dma_start3A_1507, %dma_start3A_1509, %dma_start3A_1510] : memref<4x400x16xf32, #tpu.memory_space<vmem>> -> memref<1x400x16xf32, #tpu.memory_space<vmem>>
      %dma_start3A_1512 = tpu.memref_squeeze %dma_start3A_1511 : memref<1x400x16xf32, #tpu.memory_space<vmem>> -> memref<400x16xf32, #tpu.memory_space<vmem>>
      %dma_start3A_1513 = arith.constant 0 : i32
      %dma_start3A_1514 = tpu.memref_slice %arg7[%dma_start3A_1506, %dma_start3A_1513] : memref<4x400xi32, #tpu.memory_space<vmem>> -> memref<1x400xi32, #tpu.memory_space<vmem>>
      %dma_start3A_1515 = tpu.memref_squeeze %dma_start3A_1514 : memref<1x400xi32, #tpu.memory_space<vmem>> -> memref<400xi32, #tpu.memory_space<vmem>>
      %dma_start3A_1516 = arith.constant 0 : i32
      %dma_start3A_1517 = arith.constant 0 : i32
      %dma_start3A_1518 = tpu.memref_slice %arg2[%dma_start3A_1516, %dma_start3A_1517] : memref<100000x16xf32, #tpu.memory_space<hbm>> -> memref<100000x16xf32, #tpu.memory_space<hbm>>
      %dma_start3A_1519 = tpu.memref_slice %arg12[%dma_start3A_1508] : memref<4x!tpu.dma_semaphore, #tpu.memory_space<semaphore_mem>> -> memref<1x!tpu.dma_semaphore, #tpu.memory_space<semaphore_mem>>
      %dma_start3A_1520 = tpu.memref_squeeze %dma_start3A_1519 : memref<1x!tpu.dma_semaphore, #tpu.memory_space<semaphore_mem>> -> memref<!tpu.dma_semaphore, #tpu.memory_space<semaphore_mem>>
      tpu.enqueue_indirect_dma source(%dma_start3A_1518 : memref<100000x16xf32, #tpu.memory_space<hbm>>) target(%dma_start3A_1512 : memref<400x16xf32, #tpu.memory_space<vmem>>) offsets(%dma_start3A_1515 : memref<400xi32, #tpu.memory_space<vmem>>) semaphore(%dma_start3A_1520 : memref<!tpu.dma_semaphore, #tpu.memory_space<semaphore_mem>>)
      %add3A_1521 = arith.constant 3 : i32
      %add3A_1522 = arith.addi %mul3A_1106, %add3A_1521 : i32
      %dma_wait3A_1523 = arith.constant 3 : i32
      %dma_wait3A_1524 = arith.constant 3 : i32
      %dma_wait3A_1525 = arith.constant 0 : i32
      %dma_wait3A_1526 = arith.constant 0 : i32
      %dma_wait3A_1527 = tpu.memref_slice %arg9[%dma_wait3A_1523, %dma_wait3A_1525, %dma_wait3A_1526] : memref<4x400x16xf32, #tpu.memory_space<vmem>> -> memref<1x400x16xf32, #tpu.memory_space<vmem>>
      %dma_wait3A_1528 = tpu.memref_squeeze %dma_wait3A_1527 : memref<1x400x16xf32, #tpu.memory_space<vmem>> -> memref<400x16xf32, #tpu.memory_space<vmem>>
      %dma_wait3A_1529 = arith.constant 0 : i32
      %dma_wait3A_1530 = arith.constant 0 : i32
      %dma_wait3A_1531 = tpu.memref_slice %arg2[%dma_wait3A_1529, %dma_wait3A_1530] : memref<100000x16xf32, #tpu.memory_space<hbm>> -> memref<400x16xf32, #tpu.memory_space<hbm>>
      %dma_wait3A_1532 = tpu.memref_slice %arg12[%dma_wait3A_1524] : memref<4x!tpu.dma_semaphore, #tpu.memory_space<semaphore_mem>> -> memref<1x!tpu.dma_semaphore, #tpu.memory_space<semaphore_mem>>
      %dma_wait3A_1533 = tpu.memref_squeeze %dma_wait3A_1532 : memref<1x!tpu.dma_semaphore, #tpu.memory_space<semaphore_mem>> -> memref<!tpu.dma_semaphore, #tpu.memory_space<semaphore_mem>>
      %dma_wait3A_1534 = arith.constant 0 : i32
      %dma_wait3A_1535 = arith.constant 0 : i32
      %dma_wait3A_1536 = tpu.memref_slice %arg9[%dma_wait3A_1523, %dma_wait3A_1534, %dma_wait3A_1535] : memref<4x400x16xf32, #tpu.memory_space<vmem>> -> memref<1x400x16xf32, #tpu.memory_space<vmem>>
      %dma_wait3A_1537 = tpu.memref_squeeze %dma_wait3A_1536 : memref<1x400x16xf32, #tpu.memory_space<vmem>> -> memref<400x16xf32, #tpu.memory_space<vmem>>
      %dma_wait3A_1538 = arith.constant 0 : i32
      %dma_wait3A_1539 = arith.constant 0 : i32
      %dma_wait3A_1540 = tpu.memref_slice %arg2[%dma_wait3A_1538, %dma_wait3A_1539] : memref<100000x16xf32, #tpu.memory_space<hbm>> -> memref<400x16xf32, #tpu.memory_space<hbm>>
      tpu.wait_dma2 semaphore(%dma_wait3A_1533 : memref<!tpu.dma_semaphore, #tpu.memory_space<semaphore_mem>>) src(%dma_wait3A_1540 : memref<400x16xf32, #tpu.memory_space<hbm>>) dst(%dma_wait3A_1537 : memref<400x16xf32, #tpu.memory_space<vmem>>)
      %dma_start3A_1541 = arith.constant 3 : i32
      %dma_start3A_1542 = arith.constant 3 : i32
      %dma_start3A_1543 = arith.constant 3 : i32
      %dma_start3A_1544 = arith.constant 0 : i32
      %dma_start3A_1545 = arith.constant 0 : i32
      %dma_start3A_1546 = tpu.memref_slice %arg9[%dma_start3A_1541, %dma_start3A_1544, %dma_start3A_1545] : memref<4x400x16xf32, #tpu.memory_space<vmem>> -> memref<1x400x16xf32, #tpu.memory_space<vmem>>
      %dma_start3A_1547 = tpu.memref_squeeze %dma_start3A_1546 : memref<1x400x16xf32, #tpu.memory_space<vmem>> -> memref<400x16xf32, #tpu.memory_space<vmem>>
      %dma_start3A_1548 = arith.constant 0 : i32
      %dma_start3A_1549 = tpu.memref_slice %arg8[%dma_start3A_1542, %dma_start3A_1548] : memref<4x400xi32, #tpu.memory_space<vmem>> -> memref<1x400xi32, #tpu.memory_space<vmem>>
      %dma_start3A_1550 = tpu.memref_squeeze %dma_start3A_1549 : memref<1x400xi32, #tpu.memory_space<vmem>> -> memref<400xi32, #tpu.memory_space<vmem>>
      %dma_start3A_1551 = arith.constant 0 : i32
      %dma_start3A_1552 = arith.constant 0 : i32
      %dma_start3A_1553 = tpu.memref_slice %arg10[%dma_start3A_1551, %dma_start3A_1552] : memref<100096x16xf32, #tpu.memory_space<vmem_shared>> -> memref<100096x16xf32, #tpu.memory_space<vmem_shared>>
      %dma_start3A_1554 = tpu.memref_slice %arg13[%dma_start3A_1543] : memref<4x!tpu.dma_semaphore, #tpu.memory_space<semaphore_mem>> -> memref<1x!tpu.dma_semaphore, #tpu.memory_space<semaphore_mem>>
      %dma_start3A_1555 = tpu.memref_squeeze %dma_start3A_1554 : memref<1x!tpu.dma_semaphore, #tpu.memory_space<semaphore_mem>> -> memref<!tpu.dma_semaphore, #tpu.memory_space<semaphore_mem>>
      tpu.enqueue_indirect_dma source(%dma_start3A_1547 : memref<400x16xf32, #tpu.memory_space<vmem>>) target(%dma_start3A_1553 : memref<100096x16xf32, #tpu.memory_space<vmem_shared>>) offsets(%dma_start3A_1550 : memref<400xi32, #tpu.memory_space<vmem>>) semaphore(%dma_start3A_1555 : memref<!tpu.dma_semaphore, #tpu.memory_space<semaphore_mem>>) {add = true}
      %dma_wait3A_1556 = arith.constant 1 : i32
      %dma_wait3A_1557 = arith.constant 1 : i32
      %dma_wait3A_1558 = arith.constant 0 : i32
      %dma_wait3A_1559 = arith.constant 0 : i32
      %dma_wait3A_1560 = tpu.memref_slice %arg9[%dma_wait3A_1556, %dma_wait3A_1558, %dma_wait3A_1559] : memref<4x400x16xf32, #tpu.memory_space<vmem>> -> memref<1x400x16xf32, #tpu.memory_space<vmem>>
      %dma_wait3A_1561 = tpu.memref_squeeze %dma_wait3A_1560 : memref<1x400x16xf32, #tpu.memory_space<vmem>> -> memref<400x16xf32, #tpu.memory_space<vmem>>
      %dma_wait3A_1562 = arith.constant 0 : i32
      %dma_wait3A_1563 = arith.constant 0 : i32
      %dma_wait3A_1564 = tpu.memref_slice %arg2[%dma_wait3A_1562, %dma_wait3A_1563] : memref<100000x16xf32, #tpu.memory_space<hbm>> -> memref<400x16xf32, #tpu.memory_space<hbm>>
      %dma_wait3A_1565 = tpu.memref_slice %arg13[%dma_wait3A_1557] : memref<4x!tpu.dma_semaphore, #tpu.memory_space<semaphore_mem>> -> memref<1x!tpu.dma_semaphore, #tpu.memory_space<semaphore_mem>>
      %dma_wait3A_1566 = tpu.memref_squeeze %dma_wait3A_1565 : memref<1x!tpu.dma_semaphore, #tpu.memory_space<semaphore_mem>> -> memref<!tpu.dma_semaphore, #tpu.memory_space<semaphore_mem>>
      %dma_wait3A_1567 = arith.constant 0 : i32
      %dma_wait3A_1568 = arith.constant 0 : i32
      %dma_wait3A_1569 = tpu.memref_slice %arg9[%dma_wait3A_1556, %dma_wait3A_1567, %dma_wait3A_1568] : memref<4x400x16xf32, #tpu.memory_space<vmem>> -> memref<1x400x16xf32, #tpu.memory_space<vmem>>
      %dma_wait3A_1570 = tpu.memref_squeeze %dma_wait3A_1569 : memref<1x400x16xf32, #tpu.memory_space<vmem>> -> memref<400x16xf32, #tpu.memory_space<vmem>>
      %dma_wait3A_1571 = arith.constant 0 : i32
      %dma_wait3A_1572 = arith.constant 0 : i32
      %dma_wait3A_1573 = tpu.memref_slice %arg2[%dma_wait3A_1571, %dma_wait3A_1572] : memref<100000x16xf32, #tpu.memory_space<hbm>> -> memref<400x16xf32, #tpu.memory_space<hbm>>
      tpu.wait_dma2 semaphore(%dma_wait3A_1566 : memref<!tpu.dma_semaphore, #tpu.memory_space<semaphore_mem>>) src(%dma_wait3A_1573 : memref<400x16xf32, #tpu.memory_space<hbm>>) dst(%dma_wait3A_1570 : memref<400x16xf32, #tpu.memory_space<vmem>>)
      %add3A_1574 = arith.constant 2 : i32
      %add3A_1575 = arith.addi %add3A_1522, %add3A_1574 : i32
      %add3A_1576 = arith.addi %mul3A_4, %add3A_1575 : i32
      %dma_start3A_1577 = arith.constant 1 : i32
      %dma_start3A_1578 = arith.constant 1 : i32
      %dma_start3A_1579 = arith.constant 0 : i32
      %dma_start3A_1580 = tpu.memref_slice %arg7[%dma_start3A_1577, %dma_start3A_1579] : memref<4x400xi32, #tpu.memory_space<vmem>> -> memref<1x400xi32, #tpu.memory_space<vmem>>
      %dma_start3A_1581 = tpu.memref_squeeze %dma_start3A_1580 : memref<1x400xi32, #tpu.memory_space<vmem>> -> memref<400xi32, #tpu.memory_space<vmem>>
      %dma_start3A_1582 = arith.constant 0 : i32
      %dma_start3A_1583 = tpu.memref_slice %arg3[%add3A_1576, %dma_start3A_1582] : memref<16000x400xi32, #tpu.memory_space<hbm>> -> memref<1x400xi32, #tpu.memory_space<hbm>>
      %dma_start3A_1584 = tpu.memref_squeeze %dma_start3A_1583 : memref<1x400xi32, #tpu.memory_space<hbm>> -> memref<400xi32, #tpu.memory_space<hbm>>
      %dma_start3A_1585 = tpu.memref_slice %arg11[%dma_start3A_1578] : memref<4x!tpu.dma_semaphore, #tpu.memory_space<semaphore_mem>> -> memref<1x!tpu.dma_semaphore, #tpu.memory_space<semaphore_mem>>
      %dma_start3A_1586 = tpu.memref_squeeze %dma_start3A_1585 : memref<1x!tpu.dma_semaphore, #tpu.memory_space<semaphore_mem>> -> memref<!tpu.dma_semaphore, #tpu.memory_space<semaphore_mem>>
      %dma_start3A_1587 = arith.constant 0 : i32
      %dma_start3A_1588 = tpu.memref_slice %arg7[%dma_start3A_1577, %dma_start3A_1587] : memref<4x400xi32, #tpu.memory_space<vmem>> -> memref<1x400xi32, #tpu.memory_space<vmem>>
      %dma_start3A_1589 = tpu.memref_squeeze %dma_start3A_1588 : memref<1x400xi32, #tpu.memory_space<vmem>> -> memref<400xi32, #tpu.memory_space<vmem>>
      %dma_start3A_1590 = arith.constant 0 : i32
      %dma_start3A_1591 = tpu.memref_slice %arg3[%add3A_1576, %dma_start3A_1590] : memref<16000x400xi32, #tpu.memory_space<hbm>> -> memref<1x400xi32, #tpu.memory_space<hbm>>
      %dma_start3A_1592 = tpu.memref_squeeze %dma_start3A_1591 : memref<1x400xi32, #tpu.memory_space<hbm>> -> memref<400xi32, #tpu.memory_space<hbm>>
      tpu.enqueue_dma source(%dma_start3A_1592 : memref<400xi32, #tpu.memory_space<hbm>>) target(%dma_start3A_1589 : memref<400xi32, #tpu.memory_space<vmem>>) target_semaphore(%dma_start3A_1586 : memref<!tpu.dma_semaphore, #tpu.memory_space<semaphore_mem>>)
      %add3A_1593 = arith.addi %mul3A_4, %add3A_1575 : i32
      %dma_start3A_1594 = arith.constant 1 : i32
      %dma_start3A_1595 = arith.constant 1 : i32
      %dma_start3A_1596 = arith.constant 0 : i32
      %dma_start3A_1597 = tpu.memref_slice %arg8[%dma_start3A_1594, %dma_start3A_1596] : memref<4x400xi32, #tpu.memory_space<vmem>> -> memref<1x400xi32, #tpu.memory_space<vmem>>
      %dma_start3A_1598 = tpu.memref_squeeze %dma_start3A_1597 : memref<1x400xi32, #tpu.memory_space<vmem>> -> memref<400xi32, #tpu.memory_space<vmem>>
      %dma_start3A_1599 = arith.constant 0 : i32
      %dma_start3A_1600 = tpu.memref_slice %arg4[%add3A_1593, %dma_start3A_1599] : memref<16000x400xi32, #tpu.memory_space<hbm>> -> memref<1x400xi32, #tpu.memory_space<hbm>>
      %dma_start3A_1601 = tpu.memref_squeeze %dma_start3A_1600 : memref<1x400xi32, #tpu.memory_space<hbm>> -> memref<400xi32, #tpu.memory_space<hbm>>
      %dma_start3A_1602 = tpu.memref_slice %arg11[%dma_start3A_1595] : memref<4x!tpu.dma_semaphore, #tpu.memory_space<semaphore_mem>> -> memref<1x!tpu.dma_semaphore, #tpu.memory_space<semaphore_mem>>
      %dma_start3A_1603 = tpu.memref_squeeze %dma_start3A_1602 : memref<1x!tpu.dma_semaphore, #tpu.memory_space<semaphore_mem>> -> memref<!tpu.dma_semaphore, #tpu.memory_space<semaphore_mem>>
      %dma_start3A_1604 = arith.constant 0 : i32
      %dma_start3A_1605 = tpu.memref_slice %arg8[%dma_start3A_1594, %dma_start3A_1604] : memref<4x400xi32, #tpu.memory_space<vmem>> -> memref<1x400xi32, #tpu.memory_space<vmem>>
      %dma_start3A_1606 = tpu.memref_squeeze %dma_start3A_1605 : memref<1x400xi32, #tpu.memory_space<vmem>> -> memref<400xi32, #tpu.memory_space<vmem>>
      %dma_start3A_1607 = arith.constant 0 : i32
      %dma_start3A_1608 = tpu.memref_slice %arg4[%add3A_1593, %dma_start3A_1607] : memref<16000x400xi32, #tpu.memory_space<hbm>> -> memref<1x400xi32, #tpu.memory_space<hbm>>
      %dma_start3A_1609 = tpu.memref_squeeze %dma_start3A_1608 : memref<1x400xi32, #tpu.memory_space<hbm>> -> memref<400xi32, #tpu.memory_space<hbm>>
      tpu.enqueue_dma source(%dma_start3A_1609 : memref<400xi32, #tpu.memory_space<hbm>>) target(%dma_start3A_1606 : memref<400xi32, #tpu.memory_space<vmem>>) target_semaphore(%dma_start3A_1603 : memref<!tpu.dma_semaphore, #tpu.memory_space<semaphore_mem>>)
      %dma_wait3A_1610 = arith.constant 0 : i32
      %dma_wait3A_1611 = arith.constant 0 : i32
      %dma_wait3A_1612 = arith.constant 0 : i32
      %dma_wait3A_1613 = arith.constant 0 : i32
      %dma_wait3A_1614 = tpu.memref_slice %arg7[%dma_wait3A_1611, %dma_wait3A_1613] : memref<4x400xi32, #tpu.memory_space<vmem>> -> memref<1x400xi32, #tpu.memory_space<vmem>>
      %dma_wait3A_1615 = tpu.memref_squeeze %dma_wait3A_1614 : memref<1x400xi32, #tpu.memory_space<vmem>> -> memref<400xi32, #tpu.memory_space<vmem>>
      %dma_wait3A_1616 = arith.constant 0 : i32
      %dma_wait3A_1617 = tpu.memref_slice %arg3[%dma_wait3A_1610, %dma_wait3A_1616] : memref<16000x400xi32, #tpu.memory_space<hbm>> -> memref<1x400xi32, #tpu.memory_space<hbm>>
      %dma_wait3A_1618 = tpu.memref_squeeze %dma_wait3A_1617 : memref<1x400xi32, #tpu.memory_space<hbm>> -> memref<400xi32, #tpu.memory_space<hbm>>
      %dma_wait3A_1619 = tpu.memref_slice %arg11[%dma_wait3A_1612] : memref<4x!tpu.dma_semaphore, #tpu.memory_space<semaphore_mem>> -> memref<1x!tpu.dma_semaphore, #tpu.memory_space<semaphore_mem>>
      %dma_wait3A_1620 = tpu.memref_squeeze %dma_wait3A_1619 : memref<1x!tpu.dma_semaphore, #tpu.memory_space<semaphore_mem>> -> memref<!tpu.dma_semaphore, #tpu.memory_space<semaphore_mem>>
      %dma_wait3A_1621 = arith.constant 0 : i32
      %dma_wait3A_1622 = tpu.memref_slice %arg7[%dma_wait3A_1611, %dma_wait3A_1621] : memref<4x400xi32, #tpu.memory_space<vmem>> -> memref<1x400xi32, #tpu.memory_space<vmem>>
      %dma_wait3A_1623 = tpu.memref_squeeze %dma_wait3A_1622 : memref<1x400xi32, #tpu.memory_space<vmem>> -> memref<400xi32, #tpu.memory_space<vmem>>
      %dma_wait3A_1624 = arith.constant 0 : i32
      %dma_wait3A_1625 = tpu.memref_slice %arg3[%dma_wait3A_1610, %dma_wait3A_1624] : memref<16000x400xi32, #tpu.memory_space<hbm>> -> memref<1x400xi32, #tpu.memory_space<hbm>>
      %dma_wait3A_1626 = tpu.memref_squeeze %dma_wait3A_1625 : memref<1x400xi32, #tpu.memory_space<hbm>> -> memref<400xi32, #tpu.memory_space<hbm>>
      tpu.wait_dma2 semaphore(%dma_wait3A_1620 : memref<!tpu.dma_semaphore, #tpu.memory_space<semaphore_mem>>) src(%dma_wait3A_1626 : memref<400xi32, #tpu.memory_space<hbm>>) dst(%dma_wait3A_1623 : memref<400xi32, #tpu.memory_space<vmem>>)
      %dma_wait3A_1627 = arith.constant 0 : i32
      %dma_wait3A_1628 = arith.constant 0 : i32
      %dma_wait3A_1629 = arith.constant 0 : i32
      %dma_wait3A_1630 = arith.constant 0 : i32
      %dma_wait3A_1631 = tpu.memref_slice %arg8[%dma_wait3A_1628, %dma_wait3A_1630] : memref<4x400xi32, #tpu.memory_space<vmem>> -> memref<1x400xi32, #tpu.memory_space<vmem>>
      %dma_wait3A_1632 = tpu.memref_squeeze %dma_wait3A_1631 : memref<1x400xi32, #tpu.memory_space<vmem>> -> memref<400xi32, #tpu.memory_space<vmem>>
      %dma_wait3A_1633 = arith.constant 0 : i32
      %dma_wait3A_1634 = tpu.memref_slice %arg3[%dma_wait3A_1627, %dma_wait3A_1633] : memref<16000x400xi32, #tpu.memory_space<hbm>> -> memref<1x400xi32, #tpu.memory_space<hbm>>
      %dma_wait3A_1635 = tpu.memref_squeeze %dma_wait3A_1634 : memref<1x400xi32, #tpu.memory_space<hbm>> -> memref<400xi32, #tpu.memory_space<hbm>>
      %dma_wait3A_1636 = tpu.memref_slice %arg11[%dma_wait3A_1629] : memref<4x!tpu.dma_semaphore, #tpu.memory_space<semaphore_mem>> -> memref<1x!tpu.dma_semaphore, #tpu.memory_space<semaphore_mem>>
      %dma_wait3A_1637 = tpu.memref_squeeze %dma_wait3A_1636 : memref<1x!tpu.dma_semaphore, #tpu.memory_space<semaphore_mem>> -> memref<!tpu.dma_semaphore, #tpu.memory_space<semaphore_mem>>
      %dma_wait3A_1638 = arith.constant 0 : i32
      %dma_wait3A_1639 = tpu.memref_slice %arg8[%dma_wait3A_1628, %dma_wait3A_1638] : memref<4x400xi32, #tpu.memory_space<vmem>> -> memref<1x400xi32, #tpu.memory_space<vmem>>
      %dma_wait3A_1640 = tpu.memref_squeeze %dma_wait3A_1639 : memref<1x400xi32, #tpu.memory_space<vmem>> -> memref<400xi32, #tpu.memory_space<vmem>>
      %dma_wait3A_1641 = arith.constant 0 : i32
      %dma_wait3A_1642 = tpu.memref_slice %arg3[%dma_wait3A_1627, %dma_wait3A_1641] : memref<16000x400xi32, #tpu.memory_space<hbm>> -> memref<1x400xi32, #tpu.memory_space<hbm>>
      %dma_wait3A_1643 = tpu.memref_squeeze %dma_wait3A_1642 : memref<1x400xi32, #tpu.memory_space<hbm>> -> memref<400xi32, #tpu.memory_space<hbm>>
      tpu.wait_dma2 semaphore(%dma_wait3A_1637 : memref<!tpu.dma_semaphore, #tpu.memory_space<semaphore_mem>>) src(%dma_wait3A_1643 : memref<400xi32, #tpu.memory_space<hbm>>) dst(%dma_wait3A_1640 : memref<400xi32, #tpu.memory_space<vmem>>)
      %dma_start3A_1644 = arith.constant 0 : i32
      %dma_start3A_1645 = arith.constant 0 : i32
      %dma_start3A_1646 = arith.constant 0 : i32
      %dma_start3A_1647 = arith.constant 0 : i32
      %dma_start3A_1648 = arith.constant 0 : i32
      %dma_start3A_1649 = tpu.memref_slice %arg9[%dma_start3A_1645, %dma_start3A_1647, %dma_start3A_1648] : memref<4x400x16xf32, #tpu.memory_space<vmem>> -> memref<1x400x16xf32, #tpu.memory_space<vmem>>
      %dma_start3A_1650 = tpu.memref_squeeze %dma_start3A_1649 : memref<1x400x16xf32, #tpu.memory_space<vmem>> -> memref<400x16xf32, #tpu.memory_space<vmem>>
      %dma_start3A_1651 = arith.constant 0 : i32
      %dma_start3A_1652 = tpu.memref_slice %arg7[%dma_start3A_1644, %dma_start3A_1651] : memref<4x400xi32, #tpu.memory_space<vmem>> -> memref<1x400xi32, #tpu.memory_space<vmem>>
      %dma_start3A_1653 = tpu.memref_squeeze %dma_start3A_1652 : memref<1x400xi32, #tpu.memory_space<vmem>> -> memref<400xi32, #tpu.memory_space<vmem>>
      %dma_start3A_1654 = arith.constant 0 : i32
      %dma_start3A_1655 = arith.constant 0 : i32
      %dma_start3A_1656 = tpu.memref_slice %arg2[%dma_start3A_1654, %dma_start3A_1655] : memref<100000x16xf32, #tpu.memory_space<hbm>> -> memref<100000x16xf32, #tpu.memory_space<hbm>>
      %dma_start3A_1657 = tpu.memref_slice %arg12[%dma_start3A_1646] : memref<4x!tpu.dma_semaphore, #tpu.memory_space<semaphore_mem>> -> memref<1x!tpu.dma_semaphore, #tpu.memory_space<semaphore_mem>>
      %dma_start3A_1658 = tpu.memref_squeeze %dma_start3A_1657 : memref<1x!tpu.dma_semaphore, #tpu.memory_space<semaphore_mem>> -> memref<!tpu.dma_semaphore, #tpu.memory_space<semaphore_mem>>
      tpu.enqueue_indirect_dma source(%dma_start3A_1656 : memref<100000x16xf32, #tpu.memory_space<hbm>>) target(%dma_start3A_1650 : memref<400x16xf32, #tpu.memory_space<vmem>>) offsets(%dma_start3A_1653 : memref<400xi32, #tpu.memory_space<vmem>>) semaphore(%dma_start3A_1658 : memref<!tpu.dma_semaphore, #tpu.memory_space<semaphore_mem>>)
    }
    %scan3A_635 = arith.constant 123 : i32
    %dma_wait3A_636 = arith.constant 0 : i32
    %dma_wait3A_637 = arith.constant 0 : i32
    %dma_wait3A_638 = arith.constant 0 : i32
    %dma_wait3A_639 = arith.constant 0 : i32
    %dma_wait3A_640 = tpu.memref_slice %arg9[%dma_wait3A_636, %dma_wait3A_638, %dma_wait3A_639] : memref<4x400x16xf32, #tpu.memory_space<vmem>> -> memref<1x400x16xf32, #tpu.memory_space<vmem>>
    %dma_wait3A_641 = tpu.memref_squeeze %dma_wait3A_640 : memref<1x400x16xf32, #tpu.memory_space<vmem>> -> memref<400x16xf32, #tpu.memory_space<vmem>>
    %dma_wait3A_642 = arith.constant 0 : i32
    %dma_wait3A_643 = arith.constant 0 : i32
    %dma_wait3A_644 = tpu.memref_slice %arg2[%dma_wait3A_642, %dma_wait3A_643] : memref<100000x16xf32, #tpu.memory_space<hbm>> -> memref<400x16xf32, #tpu.memory_space<hbm>>
    %dma_wait3A_645 = tpu.memref_slice %arg12[%dma_wait3A_637] : memref<4x!tpu.dma_semaphore, #tpu.memory_space<semaphore_mem>> -> memref<1x!tpu.dma_semaphore, #tpu.memory_space<semaphore_mem>>
    %dma_wait3A_646 = tpu.memref_squeeze %dma_wait3A_645 : memref<1x!tpu.dma_semaphore, #tpu.memory_space<semaphore_mem>> -> memref<!tpu.dma_semaphore, #tpu.memory_space<semaphore_mem>>
    %dma_wait3A_647 = arith.constant 0 : i32
    %dma_wait3A_648 = arith.constant 0 : i32
    %dma_wait3A_649 = tpu.memref_slice %arg9[%dma_wait3A_636, %dma_wait3A_647, %dma_wait3A_648] : memref<4x400x16xf32, #tpu.memory_space<vmem>> -> memref<1x400x16xf32, #tpu.memory_space<vmem>>
    %dma_wait3A_650 = tpu.memref_squeeze %dma_wait3A_649 : memref<1x400x16xf32, #tpu.memory_space<vmem>> -> memref<400x16xf32, #tpu.memory_space<vmem>>
    %dma_wait3A_651 = arith.constant 0 : i32
    %dma_wait3A_652 = arith.constant 0 : i32
    %dma_wait3A_653 = tpu.memref_slice %arg2[%dma_wait3A_651, %dma_wait3A_652] : memref<100000x16xf32, #tpu.memory_space<hbm>> -> memref<400x16xf32, #tpu.memory_space<hbm>>
    tpu.wait_dma2 semaphore(%dma_wait3A_646 : memref<!tpu.dma_semaphore, #tpu.memory_space<semaphore_mem>>) src(%dma_wait3A_653 : memref<400x16xf32, #tpu.memory_space<hbm>>) dst(%dma_wait3A_650 : memref<400x16xf32, #tpu.memory_space<vmem>>)
    %dma_start3A_654 = arith.constant 0 : i32
    %dma_start3A_655 = arith.constant 0 : i32
    %dma_start3A_656 = arith.constant 0 : i32
    %dma_start3A_657 = arith.constant 0 : i32
    %dma_start3A_658 = arith.constant 0 : i32
    %dma_start3A_659 = tpu.memref_slice %arg9[%dma_start3A_654, %dma_start3A_657, %dma_start3A_658] : memref<4x400x16xf32, #tpu.memory_space<vmem>> -> memref<1x400x16xf32, #tpu.memory_space<vmem>>
    %dma_start3A_660 = tpu.memref_squeeze %dma_start3A_659 : memref<1x400x16xf32, #tpu.memory_space<vmem>> -> memref<400x16xf32, #tpu.memory_space<vmem>>
    %dma_start3A_661 = arith.constant 0 : i32
    %dma_start3A_662 = tpu.memref_slice %arg8[%dma_start3A_655, %dma_start3A_661] : memref<4x400xi32, #tpu.memory_space<vmem>> -> memref<1x400xi32, #tpu.memory_space<vmem>>
    %dma_start3A_663 = tpu.memref_squeeze %dma_start3A_662 : memref<1x400xi32, #tpu.memory_space<vmem>> -> memref<400xi32, #tpu.memory_space<vmem>>
    %dma_start3A_664 = arith.constant 0 : i32
    %dma_start3A_665 = arith.constant 0 : i32
    %dma_start3A_666 = tpu.memref_slice %arg10[%dma_start3A_664, %dma_start3A_665] : memref<100096x16xf32, #tpu.memory_space<vmem_shared>> -> memref<100096x16xf32, #tpu.memory_space<vmem_shared>>
    %dma_start3A_667 = tpu.memref_slice %arg13[%dma_start3A_656] : memref<4x!tpu.dma_semaphore, #tpu.memory_space<semaphore_mem>> -> memref<1x!tpu.dma_semaphore, #tpu.memory_space<semaphore_mem>>
    %dma_start3A_668 = tpu.memref_squeeze %dma_start3A_667 : memref<1x!tpu.dma_semaphore, #tpu.memory_space<semaphore_mem>> -> memref<!tpu.dma_semaphore, #tpu.memory_space<semaphore_mem>>
    tpu.enqueue_indirect_dma source(%dma_start3A_660 : memref<400x16xf32, #tpu.memory_space<vmem>>) target(%dma_start3A_666 : memref<100096x16xf32, #tpu.memory_space<vmem_shared>>) offsets(%dma_start3A_663 : memref<400xi32, #tpu.memory_space<vmem>>) semaphore(%dma_start3A_668 : memref<!tpu.dma_semaphore, #tpu.memory_space<semaphore_mem>>) {add = true}
    %dma_wait3A_669 = arith.constant 2 : i32
    %dma_wait3A_670 = arith.constant 2 : i32
    %dma_wait3A_671 = arith.constant 0 : i32
    %dma_wait3A_672 = arith.constant 0 : i32
    %dma_wait3A_673 = tpu.memref_slice %arg9[%dma_wait3A_669, %dma_wait3A_671, %dma_wait3A_672] : memref<4x400x16xf32, #tpu.memory_space<vmem>> -> memref<1x400x16xf32, #tpu.memory_space<vmem>>
    %dma_wait3A_674 = tpu.memref_squeeze %dma_wait3A_673 : memref<1x400x16xf32, #tpu.memory_space<vmem>> -> memref<400x16xf32, #tpu.memory_space<vmem>>
    %dma_wait3A_675 = arith.constant 0 : i32
    %dma_wait3A_676 = arith.constant 0 : i32
    %dma_wait3A_677 = tpu.memref_slice %arg2[%dma_wait3A_675, %dma_wait3A_676] : memref<100000x16xf32, #tpu.memory_space<hbm>> -> memref<400x16xf32, #tpu.memory_space<hbm>>
    %dma_wait3A_678 = tpu.memref_slice %arg13[%dma_wait3A_670] : memref<4x!tpu.dma_semaphore, #tpu.memory_space<semaphore_mem>> -> memref<1x!tpu.dma_semaphore, #tpu.memory_space<semaphore_mem>>
    %dma_wait3A_679 = tpu.memref_squeeze %dma_wait3A_678 : memref<1x!tpu.dma_semaphore, #tpu.memory_space<semaphore_mem>> -> memref<!tpu.dma_semaphore, #tpu.memory_space<semaphore_mem>>
    %dma_wait3A_680 = arith.constant 0 : i32
    %dma_wait3A_681 = arith.constant 0 : i32
    %dma_wait3A_682 = tpu.memref_slice %arg9[%dma_wait3A_669, %dma_wait3A_680, %dma_wait3A_681] : memref<4x400x16xf32, #tpu.memory_space<vmem>> -> memref<1x400x16xf32, #tpu.memory_space<vmem>>
    %dma_wait3A_683 = tpu.memref_squeeze %dma_wait3A_682 : memref<1x400x16xf32, #tpu.memory_space<vmem>> -> memref<400x16xf32, #tpu.memory_space<vmem>>
    %dma_wait3A_684 = arith.constant 0 : i32
    %dma_wait3A_685 = arith.constant 0 : i32
    %dma_wait3A_686 = tpu.memref_slice %arg2[%dma_wait3A_684, %dma_wait3A_685] : memref<100000x16xf32, #tpu.memory_space<hbm>> -> memref<400x16xf32, #tpu.memory_space<hbm>>
    tpu.wait_dma2 semaphore(%dma_wait3A_679 : memref<!tpu.dma_semaphore, #tpu.memory_space<semaphore_mem>>) src(%dma_wait3A_686 : memref<400x16xf32, #tpu.memory_space<hbm>>) dst(%dma_wait3A_683 : memref<400x16xf32, #tpu.memory_space<vmem>>)
    %add3A_687 = arith.constant 498 : i32
    %add3A_688 = arith.addi %mul3A_4, %add3A_687 : i32
    %dma_start3A_689 = arith.constant 2 : i32
    %dma_start3A_690 = arith.constant 2 : i32
    %dma_start3A_691 = arith.constant 0 : i32
    %dma_start3A_692 = tpu.memref_slice %arg7[%dma_start3A_689, %dma_start3A_691] : memref<4x400xi32, #tpu.memory_space<vmem>> -> memref<1x400xi32, #tpu.memory_space<vmem>>
    %dma_start3A_693 = tpu.memref_squeeze %dma_start3A_692 : memref<1x400xi32, #tpu.memory_space<vmem>> -> memref<400xi32, #tpu.memory_space<vmem>>
    %dma_start3A_694 = arith.constant 0 : i32
    %dma_start3A_695 = tpu.memref_slice %arg3[%add3A_688, %dma_start3A_694] : memref<16000x400xi32, #tpu.memory_space<hbm>> -> memref<1x400xi32, #tpu.memory_space<hbm>>
    %dma_start3A_696 = tpu.memref_squeeze %dma_start3A_695 : memref<1x400xi32, #tpu.memory_space<hbm>> -> memref<400xi32, #tpu.memory_space<hbm>>
    %dma_start3A_697 = tpu.memref_slice %arg11[%dma_start3A_690] : memref<4x!tpu.dma_semaphore, #tpu.memory_space<semaphore_mem>> -> memref<1x!tpu.dma_semaphore, #tpu.memory_space<semaphore_mem>>
    %dma_start3A_698 = tpu.memref_squeeze %dma_start3A_697 : memref<1x!tpu.dma_semaphore, #tpu.memory_space<semaphore_mem>> -> memref<!tpu.dma_semaphore, #tpu.memory_space<semaphore_mem>>
    %dma_start3A_699 = arith.constant 0 : i32
    %dma_start3A_700 = tpu.memref_slice %arg7[%dma_start3A_689, %dma_start3A_699] : memref<4x400xi32, #tpu.memory_space<vmem>> -> memref<1x400xi32, #tpu.memory_space<vmem>>
    %dma_start3A_701 = tpu.memref_squeeze %dma_start3A_700 : memref<1x400xi32, #tpu.memory_space<vmem>> -> memref<400xi32, #tpu.memory_space<vmem>>
    %dma_start3A_702 = arith.constant 0 : i32
    %dma_start3A_703 = tpu.memref_slice %arg3[%add3A_688, %dma_start3A_702] : memref<16000x400xi32, #tpu.memory_space<hbm>> -> memref<1x400xi32, #tpu.memory_space<hbm>>
    %dma_start3A_704 = tpu.memref_squeeze %dma_start3A_703 : memref<1x400xi32, #tpu.memory_space<hbm>> -> memref<400xi32, #tpu.memory_space<hbm>>
    tpu.enqueue_dma source(%dma_start3A_704 : memref<400xi32, #tpu.memory_space<hbm>>) target(%dma_start3A_701 : memref<400xi32, #tpu.memory_space<vmem>>) target_semaphore(%dma_start3A_698 : memref<!tpu.dma_semaphore, #tpu.memory_space<semaphore_mem>>)
    %add3A_705 = arith.constant 498 : i32
    %add3A_706 = arith.addi %mul3A_4, %add3A_705 : i32
    %dma_start3A_707 = arith.constant 2 : i32
    %dma_start3A_708 = arith.constant 2 : i32
    %dma_start3A_709 = arith.constant 0 : i32
    %dma_start3A_710 = tpu.memref_slice %arg8[%dma_start3A_707, %dma_start3A_709] : memref<4x400xi32, #tpu.memory_space<vmem>> -> memref<1x400xi32, #tpu.memory_space<vmem>>
    %dma_start3A_711 = tpu.memref_squeeze %dma_start3A_710 : memref<1x400xi32, #tpu.memory_space<vmem>> -> memref<400xi32, #tpu.memory_space<vmem>>
    %dma_start3A_712 = arith.constant 0 : i32
    %dma_start3A_713 = tpu.memref_slice %arg4[%add3A_706, %dma_start3A_712] : memref<16000x400xi32, #tpu.memory_space<hbm>> -> memref<1x400xi32, #tpu.memory_space<hbm>>
    %dma_start3A_714 = tpu.memref_squeeze %dma_start3A_713 : memref<1x400xi32, #tpu.memory_space<hbm>> -> memref<400xi32, #tpu.memory_space<hbm>>
    %dma_start3A_715 = tpu.memref_slice %arg11[%dma_start3A_708] : memref<4x!tpu.dma_semaphore, #tpu.memory_space<semaphore_mem>> -> memref<1x!tpu.dma_semaphore, #tpu.memory_space<semaphore_mem>>
    %dma_start3A_716 = tpu.memref_squeeze %dma_start3A_715 : memref<1x!tpu.dma_semaphore, #tpu.memory_space<semaphore_mem>> -> memref<!tpu.dma_semaphore, #tpu.memory_space<semaphore_mem>>
    %dma_start3A_717 = arith.constant 0 : i32
    %dma_start3A_718 = tpu.memref_slice %arg8[%dma_start3A_707, %dma_start3A_717] : memref<4x400xi32, #tpu.memory_space<vmem>> -> memref<1x400xi32, #tpu.memory_space<vmem>>
    %dma_start3A_719 = tpu.memref_squeeze %dma_start3A_718 : memref<1x400xi32, #tpu.memory_space<vmem>> -> memref<400xi32, #tpu.memory_space<vmem>>
    %dma_start3A_720 = arith.constant 0 : i32
    %dma_start3A_721 = tpu.memref_slice %arg4[%add3A_706, %dma_start3A_720] : memref<16000x400xi32, #tpu.memory_space<hbm>> -> memref<1x400xi32, #tpu.memory_space<hbm>>
    %dma_start3A_722 = tpu.memref_squeeze %dma_start3A_721 : memref<1x400xi32, #tpu.memory_space<hbm>> -> memref<400xi32, #tpu.memory_space<hbm>>
    tpu.enqueue_dma source(%dma_start3A_722 : memref<400xi32, #tpu.memory_space<hbm>>) target(%dma_start3A_719 : memref<400xi32, #tpu.memory_space<vmem>>) target_semaphore(%dma_start3A_716 : memref<!tpu.dma_semaphore, #tpu.memory_space<semaphore_mem>>)
    %dma_wait3A_723 = arith.constant 0 : i32
    %dma_wait3A_724 = arith.constant 1 : i32
    %dma_wait3A_725 = arith.constant 1 : i32
    %dma_wait3A_726 = arith.constant 0 : i32
    %dma_wait3A_727 = tpu.memref_slice %arg7[%dma_wait3A_724, %dma_wait3A_726] : memref<4x400xi32, #tpu.memory_space<vmem>> -> memref<1x400xi32, #tpu.memory_space<vmem>>
    %dma_wait3A_728 = tpu.memref_squeeze %dma_wait3A_727 : memref<1x400xi32, #tpu.memory_space<vmem>> -> memref<400xi32, #tpu.memory_space<vmem>>
    %dma_wait3A_729 = arith.constant 0 : i32
    %dma_wait3A_730 = tpu.memref_slice %arg3[%dma_wait3A_723, %dma_wait3A_729] : memref<16000x400xi32, #tpu.memory_space<hbm>> -> memref<1x400xi32, #tpu.memory_space<hbm>>
    %dma_wait3A_731 = tpu.memref_squeeze %dma_wait3A_730 : memref<1x400xi32, #tpu.memory_space<hbm>> -> memref<400xi32, #tpu.memory_space<hbm>>
    %dma_wait3A_732 = tpu.memref_slice %arg11[%dma_wait3A_725] : memref<4x!tpu.dma_semaphore, #tpu.memory_space<semaphore_mem>> -> memref<1x!tpu.dma_semaphore, #tpu.memory_space<semaphore_mem>>
    %dma_wait3A_733 = tpu.memref_squeeze %dma_wait3A_732 : memref<1x!tpu.dma_semaphore, #tpu.memory_space<semaphore_mem>> -> memref<!tpu.dma_semaphore, #tpu.memory_space<semaphore_mem>>
    %dma_wait3A_734 = arith.constant 0 : i32
    %dma_wait3A_735 = tpu.memref_slice %arg7[%dma_wait3A_724, %dma_wait3A_734] : memref<4x400xi32, #tpu.memory_space<vmem>> -> memref<1x400xi32, #tpu.memory_space<vmem>>
    %dma_wait3A_736 = tpu.memref_squeeze %dma_wait3A_735 : memref<1x400xi32, #tpu.memory_space<vmem>> -> memref<400xi32, #tpu.memory_space<vmem>>
    %dma_wait3A_737 = arith.constant 0 : i32
    %dma_wait3A_738 = tpu.memref_slice %arg3[%dma_wait3A_723, %dma_wait3A_737] : memref<16000x400xi32, #tpu.memory_space<hbm>> -> memref<1x400xi32, #tpu.memory_space<hbm>>
    %dma_wait3A_739 = tpu.memref_squeeze %dma_wait3A_738 : memref<1x400xi32, #tpu.memory_space<hbm>> -> memref<400xi32, #tpu.memory_space<hbm>>
    tpu.wait_dma2 semaphore(%dma_wait3A_733 : memref<!tpu.dma_semaphore, #tpu.memory_space<semaphore_mem>>) src(%dma_wait3A_739 : memref<400xi32, #tpu.memory_space<hbm>>) dst(%dma_wait3A_736 : memref<400xi32, #tpu.memory_space<vmem>>)
    %dma_wait3A_740 = arith.constant 0 : i32
    %dma_wait3A_741 = arith.constant 1 : i32
    %dma_wait3A_742 = arith.constant 1 : i32
    %dma_wait3A_743 = arith.constant 0 : i32
    %dma_wait3A_744 = tpu.memref_slice %arg8[%dma_wait3A_741, %dma_wait3A_743] : memref<4x400xi32, #tpu.memory_space<vmem>> -> memref<1x400xi32, #tpu.memory_space<vmem>>
    %dma_wait3A_745 = tpu.memref_squeeze %dma_wait3A_744 : memref<1x400xi32, #tpu.memory_space<vmem>> -> memref<400xi32, #tpu.memory_space<vmem>>
    %dma_wait3A_746 = arith.constant 0 : i32
    %dma_wait3A_747 = tpu.memref_slice %arg3[%dma_wait3A_740, %dma_wait3A_746] : memref<16000x400xi32, #tpu.memory_space<hbm>> -> memref<1x400xi32, #tpu.memory_space<hbm>>
    %dma_wait3A_748 = tpu.memref_squeeze %dma_wait3A_747 : memref<1x400xi32, #tpu.memory_space<hbm>> -> memref<400xi32, #tpu.memory_space<hbm>>
    %dma_wait3A_749 = tpu.memref_slice %arg11[%dma_wait3A_742] : memref<4x!tpu.dma_semaphore, #tpu.memory_space<semaphore_mem>> -> memref<1x!tpu.dma_semaphore, #tpu.memory_space<semaphore_mem>>
    %dma_wait3A_750 = tpu.memref_squeeze %dma_wait3A_749 : memref<1x!tpu.dma_semaphore, #tpu.memory_space<semaphore_mem>> -> memref<!tpu.dma_semaphore, #tpu.memory_space<semaphore_mem>>
    %dma_wait3A_751 = arith.constant 0 : i32
    %dma_wait3A_752 = tpu.memref_slice %arg8[%dma_wait3A_741, %dma_wait3A_751] : memref<4x400xi32, #tpu.memory_space<vmem>> -> memref<1x400xi32, #tpu.memory_space<vmem>>
    %dma_wait3A_753 = tpu.memref_squeeze %dma_wait3A_752 : memref<1x400xi32, #tpu.memory_space<vmem>> -> memref<400xi32, #tpu.memory_space<vmem>>
    %dma_wait3A_754 = arith.constant 0 : i32
    %dma_wait3A_755 = tpu.memref_slice %arg3[%dma_wait3A_740, %dma_wait3A_754] : memref<16000x400xi32, #tpu.memory_space<hbm>> -> memref<1x400xi32, #tpu.memory_space<hbm>>
    %dma_wait3A_756 = tpu.memref_squeeze %dma_wait3A_755 : memref<1x400xi32, #tpu.memory_space<hbm>> -> memref<400xi32, #tpu.memory_space<hbm>>
    tpu.wait_dma2 semaphore(%dma_wait3A_750 : memref<!tpu.dma_semaphore, #tpu.memory_space<semaphore_mem>>) src(%dma_wait3A_756 : memref<400xi32, #tpu.memory_space<hbm>>) dst(%dma_wait3A_753 : memref<400xi32, #tpu.memory_space<vmem>>)
    %dma_start3A_757 = arith.constant 1 : i32
    %dma_start3A_758 = arith.constant 1 : i32
    %dma_start3A_759 = arith.constant 1 : i32
    %dma_start3A_760 = arith.constant 0 : i32
    %dma_start3A_761 = arith.constant 0 : i32
    %dma_start3A_762 = tpu.memref_slice %arg9[%dma_start3A_758, %dma_start3A_760, %dma_start3A_761] : memref<4x400x16xf32, #tpu.memory_space<vmem>> -> memref<1x400x16xf32, #tpu.memory_space<vmem>>
    %dma_start3A_763 = tpu.memref_squeeze %dma_start3A_762 : memref<1x400x16xf32, #tpu.memory_space<vmem>> -> memref<400x16xf32, #tpu.memory_space<vmem>>
    %dma_start3A_764 = arith.constant 0 : i32
    %dma_start3A_765 = tpu.memref_slice %arg7[%dma_start3A_757, %dma_start3A_764] : memref<4x400xi32, #tpu.memory_space<vmem>> -> memref<1x400xi32, #tpu.memory_space<vmem>>
    %dma_start3A_766 = tpu.memref_squeeze %dma_start3A_765 : memref<1x400xi32, #tpu.memory_space<vmem>> -> memref<400xi32, #tpu.memory_space<vmem>>
    %dma_start3A_767 = arith.constant 0 : i32
    %dma_start3A_768 = arith.constant 0 : i32
    %dma_start3A_769 = tpu.memref_slice %arg2[%dma_start3A_767, %dma_start3A_768] : memref<100000x16xf32, #tpu.memory_space<hbm>> -> memref<100000x16xf32, #tpu.memory_space<hbm>>
    %dma_start3A_770 = tpu.memref_slice %arg12[%dma_start3A_759] : memref<4x!tpu.dma_semaphore, #tpu.memory_space<semaphore_mem>> -> memref<1x!tpu.dma_semaphore, #tpu.memory_space<semaphore_mem>>
    %dma_start3A_771 = tpu.memref_squeeze %dma_start3A_770 : memref<1x!tpu.dma_semaphore, #tpu.memory_space<semaphore_mem>> -> memref<!tpu.dma_semaphore, #tpu.memory_space<semaphore_mem>>
    tpu.enqueue_indirect_dma source(%dma_start3A_769 : memref<100000x16xf32, #tpu.memory_space<hbm>>) target(%dma_start3A_763 : memref<400x16xf32, #tpu.memory_space<vmem>>) offsets(%dma_start3A_766 : memref<400xi32, #tpu.memory_space<vmem>>) semaphore(%dma_start3A_771 : memref<!tpu.dma_semaphore, #tpu.memory_space<semaphore_mem>>)
    %dma_wait3A_772 = arith.constant 1 : i32
    %dma_wait3A_773 = arith.constant 1 : i32
    %dma_wait3A_774 = arith.constant 0 : i32
    %dma_wait3A_775 = arith.constant 0 : i32
    %dma_wait3A_776 = tpu.memref_slice %arg9[%dma_wait3A_772, %dma_wait3A_774, %dma_wait3A_775] : memref<4x400x16xf32, #tpu.memory_space<vmem>> -> memref<1x400x16xf32, #tpu.memory_space<vmem>>
    %dma_wait3A_777 = tpu.memref_squeeze %dma_wait3A_776 : memref<1x400x16xf32, #tpu.memory_space<vmem>> -> memref<400x16xf32, #tpu.memory_space<vmem>>
    %dma_wait3A_778 = arith.constant 0 : i32
    %dma_wait3A_779 = arith.constant 0 : i32
    %dma_wait3A_780 = tpu.memref_slice %arg2[%dma_wait3A_778, %dma_wait3A_779] : memref<100000x16xf32, #tpu.memory_space<hbm>> -> memref<400x16xf32, #tpu.memory_space<hbm>>
    %dma_wait3A_781 = tpu.memref_slice %arg12[%dma_wait3A_773] : memref<4x!tpu.dma_semaphore, #tpu.memory_space<semaphore_mem>> -> memref<1x!tpu.dma_semaphore, #tpu.memory_space<semaphore_mem>>
    %dma_wait3A_782 = tpu.memref_squeeze %dma_wait3A_781 : memref<1x!tpu.dma_semaphore, #tpu.memory_space<semaphore_mem>> -> memref<!tpu.dma_semaphore, #tpu.memory_space<semaphore_mem>>
    %dma_wait3A_783 = arith.constant 0 : i32
    %dma_wait3A_784 = arith.constant 0 : i32
    %dma_wait3A_785 = tpu.memref_slice %arg9[%dma_wait3A_772, %dma_wait3A_783, %dma_wait3A_784] : memref<4x400x16xf32, #tpu.memory_space<vmem>> -> memref<1x400x16xf32, #tpu.memory_space<vmem>>
    %dma_wait3A_786 = tpu.memref_squeeze %dma_wait3A_785 : memref<1x400x16xf32, #tpu.memory_space<vmem>> -> memref<400x16xf32, #tpu.memory_space<vmem>>
    %dma_wait3A_787 = arith.constant 0 : i32
    %dma_wait3A_788 = arith.constant 0 : i32
    %dma_wait3A_789 = tpu.memref_slice %arg2[%dma_wait3A_787, %dma_wait3A_788] : memref<100000x16xf32, #tpu.memory_space<hbm>> -> memref<400x16xf32, #tpu.memory_space<hbm>>
    tpu.wait_dma2 semaphore(%dma_wait3A_782 : memref<!tpu.dma_semaphore, #tpu.memory_space<semaphore_mem>>) src(%dma_wait3A_789 : memref<400x16xf32, #tpu.memory_space<hbm>>) dst(%dma_wait3A_786 : memref<400x16xf32, #tpu.memory_space<vmem>>)
    %dma_start3A_790 = arith.constant 1 : i32
    %dma_start3A_791 = arith.constant 1 : i32
    %dma_start3A_792 = arith.constant 1 : i32
    %dma_start3A_793 = arith.constant 0 : i32
    %dma_start3A_794 = arith.constant 0 : i32
    %dma_start3A_795 = tpu.memref_slice %arg9[%dma_start3A_790, %dma_start3A_793, %dma_start3A_794] : memref<4x400x16xf32, #tpu.memory_space<vmem>> -> memref<1x400x16xf32, #tpu.memory_space<vmem>>
    %dma_start3A_796 = tpu.memref_squeeze %dma_start3A_795 : memref<1x400x16xf32, #tpu.memory_space<vmem>> -> memref<400x16xf32, #tpu.memory_space<vmem>>
    %dma_start3A_797 = arith.constant 0 : i32
    %dma_start3A_798 = tpu.memref_slice %arg8[%dma_start3A_791, %dma_start3A_797] : memref<4x400xi32, #tpu.memory_space<vmem>> -> memref<1x400xi32, #tpu.memory_space<vmem>>
    %dma_start3A_799 = tpu.memref_squeeze %dma_start3A_798 : memref<1x400xi32, #tpu.memory_space<vmem>> -> memref<400xi32, #tpu.memory_space<vmem>>
    %dma_start3A_800 = arith.constant 0 : i32
    %dma_start3A_801 = arith.constant 0 : i32
    %dma_start3A_802 = tpu.memref_slice %arg10[%dma_start3A_800, %dma_start3A_801] : memref<100096x16xf32, #tpu.memory_space<vmem_shared>> -> memref<100096x16xf32, #tpu.memory_space<vmem_shared>>
    %dma_start3A_803 = tpu.memref_slice %arg13[%dma_start3A_792] : memref<4x!tpu.dma_semaphore, #tpu.memory_space<semaphore_mem>> -> memref<1x!tpu.dma_semaphore, #tpu.memory_space<semaphore_mem>>
    %dma_start3A_804 = tpu.memref_squeeze %dma_start3A_803 : memref<1x!tpu.dma_semaphore, #tpu.memory_space<semaphore_mem>> -> memref<!tpu.dma_semaphore, #tpu.memory_space<semaphore_mem>>
    tpu.enqueue_indirect_dma source(%dma_start3A_796 : memref<400x16xf32, #tpu.memory_space<vmem>>) target(%dma_start3A_802 : memref<100096x16xf32, #tpu.memory_space<vmem_shared>>) offsets(%dma_start3A_799 : memref<400xi32, #tpu.memory_space<vmem>>) semaphore(%dma_start3A_804 : memref<!tpu.dma_semaphore, #tpu.memory_space<semaphore_mem>>) {add = true}
    %dma_wait3A_805 = arith.constant 3 : i32
    %dma_wait3A_806 = arith.constant 3 : i32
    %dma_wait3A_807 = arith.constant 0 : i32
    %dma_wait3A_808 = arith.constant 0 : i32
    %dma_wait3A_809 = tpu.memref_slice %arg9[%dma_wait3A_805, %dma_wait3A_807, %dma_wait3A_808] : memref<4x400x16xf32, #tpu.memory_space<vmem>> -> memref<1x400x16xf32, #tpu.memory_space<vmem>>
    %dma_wait3A_810 = tpu.memref_squeeze %dma_wait3A_809 : memref<1x400x16xf32, #tpu.memory_space<vmem>> -> memref<400x16xf32, #tpu.memory_space<vmem>>
    %dma_wait3A_811 = arith.constant 0 : i32
    %dma_wait3A_812 = arith.constant 0 : i32
    %dma_wait3A_813 = tpu.memref_slice %arg2[%dma_wait3A_811, %dma_wait3A_812] : memref<100000x16xf32, #tpu.memory_space<hbm>> -> memref<400x16xf32, #tpu.memory_space<hbm>>
    %dma_wait3A_814 = tpu.memref_slice %arg13[%dma_wait3A_806] : memref<4x!tpu.dma_semaphore, #tpu.memory_space<semaphore_mem>> -> memref<1x!tpu.dma_semaphore, #tpu.memory_space<semaphore_mem>>
    %dma_wait3A_815 = tpu.memref_squeeze %dma_wait3A_814 : memref<1x!tpu.dma_semaphore, #tpu.memory_space<semaphore_mem>> -> memref<!tpu.dma_semaphore, #tpu.memory_space<semaphore_mem>>
    %dma_wait3A_816 = arith.constant 0 : i32
    %dma_wait3A_817 = arith.constant 0 : i32
    %dma_wait3A_818 = tpu.memref_slice %arg9[%dma_wait3A_805, %dma_wait3A_816, %dma_wait3A_817] : memref<4x400x16xf32, #tpu.memory_space<vmem>> -> memref<1x400x16xf32, #tpu.memory_space<vmem>>
    %dma_wait3A_819 = tpu.memref_squeeze %dma_wait3A_818 : memref<1x400x16xf32, #tpu.memory_space<vmem>> -> memref<400x16xf32, #tpu.memory_space<vmem>>
    %dma_wait3A_820 = arith.constant 0 : i32
    %dma_wait3A_821 = arith.constant 0 : i32
    %dma_wait3A_822 = tpu.memref_slice %arg2[%dma_wait3A_820, %dma_wait3A_821] : memref<100000x16xf32, #tpu.memory_space<hbm>> -> memref<400x16xf32, #tpu.memory_space<hbm>>
    tpu.wait_dma2 semaphore(%dma_wait3A_815 : memref<!tpu.dma_semaphore, #tpu.memory_space<semaphore_mem>>) src(%dma_wait3A_822 : memref<400x16xf32, #tpu.memory_space<hbm>>) dst(%dma_wait3A_819 : memref<400x16xf32, #tpu.memory_space<vmem>>)
    %add3A_823 = arith.constant 499 : i32
    %add3A_824 = arith.addi %mul3A_4, %add3A_823 : i32
    %dma_start3A_825 = arith.constant 3 : i32
    %dma_start3A_826 = arith.constant 3 : i32
    %dma_start3A_827 = arith.constant 0 : i32
    %dma_start3A_828 = tpu.memref_slice %arg7[%dma_start3A_825, %dma_start3A_827] : memref<4x400xi32, #tpu.memory_space<vmem>> -> memref<1x400xi32, #tpu.memory_space<vmem>>
    %dma_start3A_829 = tpu.memref_squeeze %dma_start3A_828 : memref<1x400xi32, #tpu.memory_space<vmem>> -> memref<400xi32, #tpu.memory_space<vmem>>
    %dma_start3A_830 = arith.constant 0 : i32
    %dma_start3A_831 = tpu.memref_slice %arg3[%add3A_824, %dma_start3A_830] : memref<16000x400xi32, #tpu.memory_space<hbm>> -> memref<1x400xi32, #tpu.memory_space<hbm>>
    %dma_start3A_832 = tpu.memref_squeeze %dma_start3A_831 : memref<1x400xi32, #tpu.memory_space<hbm>> -> memref<400xi32, #tpu.memory_space<hbm>>
    %dma_start3A_833 = tpu.memref_slice %arg11[%dma_start3A_826] : memref<4x!tpu.dma_semaphore, #tpu.memory_space<semaphore_mem>> -> memref<1x!tpu.dma_semaphore, #tpu.memory_space<semaphore_mem>>
    %dma_start3A_834 = tpu.memref_squeeze %dma_start3A_833 : memref<1x!tpu.dma_semaphore, #tpu.memory_space<semaphore_mem>> -> memref<!tpu.dma_semaphore, #tpu.memory_space<semaphore_mem>>
    %dma_start3A_835 = arith.constant 0 : i32
    %dma_start3A_836 = tpu.memref_slice %arg7[%dma_start3A_825, %dma_start3A_835] : memref<4x400xi32, #tpu.memory_space<vmem>> -> memref<1x400xi32, #tpu.memory_space<vmem>>
    %dma_start3A_837 = tpu.memref_squeeze %dma_start3A_836 : memref<1x400xi32, #tpu.memory_space<vmem>> -> memref<400xi32, #tpu.memory_space<vmem>>
    %dma_start3A_838 = arith.constant 0 : i32
    %dma_start3A_839 = tpu.memref_slice %arg3[%add3A_824, %dma_start3A_838] : memref<16000x400xi32, #tpu.memory_space<hbm>> -> memref<1x400xi32, #tpu.memory_space<hbm>>
    %dma_start3A_840 = tpu.memref_squeeze %dma_start3A_839 : memref<1x400xi32, #tpu.memory_space<hbm>> -> memref<400xi32, #tpu.memory_space<hbm>>
    tpu.enqueue_dma source(%dma_start3A_840 : memref<400xi32, #tpu.memory_space<hbm>>) target(%dma_start3A_837 : memref<400xi32, #tpu.memory_space<vmem>>) target_semaphore(%dma_start3A_834 : memref<!tpu.dma_semaphore, #tpu.memory_space<semaphore_mem>>)
    %add3A_841 = arith.constant 499 : i32
    %add3A_842 = arith.addi %mul3A_4, %add3A_841 : i32
    %dma_start3A_843 = arith.constant 3 : i32
    %dma_start3A_844 = arith.constant 3 : i32
    %dma_start3A_845 = arith.constant 0 : i32
    %dma_start3A_846 = tpu.memref_slice %arg8[%dma_start3A_843, %dma_start3A_845] : memref<4x400xi32, #tpu.memory_space<vmem>> -> memref<1x400xi32, #tpu.memory_space<vmem>>
    %dma_start3A_847 = tpu.memref_squeeze %dma_start3A_846 : memref<1x400xi32, #tpu.memory_space<vmem>> -> memref<400xi32, #tpu.memory_space<vmem>>
    %dma_start3A_848 = arith.constant 0 : i32
    %dma_start3A_849 = tpu.memref_slice %arg4[%add3A_842, %dma_start3A_848] : memref<16000x400xi32, #tpu.memory_space<hbm>> -> memref<1x400xi32, #tpu.memory_space<hbm>>
    %dma_start3A_850 = tpu.memref_squeeze %dma_start3A_849 : memref<1x400xi32, #tpu.memory_space<hbm>> -> memref<400xi32, #tpu.memory_space<hbm>>
    %dma_start3A_851 = tpu.memref_slice %arg11[%dma_start3A_844] : memref<4x!tpu.dma_semaphore, #tpu.memory_space<semaphore_mem>> -> memref<1x!tpu.dma_semaphore, #tpu.memory_space<semaphore_mem>>
    %dma_start3A_852 = tpu.memref_squeeze %dma_start3A_851 : memref<1x!tpu.dma_semaphore, #tpu.memory_space<semaphore_mem>> -> memref<!tpu.dma_semaphore, #tpu.memory_space<semaphore_mem>>
    %dma_start3A_853 = arith.constant 0 : i32
    %dma_start3A_854 = tpu.memref_slice %arg8[%dma_start3A_843, %dma_start3A_853] : memref<4x400xi32, #tpu.memory_space<vmem>> -> memref<1x400xi32, #tpu.memory_space<vmem>>
    %dma_start3A_855 = tpu.memref_squeeze %dma_start3A_854 : memref<1x400xi32, #tpu.memory_space<vmem>> -> memref<400xi32, #tpu.memory_space<vmem>>
    %dma_start3A_856 = arith.constant 0 : i32
    %dma_start3A_857 = tpu.memref_slice %arg4[%add3A_842, %dma_start3A_856] : memref<16000x400xi32, #tpu.memory_space<hbm>> -> memref<1x400xi32, #tpu.memory_space<hbm>>
    %dma_start3A_858 = tpu.memref_squeeze %dma_start3A_857 : memref<1x400xi32, #tpu.memory_space<hbm>> -> memref<400xi32, #tpu.memory_space<hbm>>
    tpu.enqueue_dma source(%dma_start3A_858 : memref<400xi32, #tpu.memory_space<hbm>>) target(%dma_start3A_855 : memref<400xi32, #tpu.memory_space<vmem>>) target_semaphore(%dma_start3A_852 : memref<!tpu.dma_semaphore, #tpu.memory_space<semaphore_mem>>)
    %dma_wait3A_859 = arith.constant 0 : i32
    %dma_wait3A_860 = arith.constant 2 : i32
    %dma_wait3A_861 = arith.constant 2 : i32
    %dma_wait3A_862 = arith.constant 0 : i32
    %dma_wait3A_863 = tpu.memref_slice %arg7[%dma_wait3A_860, %dma_wait3A_862] : memref<4x400xi32, #tpu.memory_space<vmem>> -> memref<1x400xi32, #tpu.memory_space<vmem>>
    %dma_wait3A_864 = tpu.memref_squeeze %dma_wait3A_863 : memref<1x400xi32, #tpu.memory_space<vmem>> -> memref<400xi32, #tpu.memory_space<vmem>>
    %dma_wait3A_865 = arith.constant 0 : i32
    %dma_wait3A_866 = tpu.memref_slice %arg3[%dma_wait3A_859, %dma_wait3A_865] : memref<16000x400xi32, #tpu.memory_space<hbm>> -> memref<1x400xi32, #tpu.memory_space<hbm>>
    %dma_wait3A_867 = tpu.memref_squeeze %dma_wait3A_866 : memref<1x400xi32, #tpu.memory_space<hbm>> -> memref<400xi32, #tpu.memory_space<hbm>>
    %dma_wait3A_868 = tpu.memref_slice %arg11[%dma_wait3A_861] : memref<4x!tpu.dma_semaphore, #tpu.memory_space<semaphore_mem>> -> memref<1x!tpu.dma_semaphore, #tpu.memory_space<semaphore_mem>>
    %dma_wait3A_869 = tpu.memref_squeeze %dma_wait3A_868 : memref<1x!tpu.dma_semaphore, #tpu.memory_space<semaphore_mem>> -> memref<!tpu.dma_semaphore, #tpu.memory_space<semaphore_mem>>
    %dma_wait3A_870 = arith.constant 0 : i32
    %dma_wait3A_871 = tpu.memref_slice %arg7[%dma_wait3A_860, %dma_wait3A_870] : memref<4x400xi32, #tpu.memory_space<vmem>> -> memref<1x400xi32, #tpu.memory_space<vmem>>
    %dma_wait3A_872 = tpu.memref_squeeze %dma_wait3A_871 : memref<1x400xi32, #tpu.memory_space<vmem>> -> memref<400xi32, #tpu.memory_space<vmem>>
    %dma_wait3A_873 = arith.constant 0 : i32
    %dma_wait3A_874 = tpu.memref_slice %arg3[%dma_wait3A_859, %dma_wait3A_873] : memref<16000x400xi32, #tpu.memory_space<hbm>> -> memref<1x400xi32, #tpu.memory_space<hbm>>
    %dma_wait3A_875 = tpu.memref_squeeze %dma_wait3A_874 : memref<1x400xi32, #tpu.memory_space<hbm>> -> memref<400xi32, #tpu.memory_space<hbm>>
    tpu.wait_dma2 semaphore(%dma_wait3A_869 : memref<!tpu.dma_semaphore, #tpu.memory_space<semaphore_mem>>) src(%dma_wait3A_875 : memref<400xi32, #tpu.memory_space<hbm>>) dst(%dma_wait3A_872 : memref<400xi32, #tpu.memory_space<vmem>>)
    %dma_wait3A_876 = arith.constant 0 : i32
    %dma_wait3A_877 = arith.constant 2 : i32
    %dma_wait3A_878 = arith.constant 2 : i32
    %dma_wait3A_879 = arith.constant 0 : i32
    %dma_wait3A_880 = tpu.memref_slice %arg8[%dma_wait3A_877, %dma_wait3A_879] : memref<4x400xi32, #tpu.memory_space<vmem>> -> memref<1x400xi32, #tpu.memory_space<vmem>>
    %dma_wait3A_881 = tpu.memref_squeeze %dma_wait3A_880 : memref<1x400xi32, #tpu.memory_space<vmem>> -> memref<400xi32, #tpu.memory_space<vmem>>
    %dma_wait3A_882 = arith.constant 0 : i32
    %dma_wait3A_883 = tpu.memref_slice %arg3[%dma_wait3A_876, %dma_wait3A_882] : memref<16000x400xi32, #tpu.memory_space<hbm>> -> memref<1x400xi32, #tpu.memory_space<hbm>>
    %dma_wait3A_884 = tpu.memref_squeeze %dma_wait3A_883 : memref<1x400xi32, #tpu.memory_space<hbm>> -> memref<400xi32, #tpu.memory_space<hbm>>
    %dma_wait3A_885 = tpu.memref_slice %arg11[%dma_wait3A_878] : memref<4x!tpu.dma_semaphore, #tpu.memory_space<semaphore_mem>> -> memref<1x!tpu.dma_semaphore, #tpu.memory_space<semaphore_mem>>
    %dma_wait3A_886 = tpu.memref_squeeze %dma_wait3A_885 : memref<1x!tpu.dma_semaphore, #tpu.memory_space<semaphore_mem>> -> memref<!tpu.dma_semaphore, #tpu.memory_space<semaphore_mem>>
    %dma_wait3A_887 = arith.constant 0 : i32
    %dma_wait3A_888 = tpu.memref_slice %arg8[%dma_wait3A_877, %dma_wait3A_887] : memref<4x400xi32, #tpu.memory_space<vmem>> -> memref<1x400xi32, #tpu.memory_space<vmem>>
    %dma_wait3A_889 = tpu.memref_squeeze %dma_wait3A_888 : memref<1x400xi32, #tpu.memory_space<vmem>> -> memref<400xi32, #tpu.memory_space<vmem>>
    %dma_wait3A_890 = arith.constant 0 : i32
    %dma_wait3A_891 = tpu.memref_slice %arg3[%dma_wait3A_876, %dma_wait3A_890] : memref<16000x400xi32, #tpu.memory_space<hbm>> -> memref<1x400xi32, #tpu.memory_space<hbm>>
    %dma_wait3A_892 = tpu.memref_squeeze %dma_wait3A_891 : memref<1x400xi32, #tpu.memory_space<hbm>> -> memref<400xi32, #tpu.memory_space<hbm>>
    tpu.wait_dma2 semaphore(%dma_wait3A_886 : memref<!tpu.dma_semaphore, #tpu.memory_space<semaphore_mem>>) src(%dma_wait3A_892 : memref<400xi32, #tpu.memory_space<hbm>>) dst(%dma_wait3A_889 : memref<400xi32, #tpu.memory_space<vmem>>)
    %dma_start3A_893 = arith.constant 2 : i32
    %dma_start3A_894 = arith.constant 2 : i32
    %dma_start3A_895 = arith.constant 2 : i32
    %dma_start3A_896 = arith.constant 0 : i32
    %dma_start3A_897 = arith.constant 0 : i32
    %dma_start3A_898 = tpu.memref_slice %arg9[%dma_start3A_894, %dma_start3A_896, %dma_start3A_897] : memref<4x400x16xf32, #tpu.memory_space<vmem>> -> memref<1x400x16xf32, #tpu.memory_space<vmem>>
    %dma_start3A_899 = tpu.memref_squeeze %dma_start3A_898 : memref<1x400x16xf32, #tpu.memory_space<vmem>> -> memref<400x16xf32, #tpu.memory_space<vmem>>
    %dma_start3A_900 = arith.constant 0 : i32
    %dma_start3A_901 = tpu.memref_slice %arg7[%dma_start3A_893, %dma_start3A_900] : memref<4x400xi32, #tpu.memory_space<vmem>> -> memref<1x400xi32, #tpu.memory_space<vmem>>
    %dma_start3A_902 = tpu.memref_squeeze %dma_start3A_901 : memref<1x400xi32, #tpu.memory_space<vmem>> -> memref<400xi32, #tpu.memory_space<vmem>>
    %dma_start3A_903 = arith.constant 0 : i32
    %dma_start3A_904 = arith.constant 0 : i32
    %dma_start3A_905 = tpu.memref_slice %arg2[%dma_start3A_903, %dma_start3A_904] : memref<100000x16xf32, #tpu.memory_space<hbm>> -> memref<100000x16xf32, #tpu.memory_space<hbm>>
    %dma_start3A_906 = tpu.memref_slice %arg12[%dma_start3A_895] : memref<4x!tpu.dma_semaphore, #tpu.memory_space<semaphore_mem>> -> memref<1x!tpu.dma_semaphore, #tpu.memory_space<semaphore_mem>>
    %dma_start3A_907 = tpu.memref_squeeze %dma_start3A_906 : memref<1x!tpu.dma_semaphore, #tpu.memory_space<semaphore_mem>> -> memref<!tpu.dma_semaphore, #tpu.memory_space<semaphore_mem>>
    tpu.enqueue_indirect_dma source(%dma_start3A_905 : memref<100000x16xf32, #tpu.memory_space<hbm>>) target(%dma_start3A_899 : memref<400x16xf32, #tpu.memory_space<vmem>>) offsets(%dma_start3A_902 : memref<400xi32, #tpu.memory_space<vmem>>) semaphore(%dma_start3A_907 : memref<!tpu.dma_semaphore, #tpu.memory_space<semaphore_mem>>)
    %dma_wait3A_908 = arith.constant 2 : i32
    %dma_wait3A_909 = arith.constant 2 : i32
    %dma_wait3A_910 = arith.constant 0 : i32
    %dma_wait3A_911 = arith.constant 0 : i32
    %dma_wait3A_912 = tpu.memref_slice %arg9[%dma_wait3A_908, %dma_wait3A_910, %dma_wait3A_911] : memref<4x400x16xf32, #tpu.memory_space<vmem>> -> memref<1x400x16xf32, #tpu.memory_space<vmem>>
    %dma_wait3A_913 = tpu.memref_squeeze %dma_wait3A_912 : memref<1x400x16xf32, #tpu.memory_space<vmem>> -> memref<400x16xf32, #tpu.memory_space<vmem>>
    %dma_wait3A_914 = arith.constant 0 : i32
    %dma_wait3A_915 = arith.constant 0 : i32
    %dma_wait3A_916 = tpu.memref_slice %arg2[%dma_wait3A_914, %dma_wait3A_915] : memref<100000x16xf32, #tpu.memory_space<hbm>> -> memref<400x16xf32, #tpu.memory_space<hbm>>
    %dma_wait3A_917 = tpu.memref_slice %arg12[%dma_wait3A_909] : memref<4x!tpu.dma_semaphore, #tpu.memory_space<semaphore_mem>> -> memref<1x!tpu.dma_semaphore, #tpu.memory_space<semaphore_mem>>
    %dma_wait3A_918 = tpu.memref_squeeze %dma_wait3A_917 : memref<1x!tpu.dma_semaphore, #tpu.memory_space<semaphore_mem>> -> memref<!tpu.dma_semaphore, #tpu.memory_space<semaphore_mem>>
    %dma_wait3A_919 = arith.constant 0 : i32
    %dma_wait3A_920 = arith.constant 0 : i32
    %dma_wait3A_921 = tpu.memref_slice %arg9[%dma_wait3A_908, %dma_wait3A_919, %dma_wait3A_920] : memref<4x400x16xf32, #tpu.memory_space<vmem>> -> memref<1x400x16xf32, #tpu.memory_space<vmem>>
    %dma_wait3A_922 = tpu.memref_squeeze %dma_wait3A_921 : memref<1x400x16xf32, #tpu.memory_space<vmem>> -> memref<400x16xf32, #tpu.memory_space<vmem>>
    %dma_wait3A_923 = arith.constant 0 : i32
    %dma_wait3A_924 = arith.constant 0 : i32
    %dma_wait3A_925 = tpu.memref_slice %arg2[%dma_wait3A_923, %dma_wait3A_924] : memref<100000x16xf32, #tpu.memory_space<hbm>> -> memref<400x16xf32, #tpu.memory_space<hbm>>
    tpu.wait_dma2 semaphore(%dma_wait3A_918 : memref<!tpu.dma_semaphore, #tpu.memory_space<semaphore_mem>>) src(%dma_wait3A_925 : memref<400x16xf32, #tpu.memory_space<hbm>>) dst(%dma_wait3A_922 : memref<400x16xf32, #tpu.memory_space<vmem>>)
    %dma_start3A_926 = arith.constant 2 : i32
    %dma_start3A_927 = arith.constant 2 : i32
    %dma_start3A_928 = arith.constant 2 : i32
    %dma_start3A_929 = arith.constant 0 : i32
    %dma_start3A_930 = arith.constant 0 : i32
    %dma_start3A_931 = tpu.memref_slice %arg9[%dma_start3A_926, %dma_start3A_929, %dma_start3A_930] : memref<4x400x16xf32, #tpu.memory_space<vmem>> -> memref<1x400x16xf32, #tpu.memory_space<vmem>>
    %dma_start3A_932 = tpu.memref_squeeze %dma_start3A_931 : memref<1x400x16xf32, #tpu.memory_space<vmem>> -> memref<400x16xf32, #tpu.memory_space<vmem>>
    %dma_start3A_933 = arith.constant 0 : i32
    %dma_start3A_934 = tpu.memref_slice %arg8[%dma_start3A_927, %dma_start3A_933] : memref<4x400xi32, #tpu.memory_space<vmem>> -> memref<1x400xi32, #tpu.memory_space<vmem>>
    %dma_start3A_935 = tpu.memref_squeeze %dma_start3A_934 : memref<1x400xi32, #tpu.memory_space<vmem>> -> memref<400xi32, #tpu.memory_space<vmem>>
    %dma_start3A_936 = arith.constant 0 : i32
    %dma_start3A_937 = arith.constant 0 : i32
    %dma_start3A_938 = tpu.memref_slice %arg10[%dma_start3A_936, %dma_start3A_937] : memref<100096x16xf32, #tpu.memory_space<vmem_shared>> -> memref<100096x16xf32, #tpu.memory_space<vmem_shared>>
    %dma_start3A_939 = tpu.memref_slice %arg13[%dma_start3A_928] : memref<4x!tpu.dma_semaphore, #tpu.memory_space<semaphore_mem>> -> memref<1x!tpu.dma_semaphore, #tpu.memory_space<semaphore_mem>>
    %dma_start3A_940 = tpu.memref_squeeze %dma_start3A_939 : memref<1x!tpu.dma_semaphore, #tpu.memory_space<semaphore_mem>> -> memref<!tpu.dma_semaphore, #tpu.memory_space<semaphore_mem>>
    tpu.enqueue_indirect_dma source(%dma_start3A_932 : memref<400x16xf32, #tpu.memory_space<vmem>>) target(%dma_start3A_938 : memref<100096x16xf32, #tpu.memory_space<vmem_shared>>) offsets(%dma_start3A_935 : memref<400xi32, #tpu.memory_space<vmem>>) semaphore(%dma_start3A_940 : memref<!tpu.dma_semaphore, #tpu.memory_space<semaphore_mem>>) {add = true}
    %dma_wait3A_941 = arith.constant 0 : i32
    %dma_wait3A_942 = arith.constant 0 : i32
    %dma_wait3A_943 = arith.constant 0 : i32
    %dma_wait3A_944 = arith.constant 0 : i32
    %dma_wait3A_945 = tpu.memref_slice %arg9[%dma_wait3A_941, %dma_wait3A_943, %dma_wait3A_944] : memref<4x400x16xf32, #tpu.memory_space<vmem>> -> memref<1x400x16xf32, #tpu.memory_space<vmem>>
    %dma_wait3A_946 = tpu.memref_squeeze %dma_wait3A_945 : memref<1x400x16xf32, #tpu.memory_space<vmem>> -> memref<400x16xf32, #tpu.memory_space<vmem>>
    %dma_wait3A_947 = arith.constant 0 : i32
    %dma_wait3A_948 = arith.constant 0 : i32
    %dma_wait3A_949 = tpu.memref_slice %arg2[%dma_wait3A_947, %dma_wait3A_948] : memref<100000x16xf32, #tpu.memory_space<hbm>> -> memref<400x16xf32, #tpu.memory_space<hbm>>
    %dma_wait3A_950 = tpu.memref_slice %arg13[%dma_wait3A_942] : memref<4x!tpu.dma_semaphore, #tpu.memory_space<semaphore_mem>> -> memref<1x!tpu.dma_semaphore, #tpu.memory_space<semaphore_mem>>
    %dma_wait3A_951 = tpu.memref_squeeze %dma_wait3A_950 : memref<1x!tpu.dma_semaphore, #tpu.memory_space<semaphore_mem>> -> memref<!tpu.dma_semaphore, #tpu.memory_space<semaphore_mem>>
    %dma_wait3A_952 = arith.constant 0 : i32
    %dma_wait3A_953 = arith.constant 0 : i32
    %dma_wait3A_954 = tpu.memref_slice %arg9[%dma_wait3A_941, %dma_wait3A_952, %dma_wait3A_953] : memref<4x400x16xf32, #tpu.memory_space<vmem>> -> memref<1x400x16xf32, #tpu.memory_space<vmem>>
    %dma_wait3A_955 = tpu.memref_squeeze %dma_wait3A_954 : memref<1x400x16xf32, #tpu.memory_space<vmem>> -> memref<400x16xf32, #tpu.memory_space<vmem>>
    %dma_wait3A_956 = arith.constant 0 : i32
    %dma_wait3A_957 = arith.constant 0 : i32
    %dma_wait3A_958 = tpu.memref_slice %arg2[%dma_wait3A_956, %dma_wait3A_957] : memref<100000x16xf32, #tpu.memory_space<hbm>> -> memref<400x16xf32, #tpu.memory_space<hbm>>
    tpu.wait_dma2 semaphore(%dma_wait3A_951 : memref<!tpu.dma_semaphore, #tpu.memory_space<semaphore_mem>>) src(%dma_wait3A_958 : memref<400x16xf32, #tpu.memory_space<hbm>>) dst(%dma_wait3A_955 : memref<400x16xf32, #tpu.memory_space<vmem>>)
    %dma_wait3A_959 = arith.constant 0 : i32
    %dma_wait3A_960 = arith.constant 3 : i32
    %dma_wait3A_961 = arith.constant 3 : i32
    %dma_wait3A_962 = arith.constant 0 : i32
    %dma_wait3A_963 = tpu.memref_slice %arg7[%dma_wait3A_960, %dma_wait3A_962] : memref<4x400xi32, #tpu.memory_space<vmem>> -> memref<1x400xi32, #tpu.memory_space<vmem>>
    %dma_wait3A_964 = tpu.memref_squeeze %dma_wait3A_963 : memref<1x400xi32, #tpu.memory_space<vmem>> -> memref<400xi32, #tpu.memory_space<vmem>>
    %dma_wait3A_965 = arith.constant 0 : i32
    %dma_wait3A_966 = tpu.memref_slice %arg3[%dma_wait3A_959, %dma_wait3A_965] : memref<16000x400xi32, #tpu.memory_space<hbm>> -> memref<1x400xi32, #tpu.memory_space<hbm>>
    %dma_wait3A_967 = tpu.memref_squeeze %dma_wait3A_966 : memref<1x400xi32, #tpu.memory_space<hbm>> -> memref<400xi32, #tpu.memory_space<hbm>>
    %dma_wait3A_968 = tpu.memref_slice %arg11[%dma_wait3A_961] : memref<4x!tpu.dma_semaphore, #tpu.memory_space<semaphore_mem>> -> memref<1x!tpu.dma_semaphore, #tpu.memory_space<semaphore_mem>>
    %dma_wait3A_969 = tpu.memref_squeeze %dma_wait3A_968 : memref<1x!tpu.dma_semaphore, #tpu.memory_space<semaphore_mem>> -> memref<!tpu.dma_semaphore, #tpu.memory_space<semaphore_mem>>
    %dma_wait3A_970 = arith.constant 0 : i32
    %dma_wait3A_971 = tpu.memref_slice %arg7[%dma_wait3A_960, %dma_wait3A_970] : memref<4x400xi32, #tpu.memory_space<vmem>> -> memref<1x400xi32, #tpu.memory_space<vmem>>
    %dma_wait3A_972 = tpu.memref_squeeze %dma_wait3A_971 : memref<1x400xi32, #tpu.memory_space<vmem>> -> memref<400xi32, #tpu.memory_space<vmem>>
    %dma_wait3A_973 = arith.constant 0 : i32
    %dma_wait3A_974 = tpu.memref_slice %arg3[%dma_wait3A_959, %dma_wait3A_973] : memref<16000x400xi32, #tpu.memory_space<hbm>> -> memref<1x400xi32, #tpu.memory_space<hbm>>
    %dma_wait3A_975 = tpu.memref_squeeze %dma_wait3A_974 : memref<1x400xi32, #tpu.memory_space<hbm>> -> memref<400xi32, #tpu.memory_space<hbm>>
    tpu.wait_dma2 semaphore(%dma_wait3A_969 : memref<!tpu.dma_semaphore, #tpu.memory_space<semaphore_mem>>) src(%dma_wait3A_975 : memref<400xi32, #tpu.memory_space<hbm>>) dst(%dma_wait3A_972 : memref<400xi32, #tpu.memory_space<vmem>>)
    %dma_wait3A_976 = arith.constant 0 : i32
    %dma_wait3A_977 = arith.constant 3 : i32
    %dma_wait3A_978 = arith.constant 3 : i32
    %dma_wait3A_979 = arith.constant 0 : i32
    %dma_wait3A_980 = tpu.memref_slice %arg8[%dma_wait3A_977, %dma_wait3A_979] : memref<4x400xi32, #tpu.memory_space<vmem>> -> memref<1x400xi32, #tpu.memory_space<vmem>>
    %dma_wait3A_981 = tpu.memref_squeeze %dma_wait3A_980 : memref<1x400xi32, #tpu.memory_space<vmem>> -> memref<400xi32, #tpu.memory_space<vmem>>
    %dma_wait3A_982 = arith.constant 0 : i32
    %dma_wait3A_983 = tpu.memref_slice %arg3[%dma_wait3A_976, %dma_wait3A_982] : memref<16000x400xi32, #tpu.memory_space<hbm>> -> memref<1x400xi32, #tpu.memory_space<hbm>>
    %dma_wait3A_984 = tpu.memref_squeeze %dma_wait3A_983 : memref<1x400xi32, #tpu.memory_space<hbm>> -> memref<400xi32, #tpu.memory_space<hbm>>
    %dma_wait3A_985 = tpu.memref_slice %arg11[%dma_wait3A_978] : memref<4x!tpu.dma_semaphore, #tpu.memory_space<semaphore_mem>> -> memref<1x!tpu.dma_semaphore, #tpu.memory_space<semaphore_mem>>
    %dma_wait3A_986 = tpu.memref_squeeze %dma_wait3A_985 : memref<1x!tpu.dma_semaphore, #tpu.memory_space<semaphore_mem>> -> memref<!tpu.dma_semaphore, #tpu.memory_space<semaphore_mem>>
    %dma_wait3A_987 = arith.constant 0 : i32
    %dma_wait3A_988 = tpu.memref_slice %arg8[%dma_wait3A_977, %dma_wait3A_987] : memref<4x400xi32, #tpu.memory_space<vmem>> -> memref<1x400xi32, #tpu.memory_space<vmem>>
    %dma_wait3A_989 = tpu.memref_squeeze %dma_wait3A_988 : memref<1x400xi32, #tpu.memory_space<vmem>> -> memref<400xi32, #tpu.memory_space<vmem>>
    %dma_wait3A_990 = arith.constant 0 : i32
    %dma_wait3A_991 = tpu.memref_slice %arg3[%dma_wait3A_976, %dma_wait3A_990] : memref<16000x400xi32, #tpu.memory_space<hbm>> -> memref<1x400xi32, #tpu.memory_space<hbm>>
    %dma_wait3A_992 = tpu.memref_squeeze %dma_wait3A_991 : memref<1x400xi32, #tpu.memory_space<hbm>> -> memref<400xi32, #tpu.memory_space<hbm>>
    tpu.wait_dma2 semaphore(%dma_wait3A_986 : memref<!tpu.dma_semaphore, #tpu.memory_space<semaphore_mem>>) src(%dma_wait3A_992 : memref<400xi32, #tpu.memory_space<hbm>>) dst(%dma_wait3A_989 : memref<400xi32, #tpu.memory_space<vmem>>)
    %dma_start3A_993 = arith.constant 3 : i32
    %dma_start3A_994 = arith.constant 3 : i32
    %dma_start3A_995 = arith.constant 3 : i32
    %dma_start3A_996 = arith.constant 0 : i32
    %dma_start3A_997 = arith.constant 0 : i32
    %dma_start3A_998 = tpu.memref_slice %arg9[%dma_start3A_994, %dma_start3A_996, %dma_start3A_997] : memref<4x400x16xf32, #tpu.memory_space<vmem>> -> memref<1x400x16xf32, #tpu.memory_space<vmem>>
    %dma_start3A_999 = tpu.memref_squeeze %dma_start3A_998 : memref<1x400x16xf32, #tpu.memory_space<vmem>> -> memref<400x16xf32, #tpu.memory_space<vmem>>
    %dma_start3A_1000 = arith.constant 0 : i32
    %dma_start3A_1001 = tpu.memref_slice %arg7[%dma_start3A_993, %dma_start3A_1000] : memref<4x400xi32, #tpu.memory_space<vmem>> -> memref<1x400xi32, #tpu.memory_space<vmem>>
    %dma_start3A_1002 = tpu.memref_squeeze %dma_start3A_1001 : memref<1x400xi32, #tpu.memory_space<vmem>> -> memref<400xi32, #tpu.memory_space<vmem>>
    %dma_start3A_1003 = arith.constant 0 : i32
    %dma_start3A_1004 = arith.constant 0 : i32
    %dma_start3A_1005 = tpu.memref_slice %arg2[%dma_start3A_1003, %dma_start3A_1004] : memref<100000x16xf32, #tpu.memory_space<hbm>> -> memref<100000x16xf32, #tpu.memory_space<hbm>>
    %dma_start3A_1006 = tpu.memref_slice %arg12[%dma_start3A_995] : memref<4x!tpu.dma_semaphore, #tpu.memory_space<semaphore_mem>> -> memref<1x!tpu.dma_semaphore, #tpu.memory_space<semaphore_mem>>
    %dma_start3A_1007 = tpu.memref_squeeze %dma_start3A_1006 : memref<1x!tpu.dma_semaphore, #tpu.memory_space<semaphore_mem>> -> memref<!tpu.dma_semaphore, #tpu.memory_space<semaphore_mem>>
    tpu.enqueue_indirect_dma source(%dma_start3A_1005 : memref<100000x16xf32, #tpu.memory_space<hbm>>) target(%dma_start3A_999 : memref<400x16xf32, #tpu.memory_space<vmem>>) offsets(%dma_start3A_1002 : memref<400xi32, #tpu.memory_space<vmem>>) semaphore(%dma_start3A_1007 : memref<!tpu.dma_semaphore, #tpu.memory_space<semaphore_mem>>)
    %dma_wait3A_1008 = arith.constant 3 : i32
    %dma_wait3A_1009 = arith.constant 3 : i32
    %dma_wait3A_1010 = arith.constant 0 : i32
    %dma_wait3A_1011 = arith.constant 0 : i32
    %dma_wait3A_1012 = tpu.memref_slice %arg9[%dma_wait3A_1008, %dma_wait3A_1010, %dma_wait3A_1011] : memref<4x400x16xf32, #tpu.memory_space<vmem>> -> memref<1x400x16xf32, #tpu.memory_space<vmem>>
    %dma_wait3A_1013 = tpu.memref_squeeze %dma_wait3A_1012 : memref<1x400x16xf32, #tpu.memory_space<vmem>> -> memref<400x16xf32, #tpu.memory_space<vmem>>
    %dma_wait3A_1014 = arith.constant 0 : i32
    %dma_wait3A_1015 = arith.constant 0 : i32
    %dma_wait3A_1016 = tpu.memref_slice %arg2[%dma_wait3A_1014, %dma_wait3A_1015] : memref<100000x16xf32, #tpu.memory_space<hbm>> -> memref<400x16xf32, #tpu.memory_space<hbm>>
    %dma_wait3A_1017 = tpu.memref_slice %arg12[%dma_wait3A_1009] : memref<4x!tpu.dma_semaphore, #tpu.memory_space<semaphore_mem>> -> memref<1x!tpu.dma_semaphore, #tpu.memory_space<semaphore_mem>>
    %dma_wait3A_1018 = tpu.memref_squeeze %dma_wait3A_1017 : memref<1x!tpu.dma_semaphore, #tpu.memory_space<semaphore_mem>> -> memref<!tpu.dma_semaphore, #tpu.memory_space<semaphore_mem>>
    %dma_wait3A_1019 = arith.constant 0 : i32
    %dma_wait3A_1020 = arith.constant 0 : i32
    %dma_wait3A_1021 = tpu.memref_slice %arg9[%dma_wait3A_1008, %dma_wait3A_1019, %dma_wait3A_1020] : memref<4x400x16xf32, #tpu.memory_space<vmem>> -> memref<1x400x16xf32, #tpu.memory_space<vmem>>
    %dma_wait3A_1022 = tpu.memref_squeeze %dma_wait3A_1021 : memref<1x400x16xf32, #tpu.memory_space<vmem>> -> memref<400x16xf32, #tpu.memory_space<vmem>>
    %dma_wait3A_1023 = arith.constant 0 : i32
    %dma_wait3A_1024 = arith.constant 0 : i32
    %dma_wait3A_1025 = tpu.memref_slice %arg2[%dma_wait3A_1023, %dma_wait3A_1024] : memref<100000x16xf32, #tpu.memory_space<hbm>> -> memref<400x16xf32, #tpu.memory_space<hbm>>
    tpu.wait_dma2 semaphore(%dma_wait3A_1018 : memref<!tpu.dma_semaphore, #tpu.memory_space<semaphore_mem>>) src(%dma_wait3A_1025 : memref<400x16xf32, #tpu.memory_space<hbm>>) dst(%dma_wait3A_1022 : memref<400x16xf32, #tpu.memory_space<vmem>>)
    %dma_start3A_1026 = arith.constant 3 : i32
    %dma_start3A_1027 = arith.constant 3 : i32
    %dma_start3A_1028 = arith.constant 3 : i32
    %dma_start3A_1029 = arith.constant 0 : i32
    %dma_start3A_1030 = arith.constant 0 : i32
    %dma_start3A_1031 = tpu.memref_slice %arg9[%dma_start3A_1026, %dma_start3A_1029, %dma_start3A_1030] : memref<4x400x16xf32, #tpu.memory_space<vmem>> -> memref<1x400x16xf32, #tpu.memory_space<vmem>>
    %dma_start3A_1032 = tpu.memref_squeeze %dma_start3A_1031 : memref<1x400x16xf32, #tpu.memory_space<vmem>> -> memref<400x16xf32, #tpu.memory_space<vmem>>
    %dma_start3A_1033 = arith.constant 0 : i32
    %dma_start3A_1034 = tpu.memref_slice %arg8[%dma_start3A_1027, %dma_start3A_1033] : memref<4x400xi32, #tpu.memory_space<vmem>> -> memref<1x400xi32, #tpu.memory_space<vmem>>
    %dma_start3A_1035 = tpu.memref_squeeze %dma_start3A_1034 : memref<1x400xi32, #tpu.memory_space<vmem>> -> memref<400xi32, #tpu.memory_space<vmem>>
    %dma_start3A_1036 = arith.constant 0 : i32
    %dma_start3A_1037 = arith.constant 0 : i32
    %dma_start3A_1038 = tpu.memref_slice %arg10[%dma_start3A_1036, %dma_start3A_1037] : memref<100096x16xf32, #tpu.memory_space<vmem_shared>> -> memref<100096x16xf32, #tpu.memory_space<vmem_shared>>
    %dma_start3A_1039 = tpu.memref_slice %arg13[%dma_start3A_1028] : memref<4x!tpu.dma_semaphore, #tpu.memory_space<semaphore_mem>> -> memref<1x!tpu.dma_semaphore, #tpu.memory_space<semaphore_mem>>
    %dma_start3A_1040 = tpu.memref_squeeze %dma_start3A_1039 : memref<1x!tpu.dma_semaphore, #tpu.memory_space<semaphore_mem>> -> memref<!tpu.dma_semaphore, #tpu.memory_space<semaphore_mem>>
    tpu.enqueue_indirect_dma source(%dma_start3A_1032 : memref<400x16xf32, #tpu.memory_space<vmem>>) target(%dma_start3A_1038 : memref<100096x16xf32, #tpu.memory_space<vmem_shared>>) offsets(%dma_start3A_1035 : memref<400xi32, #tpu.memory_space<vmem>>) semaphore(%dma_start3A_1040 : memref<!tpu.dma_semaphore, #tpu.memory_space<semaphore_mem>>) {add = true}
    %dma_wait3A_1041 = arith.constant 1 : i32
    %dma_wait3A_1042 = arith.constant 1 : i32
    %dma_wait3A_1043 = arith.constant 0 : i32
    %dma_wait3A_1044 = arith.constant 0 : i32
    %dma_wait3A_1045 = tpu.memref_slice %arg9[%dma_wait3A_1041, %dma_wait3A_1043, %dma_wait3A_1044] : memref<4x400x16xf32, #tpu.memory_space<vmem>> -> memref<1x400x16xf32, #tpu.memory_space<vmem>>
    %dma_wait3A_1046 = tpu.memref_squeeze %dma_wait3A_1045 : memref<1x400x16xf32, #tpu.memory_space<vmem>> -> memref<400x16xf32, #tpu.memory_space<vmem>>
    %dma_wait3A_1047 = arith.constant 0 : i32
    %dma_wait3A_1048 = arith.constant 0 : i32
    %dma_wait3A_1049 = tpu.memref_slice %arg2[%dma_wait3A_1047, %dma_wait3A_1048] : memref<100000x16xf32, #tpu.memory_space<hbm>> -> memref<400x16xf32, #tpu.memory_space<hbm>>
    %dma_wait3A_1050 = tpu.memref_slice %arg13[%dma_wait3A_1042] : memref<4x!tpu.dma_semaphore, #tpu.memory_space<semaphore_mem>> -> memref<1x!tpu.dma_semaphore, #tpu.memory_space<semaphore_mem>>
    %dma_wait3A_1051 = tpu.memref_squeeze %dma_wait3A_1050 : memref<1x!tpu.dma_semaphore, #tpu.memory_space<semaphore_mem>> -> memref<!tpu.dma_semaphore, #tpu.memory_space<semaphore_mem>>
    %dma_wait3A_1052 = arith.constant 0 : i32
    %dma_wait3A_1053 = arith.constant 0 : i32
    %dma_wait3A_1054 = tpu.memref_slice %arg9[%dma_wait3A_1041, %dma_wait3A_1052, %dma_wait3A_1053] : memref<4x400x16xf32, #tpu.memory_space<vmem>> -> memref<1x400x16xf32, #tpu.memory_space<vmem>>
    %dma_wait3A_1055 = tpu.memref_squeeze %dma_wait3A_1054 : memref<1x400x16xf32, #tpu.memory_space<vmem>> -> memref<400x16xf32, #tpu.memory_space<vmem>>
    %dma_wait3A_1056 = arith.constant 0 : i32
    %dma_wait3A_1057 = arith.constant 0 : i32
    %dma_wait3A_1058 = tpu.memref_slice %arg2[%dma_wait3A_1056, %dma_wait3A_1057] : memref<100000x16xf32, #tpu.memory_space<hbm>> -> memref<400x16xf32, #tpu.memory_space<hbm>>
    tpu.wait_dma2 semaphore(%dma_wait3A_1051 : memref<!tpu.dma_semaphore, #tpu.memory_space<semaphore_mem>>) src(%dma_wait3A_1058 : memref<400x16xf32, #tpu.memory_space<hbm>>) dst(%dma_wait3A_1055 : memref<400x16xf32, #tpu.memory_space<vmem>>)
    %dma_wait3A_1059 = arith.constant 2 : i32
    %dma_wait3A_1060 = arith.constant 2 : i32
    %dma_wait3A_1061 = arith.constant 0 : i32
    %dma_wait3A_1062 = arith.constant 0 : i32
    %dma_wait3A_1063 = tpu.memref_slice %arg9[%dma_wait3A_1059, %dma_wait3A_1061, %dma_wait3A_1062] : memref<4x400x16xf32, #tpu.memory_space<vmem>> -> memref<1x400x16xf32, #tpu.memory_space<vmem>>
    %dma_wait3A_1064 = tpu.memref_squeeze %dma_wait3A_1063 : memref<1x400x16xf32, #tpu.memory_space<vmem>> -> memref<400x16xf32, #tpu.memory_space<vmem>>
    %dma_wait3A_1065 = arith.constant 0 : i32
    %dma_wait3A_1066 = arith.constant 0 : i32
    %dma_wait3A_1067 = tpu.memref_slice %arg2[%dma_wait3A_1065, %dma_wait3A_1066] : memref<100000x16xf32, #tpu.memory_space<hbm>> -> memref<400x16xf32, #tpu.memory_space<hbm>>
    %dma_wait3A_1068 = tpu.memref_slice %arg13[%dma_wait3A_1060] : memref<4x!tpu.dma_semaphore, #tpu.memory_space<semaphore_mem>> -> memref<1x!tpu.dma_semaphore, #tpu.memory_space<semaphore_mem>>
    %dma_wait3A_1069 = tpu.memref_squeeze %dma_wait3A_1068 : memref<1x!tpu.dma_semaphore, #tpu.memory_space<semaphore_mem>> -> memref<!tpu.dma_semaphore, #tpu.memory_space<semaphore_mem>>
    %dma_wait3A_1070 = arith.constant 0 : i32
    %dma_wait3A_1071 = arith.constant 0 : i32
    %dma_wait3A_1072 = tpu.memref_slice %arg9[%dma_wait3A_1059, %dma_wait3A_1070, %dma_wait3A_1071] : memref<4x400x16xf32, #tpu.memory_space<vmem>> -> memref<1x400x16xf32, #tpu.memory_space<vmem>>
    %dma_wait3A_1073 = tpu.memref_squeeze %dma_wait3A_1072 : memref<1x400x16xf32, #tpu.memory_space<vmem>> -> memref<400x16xf32, #tpu.memory_space<vmem>>
    %dma_wait3A_1074 = arith.constant 0 : i32
    %dma_wait3A_1075 = arith.constant 0 : i32
    %dma_wait3A_1076 = tpu.memref_slice %arg2[%dma_wait3A_1074, %dma_wait3A_1075] : memref<100000x16xf32, #tpu.memory_space<hbm>> -> memref<400x16xf32, #tpu.memory_space<hbm>>
    tpu.wait_dma2 semaphore(%dma_wait3A_1069 : memref<!tpu.dma_semaphore, #tpu.memory_space<semaphore_mem>>) src(%dma_wait3A_1076 : memref<400x16xf32, #tpu.memory_space<hbm>>) dst(%dma_wait3A_1073 : memref<400x16xf32, #tpu.memory_space<vmem>>)
    %dma_wait3A_1077 = arith.constant 3 : i32
    %dma_wait3A_1078 = arith.constant 3 : i32
    %dma_wait3A_1079 = arith.constant 0 : i32
    %dma_wait3A_1080 = arith.constant 0 : i32
    %dma_wait3A_1081 = tpu.memref_slice %arg9[%dma_wait3A_1077, %dma_wait3A_1079, %dma_wait3A_1080] : memref<4x400x16xf32, #tpu.memory_space<vmem>> -> memref<1x400x16xf32, #tpu.memory_space<vmem>>
    %dma_wait3A_1082 = tpu.memref_squeeze %dma_wait3A_1081 : memref<1x400x16xf32, #tpu.memory_space<vmem>> -> memref<400x16xf32, #tpu.memory_space<vmem>>
    %dma_wait3A_1083 = arith.constant 0 : i32
    %dma_wait3A_1084 = arith.constant 0 : i32
    %dma_wait3A_1085 = tpu.memref_slice %arg2[%dma_wait3A_1083, %dma_wait3A_1084] : memref<100000x16xf32, #tpu.memory_space<hbm>> -> memref<400x16xf32, #tpu.memory_space<hbm>>
    %dma_wait3A_1086 = tpu.memref_slice %arg13[%dma_wait3A_1078] : memref<4x!tpu.dma_semaphore, #tpu.memory_space<semaphore_mem>> -> memref<1x!tpu.dma_semaphore, #tpu.memory_space<semaphore_mem>>
    %dma_wait3A_1087 = tpu.memref_squeeze %dma_wait3A_1086 : memref<1x!tpu.dma_semaphore, #tpu.memory_space<semaphore_mem>> -> memref<!tpu.dma_semaphore, #tpu.memory_space<semaphore_mem>>
    %dma_wait3A_1088 = arith.constant 0 : i32
    %dma_wait3A_1089 = arith.constant 0 : i32
    %dma_wait3A_1090 = tpu.memref_slice %arg9[%dma_wait3A_1077, %dma_wait3A_1088, %dma_wait3A_1089] : memref<4x400x16xf32, #tpu.memory_space<vmem>> -> memref<1x400x16xf32, #tpu.memory_space<vmem>>
    %dma_wait3A_1091 = tpu.memref_squeeze %dma_wait3A_1090 : memref<1x400x16xf32, #tpu.memory_space<vmem>> -> memref<400x16xf32, #tpu.memory_space<vmem>>
    %dma_wait3A_1092 = arith.constant 0 : i32
    %dma_wait3A_1093 = arith.constant 0 : i32
    %dma_wait3A_1094 = tpu.memref_slice %arg2[%dma_wait3A_1092, %dma_wait3A_1093] : memref<100000x16xf32, #tpu.memory_space<hbm>> -> memref<400x16xf32, #tpu.memory_space<hbm>>
    tpu.wait_dma2 semaphore(%dma_wait3A_1087 : memref<!tpu.dma_semaphore, #tpu.memory_space<semaphore_mem>>) src(%dma_wait3A_1094 : memref<400x16xf32, #tpu.memory_space<hbm>>) dst(%dma_wait3A_1091 : memref<400x16xf32, #tpu.memory_space<vmem>>)
    %barrier3A_1095 = arith.constant 0 : index
    tpu.barrier barrier_id(%barrier3A_1095)
    %mul3A_1096 = arith.constant 6256 : i32
    %mul3A_1097 = arith.muli %arg1, %mul3A_1096 : i32
    %mul3A_1098 = arith.constant 6256 : i32
    %mul3A_1099 = arith.muli %arg1, %mul3A_1098 : i32
    "tpu.region"() ({
      %run_scoped3A = tpu.sem_alloc : memref<!tpu.dma_semaphore, #tpu.memory_space<semaphore_mem>>
      %dma_start3A_1100 = arith.constant 0 : i32
      %dma_start3A_1101 = tpu.memref_slice %arg6[%arg0, %mul3A_1099, %dma_start3A_1100] : memref<2x100096x16xf32, #tpu.memory_space<hbm>> -> memref<1x6256x16xf32, #tpu.memory_space<hbm>>
      %dma_start3A_1102 = tpu.memref_squeeze %dma_start3A_1101 : memref<1x6256x16xf32, #tpu.memory_space<hbm>> -> memref<6256x16xf32, #tpu.memory_space<hbm>>
      %dma_start3A_1103 = arith.constant 0 : i32
      %dma_start3A_1104 = tpu.memref_slice %arg10[%mul3A_1097, %dma_start3A_1103] : memref<100096x16xf32, #tpu.memory_space<vmem_shared>> -> memref<6256x16xf32, #tpu.memory_space<vmem_shared>>
      tpu.enqueue_dma source(%dma_start3A_1104 : memref<6256x16xf32, #tpu.memory_space<vmem_shared>>) target(%dma_start3A_1102 : memref<6256x16xf32, #tpu.memory_space<hbm>>) target_semaphore(%run_scoped3A : memref<!tpu.dma_semaphore, #tpu.memory_space<semaphore_mem>>)
      %dma_wait3A_1105 = arith.constant 0 : i32
      %dma_wait3A_1106 = tpu.memref_slice %arg6[%arg0, %mul3A_1099, %dma_wait3A_1105] : memref<2x100096x16xf32, #tpu.memory_space<hbm>> -> memref<1x6256x16xf32, #tpu.memory_space<hbm>>
      %dma_wait3A_1107 = tpu.memref_squeeze %dma_wait3A_1106 : memref<1x6256x16xf32, #tpu.memory_space<hbm>> -> memref<6256x16xf32, #tpu.memory_space<hbm>>
      %dma_wait3A_1108 = arith.constant 0 : i32
      %dma_wait3A_1109 = tpu.memref_slice %arg10[%mul3A_1097, %dma_wait3A_1108] : memref<100096x16xf32, #tpu.memory_space<vmem_shared>> -> memref<6256x16xf32, #tpu.memory_space<vmem_shared>>
      tpu.wait_dma2 semaphore(%run_scoped3A : memref<!tpu.dma_semaphore, #tpu.memory_space<semaphore_mem>>) src(%dma_wait3A_1109 : memref<6256x16xf32, #tpu.memory_space<vmem_shared>>) dst(%dma_wait3A_1107 : memref<6256x16xf32, #tpu.memory_space<hbm>>)
      tpu.yield
    }) : () -> ()
    return
  }
}

module attributes {stable_mosaic.version = 14 : i64} {
  func.func @_tc_finish_body(%arg0: i32, %arg1: memref<2x4000x16xf32, #tpu.memory_space<vmem>>, %arg2: memref<4000x10xf32, #tpu.memory_space<vmem>>, %arg3: memref<10x16xf32, #tpu.memory_space<vmem>>, %arg4: memref<10x16xf32, #tpu.memory_space<vmem>>, %arg5: memref<1x16xf32, #tpu.memory_space<vmem>>, %arg6: memref<4000x16xf32, #tpu.memory_space<vmem>>) attributes {dimension_semantics = [#tpu.dimension_semantics<arbitrary>], iteration_bounds = array<i64: 25>, scalar_prefetch = 0 : i64, scratch_operands = 0 : i64, tpu.core_type = #tpu.core_type<tc>, window_params = [{transform_indices = @transform_0, window_bounds = array<i64: 2, 4000, 16>}, {transform_indices = @transform_1, window_bounds = array<i64: 4000, 10>}, {pipeline_mode = #tpu.pipeline_mode<synchronous>, transform_indices = @transform_2, window_bounds = array<i64: 10, 16>}, {pipeline_mode = #tpu.pipeline_mode<synchronous>, transform_indices = @transform_3, window_bounds = array<i64: 10, 16>}, {pipeline_mode = #tpu.pipeline_mode<synchronous>, transform_indices = @transform_4, window_bounds = array<i64: 1, 16>}, {transform_indices = @transform_5, window_bounds = array<i64: 4000, 16>}]} {
    %get3A = arith.constant 0 : index
    %get3A_0 = arith.constant 0 : index
    %get3A_1 = arith.constant 0 : index
    %get3A_2 = vector.load %arg1[%get3A, %get3A_0, %get3A_1] : memref<2x4000x16xf32, #tpu.memory_space<vmem>>, vector<1x4000x16xf32>
    %get3A_3 = vector.shape_cast %get3A_2 : vector<1x4000x16xf32> to vector<4000x16xf32>
    %get3A_4 = arith.constant 1 : index
    %get3A_5 = arith.constant 0 : index
    %get3A_6 = arith.constant 0 : index
    %get3A_7 = vector.load %arg1[%get3A_4, %get3A_5, %get3A_6] : memref<2x4000x16xf32, #tpu.memory_space<vmem>>, vector<1x4000x16xf32>
    %get3A_8 = vector.shape_cast %get3A_7 : vector<1x4000x16xf32> to vector<4000x16xf32>
    %add3A = arith.addf %get3A_3, %get3A_8 : vector<4000x16xf32>
    %slice3A = vector.extract_strided_slice %add3A {offsets = [0, 10], sizes = [4000, 1], strides = [1, 1]} : vector<4000x16xf32> to vector<4000x1xf32>
    %max3A = arith.constant 1.000000e+00 : f32
    %max3A_9 = vector.broadcast %max3A : f32 to vector<4000x1xf32>
    %max3A_10 = arith.maximumf %slice3A, %max3A_9 : vector<4000x1xf32>
    %slice3A_11 = vector.extract_strided_slice %add3A {offsets = [0, 0], sizes = [4000, 10], strides = [1, 1]} : vector<4000x16xf32> to vector<4000x10xf32>
    %div3A = vector.broadcast %max3A_10 : vector<4000x1xf32> to vector<4000x10xf32>
    %div3A_12 = arith.divf %slice3A_11, %div3A : vector<4000x10xf32>
    %get3A_13 = arith.constant 0 : index
    %get3A_14 = arith.constant 0 : index
    %get3A_15 = vector.load %arg3[%get3A_13, %get3A_14] : memref<10x16xf32, #tpu.memory_space<vmem>>, vector<10x16xf32>
    %dot_general3A = arith.constant dense<0.000000e+00> : vector<4000x16xf32>
    %dot_general3A_16 = tpu.matmul %div3A_12, %get3A_15, %dot_general3A {dimension_numbers = #tpu.dot_dimension_numbers<[1], [0], [0], [1], [0, 0, 1, 1], [], []>, transpose_lhs_hint = false} : vector<4000x10xf32>, vector<10x16xf32>, vector<4000x16xf32> -> vector<4000x16xf32>
    %get3A_17 = arith.constant 0 : index
    %get3A_18 = arith.constant 0 : index
    %get3A_19 = vector.load %arg5[%get3A_17, %get3A_18] : memref<1x16xf32, #tpu.memory_space<vmem>>, vector<1x16xf32>
    %add3A_20 = vector.broadcast %get3A_19 : vector<1x16xf32> to vector<4000x16xf32>
    %add3A_21 = arith.addf %dot_general3A_16, %add3A_20 : vector<4000x16xf32>
    %get3A_22 = arith.constant 0 : index
    %get3A_23 = arith.constant 0 : index
    %get3A_24 = vector.load %arg2[%get3A_22, %get3A_23] : memref<4000x10xf32, #tpu.memory_space<vmem>>, vector<4000x10xf32>
    %get3A_25 = arith.constant 0 : index
    %get3A_26 = arith.constant 0 : index
    %get3A_27 = vector.load %arg4[%get3A_25, %get3A_26] : memref<10x16xf32, #tpu.memory_space<vmem>>, vector<10x16xf32>
    %dot_general3A_28 = arith.constant dense<0.000000e+00> : vector<4000x16xf32>
    %dot_general3A_29 = tpu.matmul %get3A_24, %get3A_27, %dot_general3A_28 {dimension_numbers = #tpu.dot_dimension_numbers<[1], [0], [0], [1], [0, 0, 1, 1], [], []>, transpose_lhs_hint = false} : vector<4000x10xf32>, vector<10x16xf32>, vector<4000x16xf32> -> vector<4000x16xf32>
    %add3A_30 = arith.addf %add3A_21, %dot_general3A_29 : vector<4000x16xf32>
    %swap3A = arith.constant 0 : index
    %swap3A_31 = arith.constant 0 : index
    %swap3A_32 = vector.load %arg6[%swap3A, %swap3A_31] : memref<4000x16xf32, #tpu.memory_space<vmem>>, vector<4000x16xf32>
    tpu.vector_store %arg6[%swap3A, %swap3A_31], %add3A_30 {strides = array<i32>} : memref<4000x16xf32, #tpu.memory_space<vmem>>, vector<4000x16xf32>,
    return
  }
  func.func @transform_0(%arg0: i32) -> (i32, i32, i32) {
    %c0_i32 = arith.constant 0 : i32
    %c0_i32_0 = arith.constant 0 : i32
    %c0_i32_1 = arith.constant 0 : i32
    return %c0_i32, %arg0, %c0_i32_0 : i32, i32, i32
  }
  func.func @transform_1(%arg0: i32) -> (i32, i32) {
    %c0_i32 = arith.constant 0 : i32
    %c0_i32_0 = arith.constant 0 : i32
    return %arg0, %c0_i32 : i32, i32
  }
  func.func @transform_2(%arg0: i32) -> (i32, i32) {
    %c0_i32 = arith.constant 0 : i32
    %c0_i32_0 = arith.constant 0 : i32
    %c0_i32_1 = arith.constant 0 : i32
    return %c0_i32, %c0_i32_0 : i32, i32
  }
  func.func @transform_3(%arg0: i32) -> (i32, i32) {
    %c0_i32 = arith.constant 0 : i32
    %c0_i32_0 = arith.constant 0 : i32
    %c0_i32_1 = arith.constant 0 : i32
    return %c0_i32, %c0_i32_0 : i32, i32
  }
  func.func @transform_4(%arg0: i32) -> (i32, i32) {
    %c0_i32 = arith.constant 0 : i32
    %c0_i32_0 = arith.constant 0 : i32
    %c0_i32_1 = arith.constant 0 : i32
    return %c0_i32, %c0_i32_0 : i32, i32
  }
  func.func @transform_5(%arg0: i32) -> (i32, i32) {
    %c0_i32 = arith.constant 0 : i32
    %c0_i32_0 = arith.constant 0 : i32
    return %arg0, %c0_i32 : i32, i32
  }
}

</mosaic_0001>

<sc_bundles>
// kernel: kernel.4.cloned.1.call-start
scs
__scs_entry_jumppad:
0x0: {  	(pc) =	sbr.rel $0x88, $3  }
0x1: {  	(tag) =	ssettag $0x0;
	lr =	simm.s32 $0x1  }
0x2: {  	[smem:$0x3F9C] =	sst lr;
	_ =	strace $0xD0000000  }
0x3: {  	_ = 	snop  }
0x4: {  	_ = 	snop  }
0x5: {  	_ = 	snop  }
0x6: {  	_ = 	snop  }
0x7: {  	_ = 	snop  }
__scs_overlays_trampoline_lowered:
0x8: {  	[smem:$0x3FAB] =	sst s0  }
0x9: {  	[smem:$0x3FAC] =	sst s1  }
0xa: {  	[smem:$0x3FAD] =	sst s2  }
0xb: {  	[smem:$0x3FAE] =	sst s3  }
0xc: {  	[smem:$0x3FAF] =	sst s4  }
0xd: {  	[smem:$0x3FB0] =	sst s5  }
0xe: {  	[smem:$0x3FB1] =	sst s6  }
0xf: {  	[smem:$0x3FB2] =	sst s7  }
0x10: {  	[smem:$0x3FB3] =	sst s8  }
0x11: {  	[smem:$0x3FB4] =	sst s9;
	s0 =	simm.s32 @!p0 $0x0  }
0x12: {  	s1 =	sld [smem:$0x3F9A];
	s0 =	simm.s32 @p0 $0x1  }
0x13: {  	[smem:$0x3FB5] =	sst s0;
	s0 =	simm.s32 @!p1 $0x0  }
0x14: {  	s2 =	sld [smem:$0x3F99];
	s0 =	simm.s32 @p1 $0x1  }
0x15: {  	[smem:$0x3FB6] =	sst s0;
	s0 =	simm.s32 @!p2 $0x0  }
0x16: {  	s3 =	sld [smem:$0x3FDB];
	s0 =	simm.s32 @p2 $0x1  }
0x17: {  	s4 =	simm.s32 $0x1BF5;
	[smem:$0x3FB8] =	sst s0  }
0x18: {  	s0 =	sld [smem:$0x3F9B];
	_ =	swait.ge [sflag:s4], $0x0  }
0x19: {  	s7 =	sld [smem:$0x3F9C]  }
0x1a: {  	s8 =	sadd.s32 $0xFFFFE003, lr  }
0x1b: {  	s9 =	sadd.s32 $0xFFFFFEF7, lr;
	s5 =	simm.s32 $0xFFFFFFFF;
	p2 =	slt.u32 s8, $0xFFFFF086  }
0x1c: {  	p1 =	slt.u32 s9, $0xF7A;
	s5 =	simm.s32 @!p2 $0x0  }
0x1d: {  	s5 =	simm.s32 @p1 $0x1;
	p0 =	seq.s32 s7, s2  }
0x1e: {  	s7 =	smul.u32 @!p0 $0xF7A, s2;
	p2 =	seq.s32 @!p0 s5, $0x0  }
0x1f: {  	s9 =	smul.u32 $0xF7A, s1;
	s8 =	simm.s32 @!p0 $0x1BF5;
	p2 =	por !p2, p0  }
0x20: {  	[sflag:s8] =	ssyncset.s32 @!p0 $0xFFFFF086;
	s6 =	sadd.s32 @!p0 s3, s7;
	s7 =	simm.s32 @!p0 $0x108  }
0x21: {  	s3 =	sadd.s32 s3, s9;
	s6 =	sadd.s32 @!p0 $0x88, s6;
	s7 =	simm.s32 @p2 $0x1082  }
0x22: {  	[simem:s7], [sflag:s8] =	dma.local @!p0 [hbm:s6], $0xF7A  }
0x23: {  	s9 =	sor.u32 $0xD0000000, s2;
	s6 =	simm.s32 $0x108;
	_ =	swait.ge @!p0 [sflag:s8], $0x0  }
0x24: {  	s3 =	sadd.s32 $0x88, s3;
	s6 =	simm.s32 @!p1 $0x1082;
	[sflag:s4] =	ssyncset.s32 $0xFFFFF086  }
0x25: {  	[simem:s6], [sflag:s4] =	dma.local [hbm:s3], $0xF7A  }
0x26: {  	[smem:$0x3F9C] =	sst s1;
	(tag) =	ssettag s2;
	_ =	strace s9  }
0x27: {  	s1 =	sld [smem:$0x3FAC]  }
0x28: {  	s2 =	sld [smem:$0x3FAD]  }
0x29: {  	s4 =	sld [smem:$0x3FAF]  }
0x2a: {  	p0 =	seq.s32 s5, $0x0;
	s5 =	sld [smem:$0x3FB0]  }
0x2b: {  	s6 =	sld [smem:$0x3FB1]  }
0x2c: {  	s7 =	sld [smem:$0x3FB2]  }
0x2d: {  	s3 =	simm.s32 $0x108;
	s8 =	sld [smem:$0x3FB3]  }
0x2e: {  	s3 =	simm.s32 @!p0 $0x1082;
	s9 =	sld [smem:$0x3FB4]  }
0x2f: {  	lr =	sadd.s32 s0, s3;
	s0 =	sld [smem:$0x3FAB]  }
0x30: {  	s3 =	sld [smem:$0x3FAE]  }
0x31: {  	[smem:$0x3FB7] =	sst s10  }
0x32: {  	s10 =	sld [smem:$0x3FB5];
	_ =	sdelay $0x3  }
0x33: {  	p0 =	seq.s32 s10, $0x1;
	s10 =	sld [smem:$0x3FB7];
	_ =	sdelay $0x3  }
0x34: {  	[smem:$0x3FB7] =	sst s10  }
0x35: {  	s10 =	sld [smem:$0x3FB6];
	_ =	sdelay $0x3  }
0x36: {  	p1 =	seq.s32 s10, $0x1;
	s10 =	sld [smem:$0x3FB7];
	_ =	sdelay $0x3  }
0x37: {  	[smem:$0x3FB7] =	sst s10  }
0x38: {  	s10 =	sld [smem:$0x3FB8]  }
0x39: {  	_ = 	snop;
	(pc) =	sbr.ind lr, $3  }
0x3a: {  	_ = 	snop  }
0x3b: {  	_ = 	snop  }
0x3c: {  	p2 =	seq.s32 s10, $0x1;
	s10 =	sld [smem:$0x3FB7]  }
0x3d: {  	_ =	shalt  }
0x3e: {  	_ =	shalt  }
0x3f: {  	_ =	shalt  }
0x40: {  	_ =	shalt  }
0x41: {  	_ =	shalt  }
0x42: {  	_ =	shalt  }
0x43: {  	_ =	shalt  }
0x44: {  	_ =	shalt  }
0x45: {  	_ =	shalt  }
0x46: {  	_ =	shalt  }
0x47: {  	_ =	shalt  }
0x48: {  	_ =	shalt  }
0x49: {  	_ =	shalt  }
0x4a: {  	_ =	shalt  }
0x4b: {  	_ =	shalt  }
0x4c: {  	_ =	shalt  }
0x4d: {  	_ =	shalt  }
0x4e: {  	_ =	shalt  }
0x4f: {  	_ =	shalt  }
0x50: {  	_ =	shalt  }
0x51: {  	_ =	shalt  }
0x52: {  	_ =	shalt  }
0x53: {  	_ =	shalt  }
0x54: {  	_ =	shalt  }
0x55: {  	_ =	shalt  }
0x56: {  	_ =	shalt  }
0x57: {  	_ =	shalt  }
0x58: {  	_ =	shalt  }
0x59: {  	_ =	shalt  }
0x5a: {  	_ =	shalt  }
0x5b: {  	_ =	shalt  }
0x5c: {  	_ =	shalt  }
0x5d: {  	_ =	shalt  }
0x5e: {  	_ =	shalt  }
0x5f: {  	_ =	shalt  }
0x60: {  	_ =	shalt  }
0x61: {  	_ =	shalt  }
0x62: {  	_ =	shalt  }
0x63: {  	_ =	shalt  }
0x64: {  	_ =	shalt  }
0x65: {  	_ =	shalt  }
0x66: {  	_ =	shalt  }
0x67: {  	_ =	shalt  }
0x68: {  	_ =	shalt  }
0x69: {  	_ =	shalt  }
0x6a: {  	_ =	shalt  }
0x6b: {  	_ =	shalt  }
0x6c: {  	_ =	shalt  }
0x6d: {  	_ =	shalt  }
0x6e: {  	_ =	shalt  }
0x6f: {  	_ =	shalt  }
0x70: {  	_ =	shalt  }
0x71: {  	_ =	shalt  }
0x72: {  	_ =	shalt  }
0x73: {  	_ =	shalt  }
0x74: {  	_ =	shalt  }
0x75: {  	_ =	shalt  }
0x76: {  	_ =	shalt  }
0x77: {  	_ =	shalt  }
0x78: {  	_ =	shalt  }
0x79: {  	_ =	shalt  }
0x7a: {  	_ =	shalt  }
0x7b: {  	_ =	shalt  }
0x7c: {  	_ =	shalt  }
0x7d: {  	_ =	shalt  }
0x7e: {  	_ =	shalt  }
0x7f: {  	_ =	shalt  }
0x80: {  	_ =	shalt  }
0x81: {  	_ =	shalt  }
0x82: {  	_ =	shalt  }
0x83: {  	_ =	shalt  }
0x84: {  	_ =	shalt  }
0x85: {  	_ =	shalt  }
0x86: {  	_ =	shalt  }
0x87: {  	_ =	shalt  }
.Lfunc_end0:
.L_simem_size_0:
called_computation_lowered:
.L_overlay_start_0:
0x88: {  	s2 =	sld [smem:$0x3FD9]  }
0x89: {  	s3 =	sld [smem:$0x3FFE];
	_ =	sdelay $0x1  }
0x8a: {  	s1 =	srdreg.scid  }
0x8b: {  	s0 =	sand.u32 $0x1, s1  }
0x8c: {  	s17 =	sshll.u32 s0, $0xA;
	s2 =	sadd.s32 s3, s2  }
0x8d: {  	s2 =	sadd.s32 s2, s17  }
0x8e: {  	[smem:$0x3FC3] =	sst s2  }
0x8f: {  	_ = 	snop  }
0x90: {  	s2 =	sld [smem:$0x3FD0];
	(tm) =	ssettm $0x1  }
0x91: {  	s18 =	sld [smem:$0x3FFB];
	_ =	sdelay $0x3  }
0x92: {  	_ =	strace s18  }
0x93: {  	s3 =	sld [smem:$0x3FFC];
	_ =	sdelay $0x3  }
0x94: {  	_ =	strace s3  }
0x95: {  	s3 =	sld [smem:$0x3FFD];
	_ =	sdelay $0x3  }
0x96: {  	_ =	strace s3  }
0x97: {  	_ =	strace $0x8FFFFFFF  }
0x98: {  	s19 =	sld [smem:$0x3FDB];
	_ =	sdelay $0x1  }
0x99: {  	s4 =	simm.s32 $_scs_section_size  }
0x9a: {  	s5 =	simm.s32 $_size__tile_overlayer_lowered;
	s6 =	simm.s32 $_tile_overlayer_lowered  }
0x9b: {  	s22 =	simm.s32 $0x1BFF;
	s21 =	sshll.u32 s6, $0x1;
	s3 =	sadd.s32 s4, s19  }
0x9c: {  	s7 =	simm.s32 $0x0;
	s20 =	sshll.u32 s5, $0x1;
	s5 =	sadd.s32 s21, s3  }
0x9d: {  	[timem:s7], [sflag:s22] =	dma.local [hbm:s5], s20  }
0x9e: {  	_ =	swait.ge [sflag:s22], s20  }
0x9f: {  	s4 =	ssub.s32 $0x0, s20;
	[sflag:s22] =	ssyncset.done $0x0  }
0xa0: {  	[sflag:s22] =	ssyncadd.s32 s4;
	_ =	sdelay $0x1  }
0xa1: {  	s23 =	simm.s32 $0x1B8B  }
0xa2: {  	_ =	swait.ge [sflag:s23], $0x1  }
0xa3: {  	[sflag:s23] =	ssyncset.done $0x0  }
0xa4: {  	s25 =	simm.s32 $0x1B8E;
	s24 =	sld [smem:$0x3FFE];
	[sflag:s23] =	ssyncadd.s32 $0xFFFFFFFF  }
0xa5: {  	s26 =	simm.s32 $execute0_lowered;
	[smem:$0x3FD2] =	sst s25  }
0xa6: {  	s5 =	sshll.u32 s26, $0x1;
	_ =	strace $0x80000046;
	[dreg:$0x1] =	wrdreg $0xFFFFFFFF  }
0xa7: {  	s28 =	simm.s32 $_size_execute0_lowered;
	s3 =	sadd.s32 s3, s5;
	[dreg:$0x0] =	wrdreg $0x0  }
0xa8: {  	s5 =	sshll.u32 s28, $0x1;
	[dreg:$0x2] =	wrdreg s3  }
0xa9: {  	[dreg:$0x3] =	wrdreg s5  }
0xaa: {  	[dreg:$0x4] =	wrdreg $0xC0  }
0xab: {  	_ =	task [dreg:s7], $0x5FFFF  }
0xac: {  	[dreg:$0x1] =	wrdreg $0xFFFFFFFF  }
0xad: {  	[dreg:$0x0] =	wrdreg $0x60  }
0xae: {  	[dreg:$0x2] =	wrdreg s2  }
0xaf: {  	[dreg:$0x3] =	wrdreg s24  }
0xb0: {  	[dreg:$0x4] =	wrdreg $0x70800  }
0xb1: {  	[dreg:$0x5] =	wrdreg $0x9  }
0xb2: {  	_ =	task.clear_ibuf [dreg:s7], $0x6FFFF;
	_ =	strace $0x90000046  }
0xb3: {  	s29 =	simm.s32 $0x9;
	_ =	strace $0x80000048  }
0xb4: {  	_ =	swait.ge [sflag:s29], $0x1  }
0xb5: {  	[sflag:s29] =	ssyncadd.s32 $0xFFFFFFFF  }
0xb6: {  	_ =	strace $0x90000048  }
0xb7: {  	_ =	sfence  }
0xb8: {  	s30 =	sld [smem:$0x0];
	_ =	sdelay $0x2  }
0xb9: {  	s31 =	sshll.u32 s1, $0xD;
	s1 =	sshrl.u32 s1, $0x2  }
0xba: {  	s3 =	sand.u32 $0x4000, s31;
	s1 =	sadd.s32 s1, s30  }
0xbb: {  	s0 =	sor.u32 s3, s0;
	s1 =	sshll.u32 s1, $0x11  }
0xbc: {  	s0 =	sor.u32 s1, s0  }
0xbd: {  	s0 =	sadd.s32 $0x8F2B, s0  }
0xbe: {  	[sflag:s0] =	ssyncadd.remote.s32 $0x1  }
0xbf: {  	_ =	sfence.sel $0xFFFF  }
0xc0: {  	[dreg:$0x0] =	wrdreg $0xFFFFFFFF;
	(pc) =	sbr.abs _section_cstart, $3  }
0xc1: {  	[dreg:$0x1] =	wrdreg $0xFFFFFFFF  }
0xc2: {  	_ =	task.clear_ibuf [dreg:s7], $0x2FFFF;
	_ =	strace $0x9FFFFFFF  }
0xc3: {  	(tm) =	ssettm $0x7FFFFFFF  }
tec
execute0_lowered:
.L_overlay_start_1:
0x0: {  	(tag) =	ssettag $0x1  }
0x1: {  	s1 =	rddreg [dreg:$0x0]  }
0x2: {  	s0 =	rddreg [dreg:$0x1]  }
0x3: {  	s3 =	srdreg.scid;
	s11 =	stileid.u32;
	s2 =	simm.s32 $0x0  }
0x4: {  	s28 =	simm.s32 $0x640;
	s3 =	sand.u32 $0x1, s3;
	s4 =	sshll.u32 s11, $0x1  }
0x5: {  	s29 =	simm.s32 $0x190;
	s15 =	smul.u32 $0xC350, s11;
	s4 =	sor.u32 s3, s4  }
0x6: {  	s30 =	simm.s32 $0x7D0;
	s31 =	simm.s32 $0x1;
	s7 =	smul.u32 $0x30D40, s4  }
0x7: {  	[smem:$0x7FF] =	sst s2;
	s5 =	sadd.s32 $0xC4A00, s0;
	s4 =	smul.u32 $0x61A8, s4  }
0x8: {  	s8 =	sadd.s32 $0x1400, s0;
	s6 =	ssub.s32 $0x2, s3;
	s10 =	smul.u32 $0x187000, s3  }
0x9: {  	s3 =	smul.u32 $0x61A8, s3;
	s7 =	sshrl.u32 s7, $0x3;
	s17 =	sadd.s32 s5, s4  }
0xa: {  	s4 =	sadd.s32 s8, s4;
	[dreg:$0x6] =	wrdreg s17;
	s18 =	sadd.s32 $0x32, s7  }
0xb: {  	s9 =	sshrl.u32 s6, $0x1;
	[dreg:$0x7] =	wrdreg s4;
	s19 =	sadd.s32 s5, s18  }
0xc: {  	s20 =	sadd.s32 $0x64, s7;
	s4 =	sadd.s32 s8, s18;
	[dreg:$0x8] =	wrdreg s19  }
0xd: {  	s22 =	sadd.s32 $0x96, s7;
	s21 =	sadd.s32 s5, s20;
	[dreg:$0x9] =	wrdreg s4  }
0xe: {  	s24 =	sadd.s32 $0xC8, s7;
	s23 =	sadd.s32 s5, s22;
	[dreg:$0xa] =	wrdreg s21  }
0xf: {  	s26 =	sadd.s32 $0xFA, s7;
	s25 =	sadd.s32 s5, s24;
	[dreg:$0xc] =	wrdreg s23  }
0x10: {  	s13 =	sadd.s32 $0x6144, s7;
	s12 =	sadd.s32 s5, s26;
	[dreg:$0xe] =	wrdreg s25  }
0x11: {  	s7 =	sadd.s32 $0x6176, s7;
	s14 =	sadd.s32 s5, s13;
	[dreg:$0x10] =	wrdreg s12  }
0x12: {  	s6 =	ssub.s32 s6, s9;
	s16 =	sadd.s32 s5, s7;
	[dreg:$0x12] =	wrdreg s14  }
0x13: {  	s9 =	simm.s32 $0xAF0;
	s17 =	sadd.s32 s8, s7;
	[dreg:$0x14] =	wrdreg s16  }
0x14: {  	s18 =	smul.u32 $0x18700, s11;
	s5 =	sadd.s32 s15, s5;
	[dreg:$0x15] =	wrdreg s17  }
0x15: {  	s7 =	simm.s32 $0x6;
	s4 =	sadd.s32 s8, s20;
	s20 =	rddreg [dreg:$0x2]  }
0x16: {  	s19 =	sadd.s32 s15, s8;
	s5 =	sadd.s32 s3, s5;
	s23 =	sshll.u32 s11, $0x6  }
0x17: {  	s11 =	simm.s32 $0x3E80;
	s12 =	simm.s32 $0x7;
	s14 =	simm.s32 $0x4  }
0x18: {  	s15 =	simm.s32 $0x5780;
	s16 =	simm.s32 $0x8;
	s17 =	simm.s32 $0xA  }
0x19: {  	[dreg:$0xb] =	wrdreg s4;
	s4 =	sadd.s32 s8, s22;
	s21 =	sadd.s32 s18, s10  }
0x1a: {  	s3 =	sadd.s32 s3, s19;
	s23 =	sor.u32 $0x1C0D, s23;
	s10 =	simm.s32 $0x3  }
0x1b: {  	s19 =	simm.s32 $0xB;
	[dreg:$0xd] =	wrdreg s4;
	s4 =	sadd.s32 s8, s24  }
0x1c: {  	s22 =	sshrl.u32 s21, $0x3;
	[dreg:$0xf] =	wrdreg s4;
	s4 =	sadd.s32 s8, s26  }
0x1d: {  	s24 =	sadd.s32 s18, s20;
	[dreg:$0x11] =	wrdreg s4;
	s4 =	sadd.s32 s8, s13  }
0x1e: {  	s18 =	simm.s32 $0xC80;
	s21 =	simm.s32 $0xC;
	[dreg:$0x13] =	wrdreg s4  }
0x1f: {  	s26 =	smax.u32 s6, $0x1;
	_ =	strace $0x80000047;
	[dreg:$0x4] =	wrdreg s5  }
0x20: {  	s6 =	simm.s32 $0x2580;
	s8 =	simm.s32 $0x4B0;
	[dreg:$0x5] =	wrdreg s3  }
0x21: {  	s13 =	simm.s32 $0x9;
	s4 =	simm.s32 $0x960;
	[dreg:$0x17] =	wrdreg s24  }
0x22: {  	s5 =	sadd.s32 s22, s0;
	s0 =	sadd.s32 $0x188000, s0;
	[dreg:$0x1a] =	wrdreg s26  }
0x23: {  	s24 =	simm.s32 $0xD;
	s3 =	simm.s32 $0x320;
	[dreg:$0x18] =	wrdreg s23  }
0x24: {  	[dreg:$0x16] =	wrdreg s0;
	s25 =	sadd.s32 $0x18B200, s5;
	s0 =	simm.s32 $0x5  }
0x25: {  	s5 =	simm.s32 $0x2;
	[dreg:$0x19] =	wrdreg s25;
	s25 =	simm.s32 $0x0  }
.LBB2_1:
0x26: {  	[dreg:$0x1b] =	wrdreg s25  }
0x27: {  	s22 =	rddreg [dreg:$0x17]  }
0x28: {  	s26 =	rddreg [dreg:$0x16];
	s22 =	sshrl.u32 s22, $0x3  }
0x29: {  	[dreg:$0x1c] =	wrdreg s22  }
0x2a: {  	[spmem:s22], [sflag:s23] =	dma.local [hbm:s26], $0x30E0  }
0x2b: {  	_ =	swait.ge [sflag:s24], $0x30E0  }
0x2c: {  	[sflag:s24] =	ssyncset.done $0x0  }
0x2d: {  	[sflag:s24] =	ssyncadd.s32 $0xFFFFCF20  }
0x2e: {  	[bflag:$0x0] =	sbarrier.arrive $0xFFFF  }
0x2f: {  	s26 =	rddreg [dreg:$0x6]  }
0x30: {  	[tilespmem:s2], [sflag:$0x1] =	stream.linear.gather [hbm4b:s26+s2], $0x190, $0x38;
	[tilespmem:$0x1F780] =	vst v63  }
0x31: {  	s23 =	rddreg [dreg:$0x7]  }
0x32: {  	[tilespmem:s28], [sflag:$0x1] =	stream.linear.gather [hbm4b:s23+s2], $0x190, $0x38;
	[tilespmem:$0x1F780] =	vst v63  }
0x33: {  	s24 =	rddreg [dreg:$0x8]  }
0x34: {  	[tilespmem:s29], [sflag:$0x2] =	stream.linear.gather [hbm4b:s24+s2], $0x190, $0x38;
	[tilespmem:$0x1F780] =	vst v63  }
0x35: {  	s25 =	rddreg [dreg:$0x9]  }
0x36: {  	[tilespmem:s30], [sflag:$0x2] =	stream.linear.gather [hbm4b:s25+s2], $0x190, $0x38;
	[tilespmem:$0x1F780] =	vst v63  }
0x37: {  	_ =	swait.ge [sflag:s31], $0x190  }
0x38: {  	[sflag:s31] =	ssyncset.done $0x0  }
0x39: {  	[sflag:s31] =	ssyncadd.s32 $0xFFFFFE70  }
0x3a: {  	_ =	swait.ge [sflag:s31], $0x190  }
0x3b: {  	[sflag:s31] =	ssyncset.done $0x0  }
0x3c: {  	[sflag:s31] =	ssyncadd.s32 $0xFFFFFE70  }
0x3d: {  	[tilespmem:s18], [sflag:$0x5] =	stream.indirect.gather [hbm4b:s1+s29], $0x10, s2, s29, $0xb8;
	[tilespmem:$0x1F780] =	vst v63  }
0x3e: {  	_ =	swait.ge [sflag:s0], $0x1900  }
0x3f: {  	[sflag:s0] =	ssyncset.done $0x0  }
0x40: {  	[sflag:s0] =	ssyncadd.s32 $0xFFFFE700  }
0x41: {  	[spmem:s20] =	stream.indirect.scatter.add.f32 [tilespmem:s18], [sflag:$0x9], $0x10, s28, s29, $0xb8;
	[tilespmem:$0x1F780] =	vst v63  }
0x42: {  	s26 =	rddreg [dreg:$0xa]  }
0x43: {  	[tilespmem:s3], [sflag:$0x3] =	stream.linear.gather [hbm4b:s26+s2], $0x190, $0x38;
	[tilespmem:$0x1F780] =	vst v63  }
0x44: {  	s23 =	rddreg [dreg:$0xb]  }
0x45: {  	[tilespmem:s4], [sflag:$0x3] =	stream.linear.gather [hbm4b:s23+s2], $0x190, $0x38;
	[tilespmem:$0x1F780] =	vst v63  }
0x46: {  	_ =	swait.ge [sflag:s5], $0x190  }
0x47: {  	[sflag:s5] =	ssyncset.done $0x0  }
0x48: {  	[sflag:s5] =	ssyncadd.s32 $0xFFFFFE70  }
0x49: {  	_ =	swait.ge [sflag:s5], $0x190  }
0x4a: {  	[sflag:s5] =	ssyncset.done $0x0  }
0x4b: {  	[sflag:s5] =	ssyncadd.s32 $0xFFFFFE70  }
0x4c: {  	[tilespmem:s6], [sflag:$0x6] =	stream.indirect.gather [hbm4b:s1+s29], $0x10, s29, s29, $0xb8;
	[tilespmem:$0x1F780] =	vst v63  }
0x4d: {  	_ =	swait.ge [sflag:s7], $0x1900  }
0x4e: {  	[sflag:s7] =	ssyncset.done $0x0  }
0x4f: {  	[sflag:s7] =	ssyncadd.s32 $0xFFFFE700  }
0x50: {  	[spmem:s20] =	stream.indirect.scatter.add.f32 [tilespmem:s6], [sflag:$0xA], $0x10, s30, s29, $0xb8;
	[tilespmem:$0x1F780] =	vst v63  }
0x51: {  	s24 =	rddreg [dreg:$0xc]  }
0x52: {  	[tilespmem:s8], [sflag:$0x4] =	stream.linear.gather [hbm4b:s24+s2], $0x190, $0x38;
	[tilespmem:$0x1F780] =	vst v63  }
0x53: {  	s25 =	rddreg [dreg:$0xd]  }
0x54: {  	[tilespmem:s9], [sflag:$0x4] =	stream.linear.gather [hbm4b:s25+s2], $0x190, $0x38;
	[tilespmem:$0x1F780] =	vst v63  }
0x55: {  	_ =	swait.ge [sflag:s10], $0x190  }
0x56: {  	[sflag:s10] =	ssyncset.done $0x0  }
0x57: {  	[sflag:s10] =	ssyncadd.s32 $0xFFFFFE70  }
0x58: {  	_ =	swait.ge [sflag:s10], $0x190  }
0x59: {  	[sflag:s10] =	ssyncset.done $0x0  }
0x5a: {  	[sflag:s10] =	ssyncadd.s32 $0xFFFFFE70  }
0x5b: {  	[tilespmem:s11], [sflag:$0x7] =	stream.indirect.gather [hbm4b:s1+s29], $0x10, s3, s29, $0xb8;
	[tilespmem:$0x1F780] =	vst v63  }
0x5c: {  	_ =	swait.ge [sflag:s12], $0x1900  }
0x5d: {  	[sflag:s12] =	ssyncset.done $0x0  }
0x5e: {  	[sflag:s12] =	ssyncadd.s32 $0xFFFFE700  }
0x5f: {  	[spmem:s20] =	stream.indirect.scatter.add.f32 [tilespmem:s11], [sflag:$0xB], $0x10, s4, s29, $0xb8;
	[tilespmem:$0x1F780] =	vst v63  }
0x60: {  	_ =	swait.ge [sflag:s13], $0x1900  }
0x61: {  	[sflag:s13] =	ssyncset.done $0x0  }
0x62: {  	s26 =	rddreg [dreg:$0xe];
	[sflag:s13] =	ssyncadd.s32 $0xFFFFE700  }
0x63: {  	[tilespmem:s2], [sflag:$0x1] =	stream.linear.gather [hbm4b:s26+s2], $0x190, $0x38;
	[tilespmem:$0x1F780] =	vst v63  }
0x64: {  	s23 =	rddreg [dreg:$0xf]  }
0x65: {  	[tilespmem:s28], [sflag:$0x1] =	stream.linear.gather [hbm4b:s23+s2], $0x190, $0x38;
	[tilespmem:$0x1F780] =	vst v63  }
0x66: {  	_ =	swait.ge [sflag:s14], $0x190  }
0x67: {  	[sflag:s14] =	ssyncset.done $0x0  }
0x68: {  	[sflag:s14] =	ssyncadd.s32 $0xFFFFFE70  }
0x69: {  	_ =	swait.ge [sflag:s14], $0x190  }
0x6a: {  	[sflag:s14] =	ssyncset.done $0x0  }
0x6b: {  	[sflag:s14] =	ssyncadd.s32 $0xFFFFFE70  }
0x6c: {  	[tilespmem:s15], [sflag:$0x8] =	stream.indirect.gather [hbm4b:s1+s29], $0x10, s8, s29, $0xb8;
	[tilespmem:$0x1F780] =	vst v63  }
0x6d: {  	_ =	swait.ge [sflag:s16], $0x1900  }
0x6e: {  	[sflag:s16] =	ssyncset.done $0x0  }
0x6f: {  	[sflag:s16] =	ssyncadd.s32 $0xFFFFE700  }
0x70: {  	[spmem:s20] =	stream.indirect.scatter.add.f32 [tilespmem:s15], [sflag:$0xC], $0x10, s9, s29, $0xb8;
	[tilespmem:$0x1F780] =	vst v63  }
0x71: {  	_ =	swait.ge [sflag:s17], $0x1900  }
0x72: {  	[sflag:s17] =	ssyncset.done $0x0  }
0x73: {  	s24 =	rddreg [dreg:$0x10];
	[sflag:s17] =	ssyncadd.s32 $0xFFFFE700  }
0x74: {  	[tilespmem:s29], [sflag:$0x2] =	stream.linear.gather [hbm4b:s24+s2], $0x190, $0x38;
	[tilespmem:$0x1F780] =	vst v63  }
0x75: {  	s25 =	rddreg [dreg:$0x11]  }
0x76: {  	[tilespmem:s30], [sflag:$0x2] =	stream.linear.gather [hbm4b:s25+s2], $0x190, $0x38;
	[tilespmem:$0x1F780] =	vst v63  }
0x77: {  	_ =	swait.ge [sflag:s31], $0x190  }
0x78: {  	[sflag:s31] =	ssyncset.done $0x0  }
0x79: {  	[sflag:s31] =	ssyncadd.s32 $0xFFFFFE70  }
0x7a: {  	_ =	swait.ge [sflag:s31], $0x190  }
0x7b: {  	[sflag:s31] =	ssyncset.done $0x0  }
0x7c: {  	[sflag:s31] =	ssyncadd.s32 $0xFFFFFE70  }
0x7d: {  	[tilespmem:s18], [sflag:$0x5] =	stream.indirect.gather [hbm4b:s1+s29], $0x10, s2, s29, $0xb8;
	[tilespmem:$0x1F780] =	vst v63  }
0x7e: {  	_ =	swait.ge [sflag:s0], $0x1900  }
0x7f: {  	[sflag:s0] =	ssyncset.done $0x0  }
0x80: {  	[sflag:s0] =	ssyncadd.s32 $0xFFFFE700  }
0x81: {  	[spmem:s20] =	stream.indirect.scatter.add.f32 [tilespmem:s18], [sflag:$0x9], $0x10, s28, s29, $0xb8;
	[tilespmem:$0x1F780] =	vst v63  }
0x82: {  	_ =	swait.ge [sflag:s19], $0x1900  }
0x83: {  	s26 =	rddreg [dreg:$0x4]  }
0x84: {  	s22 =	rddreg [dreg:$0x5];
	[sflag:s19] =	ssyncset.done $0x0;
	s23 =	sadd.s32 $0x0, s26  }
0x85: {  	[sflag:s19] =	ssyncadd.s32 $0xFFFFE700;
	s25 =	sadd.s32 $0x0, s22;
	s26 =	sadd.s32 $0x12C, s23  }
0x86: {  	[tilespmem:s3], [sflag:$0x3] =	stream.linear.gather [hbm4b:s26+s2], $0x190, $0x38;
	[tilespmem:$0x1F780] =	vst v63  }
0x87: {  	s24 =	sadd.s32 $0x12C, s25  }
0x88: {  	[tilespmem:s4], [sflag:$0x3] =	stream.linear.gather [hbm4b:s24+s2], $0x190, $0x38;
	[tilespmem:$0x1F780] =	vst v63  }
0x89: {  	_ =	swait.ge [sflag:s5], $0x190  }
0x8a: {  	[sflag:s5] =	ssyncset.done $0x0  }
0x8b: {  	[sflag:s5] =	ssyncadd.s32 $0xFFFFFE70  }
0x8c: {  	_ =	swait.ge [sflag:s5], $0x190  }
0x8d: {  	[sflag:s5] =	ssyncset.done $0x0  }
0x8e: {  	[sflag:s5] =	ssyncadd.s32 $0xFFFFFE70  }
0x8f: {  	[tilespmem:s6], [sflag:$0x6] =	stream.indirect.gather [hbm4b:s1+s29], $0x10, s29, s29, $0xb8;
	[tilespmem:$0x1F780] =	vst v63  }
0x90: {  	_ =	swait.ge [sflag:s7], $0x1900  }
0x91: {  	[sflag:s7] =	ssyncset.done $0x0  }
0x92: {  	[sflag:s7] =	ssyncadd.s32 $0xFFFFE700  }
0x93: {  	[spmem:s20] =	stream.indirect.scatter.add.f32 [tilespmem:s6], [sflag:$0xA], $0x10, s30, s29, $0xb8;
	[tilespmem:$0x1F780] =	vst v63  }
0x94: {  	_ =	swait.ge [sflag:s21], $0x1900  }
0x95: {  	[sflag:s21] =	ssyncset.done $0x0  }
0x96: {  	s22 =	sadd.s32 $0x15E, s23;
	[sflag:s21] =	ssyncadd.s32 $0xFFFFE700  }
0x97: {  	[tilespmem:s8], [sflag:$0x4] =	stream.linear.gather [hbm4b:s22+s2], $0x190, $0x38;
	[tilespmem:$0x1F780] =	vst v63  }
0x98: {  	s24 =	sadd.s32 $0x15E, s25  }
0x99: {  	[tilespmem:s9], [sflag:$0x4] =	stream.linear.gather [hbm4b:s24+s2], $0x190, $0x38;
	[tilespmem:$0x1F780] =	vst v63  }
0x9a: {  	_ =	swait.ge [sflag:s10], $0x190  }
0x9b: {  	[sflag:s10] =	ssyncset.done $0x0  }
0x9c: {  	[sflag:s10] =	ssyncadd.s32 $0xFFFFFE70  }
0x9d: {  	_ =	swait.ge [sflag:s10], $0x190  }
0x9e: {  	[sflag:s10] =	ssyncset.done $0x0  }
0x9f: {  	[sflag:s10] =	ssyncadd.s32 $0xFFFFFE70  }
0xa0: {  	[tilespmem:s11], [sflag:$0x7] =	stream.indirect.gather [hbm4b:s1+s29], $0x10, s3, s29, $0xb8;
	[tilespmem:$0x1F780] =	vst v63  }
0xa1: {  	_ =	swait.ge [sflag:s12], $0x1900  }
0xa2: {  	[sflag:s12] =	ssyncset.done $0x0  }
0xa3: {  	[sflag:s12] =	ssyncadd.s32 $0xFFFFE700  }
0xa4: {  	[spmem:s20] =	stream.indirect.scatter.add.f32 [tilespmem:s11], [sflag:$0xB], $0x10, s4, s29, $0xb8;
	[tilespmem:$0x1F780] =	vst v63  }
0xa5: {  	_ =	swait.ge [sflag:s13], $0x1900  }
0xa6: {  	[sflag:s13] =	ssyncset.done $0x0  }
0xa7: {  	s22 =	sadd.s32 $0x190, s23;
	[sflag:s13] =	ssyncadd.s32 $0xFFFFE700  }
0xa8: {  	[tilespmem:s2], [sflag:$0x1] =	stream.linear.gather [hbm4b:s22+s2], $0x190, $0x38;
	[tilespmem:$0x1F780] =	vst v63  }
0xa9: {  	s24 =	sadd.s32 $0x190, s25  }
0xaa: {  	[tilespmem:s28], [sflag:$0x1] =	stream.linear.gather [hbm4b:s24+s2], $0x190, $0x38;
	[tilespmem:$0x1F780] =	vst v63  }
0xab: {  	_ =	swait.ge [sflag:s14], $0x190  }
0xac: {  	[sflag:s14] =	ssyncset.done $0x0  }
0xad: {  	[sflag:s14] =	ssyncadd.s32 $0xFFFFFE70  }
0xae: {  	_ =	swait.ge [sflag:s14], $0x190  }
0xaf: {  	[sflag:s14] =	ssyncset.done $0x0  }
0xb0: {  	[sflag:s14] =	ssyncadd.s32 $0xFFFFFE70  }
0xb1: {  	[tilespmem:s15], [sflag:$0x8] =	stream.indirect.gather [hbm4b:s1+s29], $0x10, s8, s29, $0xb8;
	[tilespmem:$0x1F780] =	vst v63  }
0xb2: {  	_ =	swait.ge [sflag:s16], $0x1900  }
0xb3: {  	[sflag:s16] =	ssyncset.done $0x0  }
0xb4: {  	[sflag:s16] =	ssyncadd.s32 $0xFFFFE700  }
0xb5: {  	[spmem:s20] =	stream.indirect.scatter.add.f32 [tilespmem:s15], [sflag:$0xC], $0x10, s9, s29, $0xb8;
	[tilespmem:$0x1F780] =	vst v63  }
0xb6: {  	_ =	swait.ge [sflag:s17], $0x1900  }
0xb7: {  	[sflag:s17] =	ssyncset.done $0x0  }
0xb8: {  	s23 =	sadd.s32 $0x1C2, s23;
	[sflag:s17] =	ssyncadd.s32 $0xFFFFE700  }
0xb9: {  	[tilespmem:s29], [sflag:$0x2] =	stream.linear.gather [hbm4b:s23+s2], $0x190, $0x38;
	[tilespmem:$0x1F780] =	vst v63  }
0xba: {  	s26 =	sadd.s32 $0x1C2, s25  }
0xbb: {  	[tilespmem:s30], [sflag:$0x2] =	stream.linear.gather [hbm4b:s26+s2], $0x190, $0x38;
	[tilespmem:$0x1F780] =	vst v63  }
0xbc: {  	_ =	swait.ge [sflag:s31], $0x190  }
0xbd: {  	[sflag:s31] =	ssyncset.done $0x0  }
0xbe: {  	[sflag:s31] =	ssyncadd.s32 $0xFFFFFE70  }
0xbf: {  	_ =	swait.ge [sflag:s31], $0x190  }
0xc0: {  	[sflag:s31] =	ssyncset.done $0x0  }
0xc1: {  	s25 =	simm.s32 $0xC8;
	[sflag:s31] =	ssyncadd.s32 $0xFFFFFE70  }
.LBB2_2:
0xc2: {  	[tilespmem:s18], [sflag:$0x5] =	stream.indirect.gather [hbm4b:s1+s29], $0x10, s2, s29, $0xb8;
	[tilespmem:$0x1F780] =	vst v63  }
0xc3: {  	_ =	swait.ge [sflag:s0], $0x1900  }
0xc4: {  	[sflag:s0] =	ssyncset.done $0x0  }
0xc5: {  	[sflag:s0] =	ssyncadd.s32 $0xFFFFE700  }
0xc6: {  	[spmem:s20] =	stream.indirect.scatter.add.f32 [tilespmem:s18], [sflag:$0x9], $0x10, s28, s29, $0xb8;
	[tilespmem:$0x1F780] =	vst v63  }
0xc7: {  	_ =	swait.ge [sflag:s19], $0x1900  }
0xc8: {  	s26 =	smov.u32 s25;
	s23 =	rddreg [dreg:$0x4]  }
0xc9: {  	s24 =	rddreg [dreg:$0x5];
	[sflag:s19] =	ssyncset.done $0x0;
	s23 =	sadd.s32 s26, s23  }
0xca: {  	[sflag:s19] =	ssyncadd.s32 $0xFFFFE700;
	s26 =	sadd.s32 s26, s24;
	s22 =	sadd.s32 $0x12C, s23  }
0xcb: {  	[tilespmem:s3], [sflag:$0x3] =	stream.linear.gather [hbm4b:s22+s2], $0x190, $0x38;
	[tilespmem:$0x1F780] =	vst v63  }
0xcc: {  	s24 =	sadd.s32 $0x12C, s26  }
0xcd: {  	[tilespmem:s4], [sflag:$0x3] =	stream.linear.gather [hbm4b:s24+s2], $0x190, $0x38;
	[tilespmem:$0x1F780] =	vst v63  }
0xce: {  	_ =	swait.ge [sflag:s5], $0x190  }
0xcf: {  	[sflag:s5] =	ssyncset.done $0x0  }
0xd0: {  	[sflag:s5] =	ssyncadd.s32 $0xFFFFFE70  }
0xd1: {  	_ =	swait.ge [sflag:s5], $0x190  }
0xd2: {  	[sflag:s5] =	ssyncset.done $0x0  }
0xd3: {  	[sflag:s5] =	ssyncadd.s32 $0xFFFFFE70  }
0xd4: {  	[tilespmem:s6], [sflag:$0x6] =	stream.indirect.gather [hbm4b:s1+s29], $0x10, s29, s29, $0xb8;
	[tilespmem:$0x1F780] =	vst v63  }
0xd5: {  	_ =	swait.ge [sflag:s7], $0x1900  }
0xd6: {  	[sflag:s7] =	ssyncset.done $0x0  }
0xd7: {  	[sflag:s7] =	ssyncadd.s32 $0xFFFFE700  }
0xd8: {  	[spmem:s20] =	stream.indirect.scatter.add.f32 [tilespmem:s6], [sflag:$0xA], $0x10, s30, s29, $0xb8;
	[tilespmem:$0x1F780] =	vst v63  }
0xd9: {  	_ =	swait.ge [sflag:s21], $0x1900  }
0xda: {  	[sflag:s21] =	ssyncset.done $0x0  }
0xdb: {  	s24 =	sadd.s32 $0x15E, s23;
	[sflag:s21] =	ssyncadd.s32 $0xFFFFE700  }
0xdc: {  	[tilespmem:s8], [sflag:$0x4] =	stream.linear.gather [hbm4b:s24+s2], $0x190, $0x38;
	[tilespmem:$0x1F780] =	vst v63  }
0xdd: {  	s24 =	sadd.s32 $0x15E, s26  }
0xde: {  	[tilespmem:s9], [sflag:$0x4] =	stream.linear.gather [hbm4b:s24+s2], $0x190, $0x38;
	[tilespmem:$0x1F780] =	vst v63  }
0xdf: {  	_ =	swait.ge [sflag:s10], $0x190  }
0xe0: {  	[sflag:s10] =	ssyncset.done $0x0  }
0xe1: {  	[sflag:s10] =	ssyncadd.s32 $0xFFFFFE70  }
0xe2: {  	_ =	swait.ge [sflag:s10], $0x190  }
0xe3: {  	[sflag:s10] =	ssyncset.done $0x0  }
0xe4: {  	[sflag:s10] =	ssyncadd.s32 $0xFFFFFE70  }
0xe5: {  	[tilespmem:s11], [sflag:$0x7] =	stream.indirect.gather [hbm4b:s1+s29], $0x10, s3, s29, $0xb8;
	[tilespmem:$0x1F780] =	vst v63  }
0xe6: {  	_ =	swait.ge [sflag:s12], $0x1900  }
0xe7: {  	[sflag:s12] =	ssyncset.done $0x0  }
0xe8: {  	[sflag:s12] =	ssyncadd.s32 $0xFFFFE700  }
0xe9: {  	[spmem:s20] =	stream.indirect.scatter.add.f32 [tilespmem:s11], [sflag:$0xB], $0x10, s4, s29, $0xb8;
	[tilespmem:$0x1F780] =	vst v63  }
0xea: {  	_ =	swait.ge [sflag:s13], $0x1900  }
0xeb: {  	[sflag:s13] =	ssyncset.done $0x0  }
0xec: {  	s24 =	sadd.s32 $0x190, s23;
	[sflag:s13] =	ssyncadd.s32 $0xFFFFE700  }
0xed: {  	[tilespmem:s2], [sflag:$0x1] =	stream.linear.gather [hbm4b:s24+s2], $0x190, $0x38;
	[tilespmem:$0x1F780] =	vst v63  }
0xee: {  	s24 =	sadd.s32 $0x190, s26  }
0xef: {  	[tilespmem:s28], [sflag:$0x1] =	stream.linear.gather [hbm4b:s24+s2], $0x190, $0x38;
	[tilespmem:$0x1F780] =	vst v63  }
0xf0: {  	_ =	swait.ge [sflag:s14], $0x190  }
0xf1: {  	[sflag:s14] =	ssyncset.done $0x0  }
0xf2: {  	[sflag:s14] =	ssyncadd.s32 $0xFFFFFE70  }
0xf3: {  	_ =	swait.ge [sflag:s14], $0x190  }
0xf4: {  	[sflag:s14] =	ssyncset.done $0x0  }
0xf5: {  	[sflag:s14] =	ssyncadd.s32 $0xFFFFFE70  }
0xf6: {  	[tilespmem:s15], [sflag:$0x8] =	stream.indirect.gather [hbm4b:s1+s29], $0x10, s8, s29, $0xb8;
	[tilespmem:$0x1F780] =	vst v63  }
0xf7: {  	_ =	swait.ge [sflag:s16], $0x1900  }
0xf8: {  	[sflag:s16] =	ssyncset.done $0x0  }
0xf9: {  	[sflag:s16] =	ssyncadd.s32 $0xFFFFE700  }
0xfa: {  	[spmem:s20] =	stream.indirect.scatter.add.f32 [tilespmem:s15], [sflag:$0xC], $0x10, s9, s29, $0xb8;
	[tilespmem:$0x1F780] =	vst v63  }
0xfb: {  	_ =	swait.ge [sflag:s17], $0x1900  }
0xfc: {  	[sflag:s17] =	ssyncset.done $0x0  }
0xfd: {  	s24 =	sadd.s32 $0x1C2, s23;
	[sflag:s17] =	ssyncadd.s32 $0xFFFFE700  }
0xfe: {  	[tilespmem:s29], [sflag:$0x2] =	stream.linear.gather [hbm4b:s24+s2], $0x190, $0x38;
	[tilespmem:$0x1F780] =	vst v63  }
0xff: {  	s26 =	sadd.s32 $0x1C2, s26  }
0x100: {  	[tilespmem:s30], [sflag:$0x2] =	stream.linear.gather [hbm4b:s26+s2], $0x190, $0x38;
	[tilespmem:$0x1F780] =	vst v63  }
0x101: {  	p0 =	sne.s32 s25, $0x5F50;
	_ =	swait.ge [sflag:s31], $0x190  }
.Ltmp0:
0x102: {  	[sflag:s31] =	ssyncset.done $0x0;
	(pc) =	sbr.rel @p0 .LBB2_2-.Ltmp0, $4  }
0x103: {  	[sflag:s31] =	ssyncadd.s32 $0xFFFFFE70  }
0x104: {  	_ =	swait.ge [sflag:s31], $0x190  }
0x105: {  	[sflag:s31] =	ssyncset.done $0x0  }
0x106: {  	s25 =	sadd.s32 $0xC8, s25;
	[sflag:s31] =	ssyncadd.s32 $0xFFFFFE70  }
0x107: {  	[tilespmem:s18], [sflag:$0x5] =	stream.indirect.gather [hbm4b:s1+s29], $0x10, s2, s29, $0xb8;
	[tilespmem:$0x1F780] =	vst v63  }
0x108: {  	_ =	swait.ge [sflag:s0], $0x1900  }
0x109: {  	[sflag:s0] =	ssyncset.done $0x0  }
0x10a: {  	[sflag:s0] =	ssyncadd.s32 $0xFFFFE700  }
0x10b: {  	[spmem:s20] =	stream.indirect.scatter.add.f32 [tilespmem:s18], [sflag:$0x9], $0x10, s28, s29, $0xb8;
	[tilespmem:$0x1F780] =	vst v63  }
0x10c: {  	_ =	swait.ge [sflag:s19], $0x1900  }
0x10d: {  	[sflag:s19] =	ssyncset.done $0x0  }
0x10e: {  	s22 =	rddreg [dreg:$0x12];
	[sflag:s19] =	ssyncadd.s32 $0xFFFFE700  }
0x10f: {  	[tilespmem:s3], [sflag:$0x3] =	stream.linear.gather [hbm4b:s22+s2], $0x190, $0x38;
	[tilespmem:$0x1F780] =	vst v63  }
0x110: {  	s26 =	rddreg [dreg:$0x13]  }
0x111: {  	[tilespmem:s4], [sflag:$0x3] =	stream.linear.gather [hbm4b:s26+s2], $0x190, $0x38;
	[tilespmem:$0x1F780] =	vst v63  }
0x112: {  	_ =	swait.ge [sflag:s5], $0x190  }
0x113: {  	[sflag:s5] =	ssyncset.done $0x0  }
0x114: {  	[sflag:s5] =	ssyncadd.s32 $0xFFFFFE70  }
0x115: {  	_ =	swait.ge [sflag:s5], $0x190  }
0x116: {  	[sflag:s5] =	ssyncset.done $0x0  }
0x117: {  	[sflag:s5] =	ssyncadd.s32 $0xFFFFFE70  }
0x118: {  	[tilespmem:s6], [sflag:$0x6] =	stream.indirect.gather [hbm4b:s1+s29], $0x10, s29, s29, $0xb8;
	[tilespmem:$0x1F780] =	vst v63  }
0x119: {  	_ =	swait.ge [sflag:s7], $0x1900  }
0x11a: {  	[sflag:s7] =	ssyncset.done $0x0  }
0x11b: {  	[sflag:s7] =	ssyncadd.s32 $0xFFFFE700  }
0x11c: {  	[spmem:s20] =	stream.indirect.scatter.add.f32 [tilespmem:s6], [sflag:$0xA], $0x10, s30, s29, $0xb8;
	[tilespmem:$0x1F780] =	vst v63  }
0x11d: {  	_ =	swait.ge [sflag:s21], $0x1900  }
0x11e: {  	[sflag:s21] =	ssyncset.done $0x0  }
0x11f: {  	s23 =	rddreg [dreg:$0x14];
	[sflag:s21] =	ssyncadd.s32 $0xFFFFE700  }
0x120: {  	[tilespmem:s8], [sflag:$0x4] =	stream.linear.gather [hbm4b:s23+s2], $0x190, $0x38;
	[tilespmem:$0x1F780] =	vst v63  }
0x121: {  	s24 =	rddreg [dreg:$0x15]  }
0x122: {  	[tilespmem:s9], [sflag:$0x4] =	stream.linear.gather [hbm4b:s24+s2], $0x190, $0x38;
	[tilespmem:$0x1F780] =	vst v63  }
0x123: {  	_ =	swait.ge [sflag:s10], $0x190  }
0x124: {  	[sflag:s10] =	ssyncset.done $0x0  }
0x125: {  	[sflag:s10] =	ssyncadd.s32 $0xFFFFFE70  }
0x126: {  	_ =	swait.ge [sflag:s10], $0x190  }
0x127: {  	[sflag:s10] =	ssyncset.done $0x0  }
0x128: {  	[sflag:s10] =	ssyncadd.s32 $0xFFFFFE70  }
0x129: {  	[tilespmem:s11], [sflag:$0x7] =	stream.indirect.gather [hbm4b:s1+s29], $0x10, s3, s29, $0xb8;
	[tilespmem:$0x1F780] =	vst v63  }
0x12a: {  	_ =	swait.ge [sflag:s12], $0x1900  }
0x12b: {  	[sflag:s12] =	ssyncset.done $0x0  }
0x12c: {  	[sflag:s12] =	ssyncadd.s32 $0xFFFFE700  }
0x12d: {  	[spmem:s20] =	stream.indirect.scatter.add.f32 [tilespmem:s11], [sflag:$0xB], $0x10, s4, s29, $0xb8;
	[tilespmem:$0x1F780] =	vst v63  }
0x12e: {  	_ =	swait.ge [sflag:s13], $0x1900  }
0x12f: {  	[sflag:s13] =	ssyncset.done $0x0  }
0x130: {  	[sflag:s13] =	ssyncadd.s32 $0xFFFFE700  }
0x131: {  	_ =	swait.ge [sflag:s14], $0x190  }
0x132: {  	[sflag:s14] =	ssyncset.done $0x0  }
0x133: {  	[sflag:s14] =	ssyncadd.s32 $0xFFFFFE70  }
0x134: {  	_ =	swait.ge [sflag:s14], $0x190  }
0x135: {  	[sflag:s14] =	ssyncset.done $0x0  }
0x136: {  	[sflag:s14] =	ssyncadd.s32 $0xFFFFFE70  }
0x137: {  	[tilespmem:s15], [sflag:$0x8] =	stream.indirect.gather [hbm4b:s1+s29], $0x10, s8, s29, $0xb8;
	[tilespmem:$0x1F780] =	vst v63  }
0x138: {  	_ =	swait.ge [sflag:s16], $0x1900  }
0x139: {  	[sflag:s16] =	ssyncset.done $0x0  }
0x13a: {  	[sflag:s16] =	ssyncadd.s32 $0xFFFFE700  }
0x13b: {  	[spmem:s20] =	stream.indirect.scatter.add.f32 [tilespmem:s15], [sflag:$0xC], $0x10, s9, s29, $0xb8;
	[tilespmem:$0x1F780] =	vst v63  }
0x13c: {  	_ =	swait.ge [sflag:s17], $0x1900  }
0x13d: {  	[sflag:s17] =	ssyncset.done $0x0  }
0x13e: {  	[sflag:s17] =	ssyncadd.s32 $0xFFFFE700  }
0x13f: {  	_ =	swait.ge [sflag:s19], $0x1900  }
0x140: {  	[sflag:s19] =	ssyncset.done $0x0  }
0x141: {  	[sflag:s19] =	ssyncadd.s32 $0xFFFFE700  }
0x142: {  	_ =	swait.ge [sflag:s21], $0x1900  }
0x143: {  	[sflag:s21] =	ssyncset.done $0x0  }
0x144: {  	[sflag:s21] =	ssyncadd.s32 $0xFFFFE700  }
0x145: {  	[bflag:$0x0] =	sbarrier.arrive $0xFFFF  }
0x146: {  	s23 =	rddreg [dreg:$0x18]  }
0x147: {  	s25 =	rddreg [dreg:$0x19]  }
0x148: {  	s24 =	rddreg [dreg:$0x1c]  }
0x149: {  	[hbm:s25], [sflag:s23] =	dma.local [spmem:s24], $0x30E0  }
0x14a: {  	s24 =	simm.s32 $0xD  }
0x14b: {  	_ =	swait.ge [sflag:s24], $0x30E0  }
0x14c: {  	s25 =	rddreg [dreg:$0x1b]  }
0x14d: {  	s26 =	rddreg [dreg:$0x1a];
	s25 =	sadd.s32 $0x1, s25  }
0x14e: {  	p0 =	sne.s32 s25, s26  }
.Ltmp1:
0x14f: {  	_ = 	snop;
	(pc) =	sbr.rel @p0 .LBB2_1-.Ltmp1, $3  }
0x150: {  	_ =	sdelay $0x1  }
0x151: {  	[sflag:s24] =	ssyncset.done $0x0  }
0x152: {  	[sflag:s24] =	ssyncadd.s32 $0xFFFFCF20  }
0x153: {  	_ =	sfence.sel $0x180000  }
0x154: {  	[bflag:$0x0] =	sbarrier.arrive $0xFFFF  }
0x155: {  	_ =	strace $0x90000047  }
0x156: {  	s0 =	stileid.u32;
	[bflag:$0x2] =	sbarrier.arrive $0xFFFF  }
0x157: {  	p0 =	sne.s32 s0, $0x0;
	s0 =	rddreg [dreg:$0x3]  }
0x158: {  	s0 =	sadd.s32 @!p0 $0x100000, s0  }
0x159: {  	[sflag:s0] =	ssyncadd.tile.s32 @!p0 $0x1;
	_ =	shalt  }
.Lfunc_end2:
_tile_overlayer_lowered:
.L_overlay_start_2:
0x15a: {  	(tag) =	ssettag $0x2  }
0x15b: {  	s0 =	rddreg [dreg:$0x0];
	s2 =	stileid.u32  }
0x15c: {  	s1 =	rddreg [dreg:$0x1];
	p0 =	sne.s32 s2, $0x0  }
0x15d: {  	s3 =	rddreg [dreg:$0x2];
	[bflag:$0x3] =	sbarrier.arrive $0xFFFF;
	s2 =	simm.s32 @!p0 $0x1C0D  }
0x15e: {  	[timem:s3], [sflag:s2] =	dma.local @!p0 [hbm:s0], s1  }
0x15f: {  	s0 =	simm.s32 @!p0 $0xD  }
0x160: {  	_ =	swait.ge @!p0 [sflag:s0], s1  }
0x161: {  	s1 =	ssub.s32 @!p0 $0x0, s1;
	[sflag:s0] =	ssyncset.done @!p0 $0x0  }
0x162: {  	[sflag:s0] =	ssyncadd.s32 @!p0 s1  }
0x163: {  	[bflag:$0x3] =	sbarrier.arrive $0xFFFF  }
0x164: {  	_ =	shalt  }

</sc_bundles>
